<compile_context>
chip_gen: v7x
topology: tpu7x:2x2x1
jax: 0.10.2.dev20260603
libtpu: 0.0.44.dev20260713+nightly
codegen_flags: <defaults>
</compile_context>

<pallas_src>
import functools

import jax
import jax.numpy as jnp
from jax import lax
from jax.experimental import pallas as pl
from jax.experimental.pallas import tpu as pltpu
from jax.experimental.pallas import tpu_sc as plsc

NN = 10000
EE = 320000
FI = 128
DM = 20
NP = 10112
DSC = 32
EP = 327680
NW = 32
CH = 128
NCHUNK = EP // NW // CH
RPS = NP // 16

_mesh = plsc.VectorSubcoreMesh(core_axis_name="c", subcore_axis_name="s")
_f32 = jnp.float32
_sc_params = pltpu.CompilerParams(use_tc_tiling_on_sc=False)



@functools.partial(
    pl.kernel, mesh=_mesh, compiler_params=_sc_params,
    out_type=jax.ShapeDtypeStruct((2, NP, 8), _f32),
    scratch_types=[
        pltpu.VMEM((NCHUNK, CH), jnp.int32),
        pltpu.VMEM((CH, 8), _f32),
        pltpu.VMEM_SHARED((NP, 8), _f32),
    ],
)
def _sc_deg(dstm, ones_hbm, zeros_hbm, out, didx, onesv, acc):
    cid = lax.axis_index("c")
    sid = lax.axis_index("s")
    wid = sid * 2 + cid
    pltpu.sync_copy(dstm.at[wid], didx)
    pltpu.sync_copy(ones_hbm, onesv)
    pltpu.sync_copy(zeros_hbm.at[pl.ds(sid * RPS, RPS)],
                    acc.at[pl.ds(sid * RPS, RPS)])
    plsc.subcore_barrier()

    def body(j, carry):
        pltpu.sync_copy(onesv, acc.at[didx.at[j]], add=True)
        return carry

    lax.fori_loop(0, NCHUNK, body, 0)
    plsc.subcore_barrier()
    pltpu.sync_copy(acc.at[pl.ds(sid * RPS, RPS)],
                    out.at[cid, pl.ds(sid * RPS, RPS)])


@functools.partial(
    pl.kernel, mesh=_mesh, compiler_params=_sc_params,
    out_type=jax.ShapeDtypeStruct((2, NP, DSC), _f32),
    scratch_types=[
        pltpu.VMEM((NCHUNK, CH), jnp.int32),
        pltpu.VMEM((NCHUNK, CH), jnp.int32),
        pltpu.VMEM((CH, DSC), _f32),
        pltpu.VMEM((CH, DSC), _f32),
        pltpu.VMEM_SHARED((NP, DSC), _f32),
        pltpu.VMEM_SHARED((NP, DSC), _f32),
        pltpu.SemaphoreType.DMA,
        pltpu.SemaphoreType.DMA,
    ],
)
def _sc_scatter(t_hbm, srcm, dstm, zeros_hbm, out, sidx, didx, rbuf0, rbuf1,
                acc, tsp, sem0, sem1):
    cid = lax.axis_index("c")
    sid = lax.axis_index("s")
    wid = sid * 2 + cid
    pltpu.sync_copy(srcm.at[wid], sidx)
    pltpu.sync_copy(dstm.at[wid], didx)
    pltpu.sync_copy(zeros_hbm.at[pl.ds(sid * RPS, RPS)],
                    acc.at[pl.ds(sid * RPS, RPS)])
    pltpu.sync_copy(t_hbm.at[pl.ds(sid * RPS, RPS)],
                    tsp.at[pl.ds(sid * RPS, RPS)])
    plsc.subcore_barrier()

    pltpu.async_copy(tsp.at[sidx.at[0]], rbuf0, sem0)

    def body(jj, carry):
        j0 = 2 * jj
        pltpu.async_copy(tsp.at[sidx.at[j0 + 1]], rbuf1, sem1)
        pltpu.make_async_copy(tsp.at[sidx.at[j0]], rbuf0, sem0).wait()
        pltpu.sync_copy(rbuf0, acc.at[didx.at[j0]], add=True)

        @pl.when(jj < NCHUNK // 2 - 1)
        def _():
            pltpu.async_copy(tsp.at[sidx.at[j0 + 2]], rbuf0, sem0)

        pltpu.make_async_copy(tsp.at[sidx.at[j0 + 1]], rbuf1, sem1).wait()
        pltpu.sync_copy(rbuf1, acc.at[didx.at[j0 + 1]], add=True)
        return carry

    lax.fori_loop(0, NCHUNK // 2, body, 0)
    plsc.subcore_barrier()
    pltpu.sync_copy(acc.at[pl.ds(sid * RPS, RPS)],
                    out.at[cid, pl.ds(sid * RPS, RPS)])


@functools.partial(
    pl.kernel, mesh=_mesh, compiler_params=_sc_params,
    out_type=(jax.ShapeDtypeStruct((EP, DSC), _f32),
              jax.ShapeDtypeStruct((EP, DSC), _f32)),
    scratch_types=[
        pltpu.VMEM((NCHUNK, CH), jnp.int32),
        pltpu.VMEM((NCHUNK, CH), jnp.int32),
        pltpu.VMEM((CH, DSC), _f32),
        pltpu.VMEM((CH, DSC), _f32),
        pltpu.VMEM((CH, DSC), _f32),
        pltpu.VMEM((CH, DSC), _f32),
        pltpu.VMEM_SHARED((NP, DSC), _f32),
        pltpu.SemaphoreType.DMA,
        pltpu.SemaphoreType.DMA,
        pltpu.SemaphoreType.DMA,
        pltpu.SemaphoreType.DMA,
    ],
)
def _sc_edge(h_hbm, srcm, dstm, outr, outc, sidx, didx, rbuf0, rbuf1,
             cbuf0, cbuf1, hsp, sr0, sr1, sc0, sc1):
    cid = lax.axis_index("c")
    sid = lax.axis_index("s")
    wid = sid * 2 + cid
    pltpu.sync_copy(srcm.at[wid], sidx)
    pltpu.sync_copy(dstm.at[wid], didx)
    pltpu.sync_copy(h_hbm.at[pl.ds(sid * RPS, RPS)],
                    hsp.at[pl.ds(sid * RPS, RPS)])
    plsc.subcore_barrier()

    pltpu.async_copy(hsp.at[sidx.at[0]], rbuf0, sr0)
    pltpu.async_copy(hsp.at[didx.at[0]], cbuf0, sc0)

    def body(jj, carry):
        j0 = 2 * jj
        base = wid * (NCHUNK * CH) + j0 * CH
        pltpu.async_copy(hsp.at[sidx.at[j0 + 1]], rbuf1, sr1)
        pltpu.async_copy(hsp.at[didx.at[j0 + 1]], cbuf1, sc1)
        pltpu.make_async_copy(hsp.at[sidx.at[j0]], rbuf0, sr0).wait()
        pltpu.sync_copy(rbuf0, outr.at[pl.ds(base, CH)])
        pltpu.make_async_copy(hsp.at[didx.at[j0]], cbuf0, sc0).wait()
        pltpu.sync_copy(cbuf0, outc.at[pl.ds(base, CH)])

        @pl.when(jj < NCHUNK // 2 - 1)
        def _():
            pltpu.async_copy(hsp.at[sidx.at[j0 + 2]], rbuf0, sr0)
            pltpu.async_copy(hsp.at[didx.at[j0 + 2]], cbuf0, sc0)

        pltpu.make_async_copy(hsp.at[sidx.at[j0 + 1]], rbuf1, sr1).wait()
        pltpu.sync_copy(rbuf1, outr.at[pl.ds(base + CH, CH)])
        pltpu.make_async_copy(hsp.at[didx.at[j0 + 1]], cbuf1, sc1).wait()
        pltpu.sync_copy(cbuf1, outc.at[pl.ds(base + CH, CH)])
        return carry

    lax.fori_loop(0, NCHUNK // 2, body, 0)



def _dis_from(degp):
    deg = degp[0, :, 0:1] + degp[1, :, 0:1] + 1.0
    return 1.0 / jnp.sqrt(deg)


def _tc_a_body(x_ref, w0_ref, degp_ref, t0_ref):
    dis = _dis_from(degp_ref[...])
    h = jnp.dot(x_ref[...], w0_ref[...], preferred_element_type=_f32)
    t0_ref[...] = dis * h


def _tc_a(xp, w0, degp):
    return pl.pallas_call(
        _tc_a_body,
        out_shape=jax.ShapeDtypeStruct((NP, DSC), _f32),
    )(xp, w0, degp)


def _bn_relu(conv, g, be):
    mask = lax.broadcasted_iota(jnp.int32, (NP, 1), 0) < NN
    cm = jnp.where(mask, conv, 0.0)
    m = jnp.sum(cm, axis=0, keepdims=True) / NN
    d = conv - m
    v = jnp.sum(jnp.where(mask, d * d, 0.0), axis=0, keepdims=True) / NN
    return jax.nn.relu(g * d / jnp.sqrt(v + 1e-5) + be)


def _tc_mid_body(sp_ref, tprev_ref, degp_ref, b_ref, g_ref, be_ref, wn_ref,
                 out_ref):
    dis = _dis_from(degp_ref[...])
    conv = dis * (sp_ref[0] + sp_ref[1] + tprev_ref[...]) + b_ref[...]
    hbn = _bn_relu(conv, g_ref[...], be_ref[...])
    out_ref[...] = dis * jnp.dot(hbn, wn_ref[...], preferred_element_type=_f32)


def _tc_mid(sp, tprev, degp, b, g, be, wn):
    return pl.pallas_call(
        _tc_mid_body,
        out_shape=jax.ShapeDtypeStruct((NP, DSC), _f32),
    )(sp, tprev, degp, b.reshape(1, DSC), g.reshape(1, DSC),
      be.reshape(1, DSC), wn)


def _tc_last_body(sp_ref, tprev_ref, degp_ref, b_ref, g_ref, be_ref, out_ref):
    dis = _dis_from(degp_ref[...])
    conv = dis * (sp_ref[0] + sp_ref[1] + tprev_ref[...]) + b_ref[...]
    out_ref[...] = _bn_relu(conv, g_ref[...], be_ref[...])


def _tc_last(sp, tprev, degp, b, g, be):
    return pl.pallas_call(
        _tc_last_body,
        out_shape=jax.ShapeDtypeStruct((NP, DSC), _f32),
    )(sp, tprev, degp, b.reshape(1, DSC), g.reshape(1, DSC),
      be.reshape(1, DSC))


_BE = 2048

def _padr(w):
    return jnp.pad(w, ((0, DSC - DM), (0, 0)))


def _tc_mlp_body(r_ref, c_ref, wa_ref, wb_ref, bm1_ref, wm2_ref, bm2_ref,
                 o_ref):
    r = r_ref[...]
    c = c_ref[...]
    mn = jnp.minimum(r, c)
    mx = jnp.maximum(r, c)
    z = (jnp.dot(mn, wa_ref[...], preferred_element_type=_f32)
         + jnp.dot(mx, wb_ref[...], preferred_element_type=_f32)
         + bm1_ref[...])
    o_ref[...] = (jnp.dot(jax.nn.relu(z), wm2_ref[...],
                          preferred_element_type=_f32) + bm2_ref[...])


def _tc_mlp(r, c, wm1, bm1, wm2, bm2):
    grid = (EP // _BE,)
    full = lambda s: pl.BlockSpec(s, lambda i: (0, 0))
    return pl.pallas_call(
        _tc_mlp_body,
        grid=grid,
        in_specs=[
            pl.BlockSpec((_BE, DSC), lambda i: (i, 0)),
            pl.BlockSpec((_BE, DSC), lambda i: (i, 0)),
            full((DSC, 64)), full((DSC, 64)), full((1, 64)),
            full((64, 1)), full((1, 1)),
        ],
        out_specs=pl.BlockSpec((_BE, 1), lambda i: (i, 0)),
        out_shape=jax.ShapeDtypeStruct((EP, 1), _f32),
    )(r, c, _padr(wm1[:DM]), _padr(wm1[DM:]), bm1.reshape(1, 64), wm2,
      bm2.reshape(1, 1))



def kernel(x, edge_index, batch, W0, b0, g0, be0, W1, b1, g1, be1,
           W2, b2, g2, be2, Wm1, bm1, Wm2, bm2):
    src = edge_index[0]
    dst = edge_index[1]
    pad = EP - EE
    padidx = NN + (jnp.arange(pad, dtype=jnp.int32) % 16)
    srcm = jnp.concatenate([src, padidx]).reshape(NW, NCHUNK, CH)
    dstm = jnp.concatenate([dst, padidx]).reshape(NW, NCHUNK, CH)

    zeros32 = jnp.zeros((NP, DSC), _f32)
    zeros8 = jnp.zeros((NP, 8), _f32)
    ones8 = jnp.ones((CH, 8), _f32)
    xp = jnp.pad(x, ((0, NP - NN), (0, 0)))
    w0p = jnp.pad(W0, ((0, 0), (0, DSC - DM)))
    w1p = jnp.pad(W1, ((0, DSC - DM), (0, DSC - DM)))
    w2p = jnp.pad(W2, ((0, DSC - DM), (0, DSC - DM)))
    pv = lambda v: jnp.pad(v, (0, DSC - DM))

    degp = _sc_deg(dstm, ones8, zeros8)
    t0 = _tc_a(xp, w0p, degp)
    sp = _sc_scatter(t0, srcm, dstm, zeros32)
    t1 = _tc_mid(sp, t0, degp, pv(b0), pv(g0), pv(be0), w1p)
    sp = _sc_scatter(t1, srcm, dstm, zeros32)
    t2 = _tc_mid(sp, t1, degp, pv(b1), pv(g1), pv(be1), w2p)
    sp = _sc_scatter(t2, srcm, dstm, zeros32)
    h3 = _tc_last(sp, t2, degp, pv(b2), pv(g2), pv(be2))
    r, c = _sc_edge(h3, srcm, dstm)
    out = _tc_mlp(r, c, Wm1, bm1, Wm2, bm2)
    return out[:EE]

# --- scband reference (transcript-rebuilt; emitter-appended) ---
"""Pipeline reference for scband-rage-59863254171711 (READ-ONLY COPY).

The authoritative reference and input builder live on the scoring server;
editing this copy changes nothing except your own understanding.
"""

import jax, jax.numpy as jnp
import numpy as np

N = 10000
E = 320000
F_IN = 128
DIM = 20

def setup_inputs(seed: int = 0) -> dict:
    key = jax.random.key(seed)
    ks = jax.random.split(key, 20)
    x = jax.random.normal(ks[0], (N, F_IN), dtype=jnp.float32)
    edge_index = jax.random.randint(ks[1], (2, E), 0, N, dtype=jnp.int32)
    batch = jnp.zeros((N,), dtype=jnp.int32)
    # GCN layer params (3 layers: 128->20, 20->20, 20->20) + batchnorm params
    W0 = jax.random.normal(ks[2], (F_IN, DIM), dtype=jnp.float32) * 0.08
    b0 = jnp.zeros((DIM,), dtype=jnp.float32)
    g0 = jnp.ones((DIM,), dtype=jnp.float32)
    be0 = jnp.zeros((DIM,), dtype=jnp.float32)
    W1 = jax.random.normal(ks[3], (DIM, DIM), dtype=jnp.float32) * 0.2
    b1 = jnp.zeros((DIM,), dtype=jnp.float32)
    g1 = jnp.ones((DIM,), dtype=jnp.float32)
    be1 = jnp.zeros((DIM,), dtype=jnp.float32)
    W2 = jax.random.normal(ks[4], (DIM, DIM), dtype=jnp.float32) * 0.2
    b2 = jnp.zeros((DIM,), dtype=jnp.float32)
    g2 = jnp.ones((DIM,), dtype=jnp.float32)
    be2 = jnp.zeros((DIM,), dtype=jnp.float32)
    # edge_sampler MLP: Linear(2*dim, 64) -> ReLU -> Linear(64, 1)
    Wm1 = jax.random.normal(ks[5], (2 * DIM, 64), dtype=jnp.float32) * 0.15
    bm1 = jnp.zeros((64,), dtype=jnp.float32)
    Wm2 = jax.random.normal(ks[6], (64, 1), dtype=jnp.float32) * 0.12
    bm2 = jnp.zeros((1,), dtype=jnp.float32)
    return {"x": x, "edge_index": edge_index, "batch": batch,
            "W0": W0, "b0": b0, "g0": g0, "be0": be0,
            "W1": W1, "b1": b1, "g1": g1, "be1": be1,
            "W2": W2, "b2": b2, "g2": g2, "be2": be2,
            "Wm1": Wm1, "bm1": bm1, "Wm2": Wm2, "bm2": bm2}

def _gcn_conv(x, src, dst, W, b):
    h = x @ W
    loop = jnp.arange(N, dtype=src.dtype)
    s = jnp.concatenate([src, loop])
    d = jnp.concatenate([dst, loop])
    deg = jnp.zeros((N,), h.dtype).at[d].add(1.0)
    dis = jnp.where(deg > 0, 1.0 / jnp.sqrt(jnp.maximum(deg, 1e-12)), 0.0)
    norm = dis[s] * dis[d]
    out = jnp.zeros((N, h.shape[1]), h.dtype).at[d].add(h[s] * norm[:, None])
    return out + b

def _bn(h, g, be):
    m = h.mean(axis=0)
    v = h.var(axis=0)
    return g * (h - m) / jnp.sqrt(v + 1e-5) + be

def reference(x, edge_index, batch, W0, b0, g0, be0, W1, b1, g1, be1, W2, b2, g2, be2, Wm1, bm1, Wm2, bm2):
    src = edge_index[0]
    dst = edge_index[1]
    h = jax.nn.relu(_bn(_gcn_conv(x, src, dst, W0, b0), g0, be0))
    h = jax.nn.relu(_bn(_gcn_conv(h, src, dst, W1, b1), g1, be1))
    h = jax.nn.relu(_bn(_gcn_conv(h, src, dst, W2, b2), g2, be2))
    row_e = h[src]
    col_e = h[dst]
    ee = jnp.concatenate([jnp.minimum(row_e, col_e), jnp.maximum(row_e, col_e)], axis=1)
    out = jax.nn.relu(ee @ Wm1 + bm1) @ Wm2 + bm2
    return out

if __name__ == "__main__":
    import jax
    _d = setup_inputs()
    print(jax.jit(kernel)(*tuple(_d.values())))

</pallas_src>

<mosaic_0001>
#map = affine_map<(d0, d1) -> (0, 0)>
#map1 = affine_map<(d0, d1) -> (0, 0, 0)>
module attributes {stable_mosaic.version = 14 : i64} {
  func.func @_sc_scatter(%arg0: i32, %arg1: i32, %arg2: memref<10112x32xf32, #tpu.memory_space<hbm>>, %arg3: memref<32x80x128xi32, #tpu.memory_space<hbm>>, %arg4: memref<32x80x128xi32, #tpu.memory_space<hbm>>, %arg5: memref<10112x32xf32, #tpu.memory_space<hbm>>, %arg6: memref<2x10112x32xf32, #tpu.memory_space<hbm>>, %arg7: memref<80x128xi32, #tpu.memory_space<vmem>>, %arg8: memref<80x128xi32, #tpu.memory_space<vmem>>, %arg9: memref<128x32xf32, #tpu.memory_space<vmem>>, %arg10: memref<128x32xf32, #tpu.memory_space<vmem>>, %arg11: memref<10112x32xf32, #tpu.memory_space<vmem_shared>>, %arg12: memref<10112x32xf32, #tpu.memory_space<vmem_shared>>, %arg13: memref<!tpu.dma_semaphore, #tpu.memory_space<semaphore_mem>>, %arg14: memref<!tpu.dma_semaphore, #tpu.memory_space<semaphore_mem>>) attributes {dimension_semantics = [#tpu.dimension_semantics<core_parallel>, #tpu.dimension_semantics<subcore_parallel>], iteration_bounds = array<i64: 2, 16>, scalar_prefetch = 0 : i64, scratch_operands = 8 : i64, tpu.core_type = #tpu.core_type<sc_vector_subcore>, window_params = [{transform_indices = #map}, {transform_indices = #map1}, {transform_indices = #map1}, {transform_indices = #map}, {transform_indices = #map1}]} {
    %mul3A = arith.constant 2 : i32
    %mul3A_0 = arith.muli %arg1, %mul3A : i32
    %add3A = arith.addi %mul3A_0, %arg0 : i32
    "tpu.region"() ({
      %run_scoped3A = tpu.sem_alloc : memref<!tpu.dma_semaphore, #tpu.memory_space<semaphore_mem>>
      %dma_start3A_25 = arith.constant 0 : i32
      %dma_start3A_26 = arith.constant 0 : i32
      %dma_start3A_27 = tpu.memref_slice %arg3[%add3A, %dma_start3A_25, %dma_start3A_26] : memref<32x80x128xi32, #tpu.memory_space<hbm>> -> memref<1x80x128xi32, #tpu.memory_space<hbm>>
      %dma_start3A_28 = tpu.memref_squeeze %dma_start3A_27 : memref<1x80x128xi32, #tpu.memory_space<hbm>> -> memref<80x128xi32, #tpu.memory_space<hbm>>
      %dma_start3A_29 = arith.constant 0 : i32
      %dma_start3A_30 = arith.constant 0 : i32
      %dma_start3A_31 = tpu.memref_slice %arg3[%add3A, %dma_start3A_29, %dma_start3A_30] : memref<32x80x128xi32, #tpu.memory_space<hbm>> -> memref<1x80x128xi32, #tpu.memory_space<hbm>>
      %dma_start3A_32 = tpu.memref_squeeze %dma_start3A_31 : memref<1x80x128xi32, #tpu.memory_space<hbm>> -> memref<80x128xi32, #tpu.memory_space<hbm>>
      tpu.enqueue_dma source(%dma_start3A_32 : memref<80x128xi32, #tpu.memory_space<hbm>>) target(%arg7 : memref<80x128xi32, #tpu.memory_space<vmem>>) target_semaphore(%run_scoped3A : memref<!tpu.dma_semaphore, #tpu.memory_space<semaphore_mem>>)
      %dma_wait3A = arith.constant 0 : i32
      %dma_wait3A_33 = arith.constant 0 : i32
      %dma_wait3A_34 = tpu.memref_slice %arg3[%add3A, %dma_wait3A, %dma_wait3A_33] : memref<32x80x128xi32, #tpu.memory_space<hbm>> -> memref<1x80x128xi32, #tpu.memory_space<hbm>>
      %dma_wait3A_35 = tpu.memref_squeeze %dma_wait3A_34 : memref<1x80x128xi32, #tpu.memory_space<hbm>> -> memref<80x128xi32, #tpu.memory_space<hbm>>
      %dma_wait3A_36 = arith.constant 0 : i32
      %dma_wait3A_37 = arith.constant 0 : i32
      %dma_wait3A_38 = tpu.memref_slice %arg3[%add3A, %dma_wait3A_36, %dma_wait3A_37] : memref<32x80x128xi32, #tpu.memory_space<hbm>> -> memref<1x80x128xi32, #tpu.memory_space<hbm>>
      %dma_wait3A_39 = tpu.memref_squeeze %dma_wait3A_38 : memref<1x80x128xi32, #tpu.memory_space<hbm>> -> memref<80x128xi32, #tpu.memory_space<hbm>>
      tpu.wait_dma2 semaphore(%run_scoped3A : memref<!tpu.dma_semaphore, #tpu.memory_space<semaphore_mem>>) src(%dma_wait3A_39 : memref<80x128xi32, #tpu.memory_space<hbm>>) dst(%arg7 : memref<80x128xi32, #tpu.memory_space<vmem>>)
      tpu.yield
    }) : () -> ()
    "tpu.region"() ({
      %run_scoped3A = tpu.sem_alloc : memref<!tpu.dma_semaphore, #tpu.memory_space<semaphore_mem>>
      %dma_start3A_25 = arith.constant 0 : i32
      %dma_start3A_26 = arith.constant 0 : i32
      %dma_start3A_27 = tpu.memref_slice %arg4[%add3A, %dma_start3A_25, %dma_start3A_26] : memref<32x80x128xi32, #tpu.memory_space<hbm>> -> memref<1x80x128xi32, #tpu.memory_space<hbm>>
      %dma_start3A_28 = tpu.memref_squeeze %dma_start3A_27 : memref<1x80x128xi32, #tpu.memory_space<hbm>> -> memref<80x128xi32, #tpu.memory_space<hbm>>
      %dma_start3A_29 = arith.constant 0 : i32
      %dma_start3A_30 = arith.constant 0 : i32
      %dma_start3A_31 = tpu.memref_slice %arg4[%add3A, %dma_start3A_29, %dma_start3A_30] : memref<32x80x128xi32, #tpu.memory_space<hbm>> -> memref<1x80x128xi32, #tpu.memory_space<hbm>>
      %dma_start3A_32 = tpu.memref_squeeze %dma_start3A_31 : memref<1x80x128xi32, #tpu.memory_space<hbm>> -> memref<80x128xi32, #tpu.memory_space<hbm>>
      tpu.enqueue_dma source(%dma_start3A_32 : memref<80x128xi32, #tpu.memory_space<hbm>>) target(%arg8 : memref<80x128xi32, #tpu.memory_space<vmem>>) target_semaphore(%run_scoped3A : memref<!tpu.dma_semaphore, #tpu.memory_space<semaphore_mem>>)
      %dma_wait3A = arith.constant 0 : i32
      %dma_wait3A_33 = arith.constant 0 : i32
      %dma_wait3A_34 = tpu.memref_slice %arg4[%add3A, %dma_wait3A, %dma_wait3A_33] : memref<32x80x128xi32, #tpu.memory_space<hbm>> -> memref<1x80x128xi32, #tpu.memory_space<hbm>>
      %dma_wait3A_35 = tpu.memref_squeeze %dma_wait3A_34 : memref<1x80x128xi32, #tpu.memory_space<hbm>> -> memref<80x128xi32, #tpu.memory_space<hbm>>
      %dma_wait3A_36 = arith.constant 0 : i32
      %dma_wait3A_37 = arith.constant 0 : i32
      %dma_wait3A_38 = tpu.memref_slice %arg4[%add3A, %dma_wait3A_36, %dma_wait3A_37] : memref<32x80x128xi32, #tpu.memory_space<hbm>> -> memref<1x80x128xi32, #tpu.memory_space<hbm>>
      %dma_wait3A_39 = tpu.memref_squeeze %dma_wait3A_38 : memref<1x80x128xi32, #tpu.memory_space<hbm>> -> memref<80x128xi32, #tpu.memory_space<hbm>>
      tpu.wait_dma2 semaphore(%run_scoped3A : memref<!tpu.dma_semaphore, #tpu.memory_space<semaphore_mem>>) src(%dma_wait3A_39 : memref<80x128xi32, #tpu.memory_space<hbm>>) dst(%arg8 : memref<80x128xi32, #tpu.memory_space<vmem>>)
      tpu.yield
    }) : () -> ()
    %mul3A_1 = arith.constant 632 : i32
    %mul3A_2 = arith.muli %arg1, %mul3A_1 : i32
    %mul3A_3 = arith.constant 632 : i32
    %mul3A_4 = arith.muli %arg1, %mul3A_3 : i32
    "tpu.region"() ({
      %run_scoped3A = tpu.sem_alloc : memref<!tpu.dma_semaphore, #tpu.memory_space<semaphore_mem>>
      %dma_start3A_25 = arith.constant 0 : i32
      %dma_start3A_26 = tpu.memref_slice %arg11[%mul3A_4, %dma_start3A_25] : memref<10112x32xf32, #tpu.memory_space<vmem_shared>> -> memref<632x32xf32, #tpu.memory_space<vmem_shared>>
      %dma_start3A_27 = arith.constant 0 : i32
      %dma_start3A_28 = tpu.memref_slice %arg5[%mul3A_2, %dma_start3A_27] : memref<10112x32xf32, #tpu.memory_space<hbm>> -> memref<632x32xf32, #tpu.memory_space<hbm>>
      tpu.enqueue_dma source(%dma_start3A_28 : memref<632x32xf32, #tpu.memory_space<hbm>>) target(%dma_start3A_26 : memref<632x32xf32, #tpu.memory_space<vmem_shared>>) target_semaphore(%run_scoped3A : memref<!tpu.dma_semaphore, #tpu.memory_space<semaphore_mem>>)
      %dma_wait3A = arith.constant 0 : i32
      %dma_wait3A_29 = tpu.memref_slice %arg11[%mul3A_4, %dma_wait3A] : memref<10112x32xf32, #tpu.memory_space<vmem_shared>> -> memref<632x32xf32, #tpu.memory_space<vmem_shared>>
      %dma_wait3A_30 = arith.constant 0 : i32
      %dma_wait3A_31 = tpu.memref_slice %arg5[%mul3A_2, %dma_wait3A_30] : memref<10112x32xf32, #tpu.memory_space<hbm>> -> memref<632x32xf32, #tpu.memory_space<hbm>>
      tpu.wait_dma2 semaphore(%run_scoped3A : memref<!tpu.dma_semaphore, #tpu.memory_space<semaphore_mem>>) src(%dma_wait3A_31 : memref<632x32xf32, #tpu.memory_space<hbm>>) dst(%dma_wait3A_29 : memref<632x32xf32, #tpu.memory_space<vmem_shared>>)
      tpu.yield
    }) : () -> ()
    %mul3A_5 = arith.constant 632 : i32
    %mul3A_6 = arith.muli %arg1, %mul3A_5 : i32
    %mul3A_7 = arith.constant 632 : i32
    %mul3A_8 = arith.muli %arg1, %mul3A_7 : i32
    "tpu.region"() ({
      %run_scoped3A = tpu.sem_alloc : memref<!tpu.dma_semaphore, #tpu.memory_space<semaphore_mem>>
      %dma_start3A_25 = arith.constant 0 : i32
      %dma_start3A_26 = tpu.memref_slice %arg12[%mul3A_8, %dma_start3A_25] : memref<10112x32xf32, #tpu.memory_space<vmem_shared>> -> memref<632x32xf32, #tpu.memory_space<vmem_shared>>
      %dma_start3A_27 = arith.constant 0 : i32
      %dma_start3A_28 = tpu.memref_slice %arg2[%mul3A_6, %dma_start3A_27] : memref<10112x32xf32, #tpu.memory_space<hbm>> -> memref<632x32xf32, #tpu.memory_space<hbm>>
      tpu.enqueue_dma source(%dma_start3A_28 : memref<632x32xf32, #tpu.memory_space<hbm>>) target(%dma_start3A_26 : memref<632x32xf32, #tpu.memory_space<vmem_shared>>) target_semaphore(%run_scoped3A : memref<!tpu.dma_semaphore, #tpu.memory_space<semaphore_mem>>)
      %dma_wait3A = arith.constant 0 : i32
      %dma_wait3A_29 = tpu.memref_slice %arg12[%mul3A_8, %dma_wait3A] : memref<10112x32xf32, #tpu.memory_space<vmem_shared>> -> memref<632x32xf32, #tpu.memory_space<vmem_shared>>
      %dma_wait3A_30 = arith.constant 0 : i32
      %dma_wait3A_31 = tpu.memref_slice %arg2[%mul3A_6, %dma_wait3A_30] : memref<10112x32xf32, #tpu.memory_space<hbm>> -> memref<632x32xf32, #tpu.memory_space<hbm>>
      tpu.wait_dma2 semaphore(%run_scoped3A : memref<!tpu.dma_semaphore, #tpu.memory_space<semaphore_mem>>) src(%dma_wait3A_31 : memref<632x32xf32, #tpu.memory_space<hbm>>) dst(%dma_wait3A_29 : memref<632x32xf32, #tpu.memory_space<vmem_shared>>)
      tpu.yield
    }) : () -> ()
    %barrier3A = arith.constant 0 : index
    tpu.barrier barrier_id(%barrier3A)
    %dma_start3A = arith.constant 0 : i32
    %dma_start3A_9 = arith.constant 0 : i32
    %dma_start3A_10 = tpu.memref_slice %arg7[%dma_start3A, %dma_start3A_9] : memref<80x128xi32, #tpu.memory_space<vmem>> -> memref<1x128xi32, #tpu.memory_space<vmem>>
    %dma_start3A_11 = tpu.memref_squeeze %dma_start3A_10 : memref<1x128xi32, #tpu.memory_space<vmem>> -> memref<128xi32, #tpu.memory_space<vmem>>
    %dma_start3A_12 = arith.constant 0 : i32
    %dma_start3A_13 = arith.constant 0 : i32
    %dma_start3A_14 = tpu.memref_slice %arg12[%dma_start3A_12, %dma_start3A_13] : memref<10112x32xf32, #tpu.memory_space<vmem_shared>> -> memref<10112x32xf32, #tpu.memory_space<vmem_shared>>
    tpu.enqueue_indirect_dma source(%dma_start3A_14 : memref<10112x32xf32, #tpu.memory_space<vmem_shared>>) target(%arg9 : memref<128x32xf32, #tpu.memory_space<vmem>>) offsets(%dma_start3A_11 : memref<128xi32, #tpu.memory_space<vmem>>) semaphore(%arg13 : memref<!tpu.dma_semaphore, #tpu.memory_space<semaphore_mem>>)
    %scan3A = arith.constant 0 : i32
    %scan3A_15 = arith.constant 0 : i32
    %scan3A_16 = arith.constant 40 : i32
    %scan3A_17 = arith.addi %scan3A_15, %scan3A_16 : i32
    %scan3A_18 = arith.constant 1 : i32
    scf.for %scan3A_25 = %scan3A_15 to %scan3A_17 step %scan3A_18  : i32 {
      %mul3A_26 = arith.constant 2 : i32
      %mul3A_27 = arith.muli %mul3A_26, %scan3A_25 : i32
      %add3A_28 = arith.constant 1 : i32
      %add3A_29 = arith.addi %mul3A_27, %add3A_28 : i32
      %dma_start3A_30 = arith.constant 0 : i32
      %dma_start3A_31 = tpu.memref_slice %arg7[%add3A_29, %dma_start3A_30] : memref<80x128xi32, #tpu.memory_space<vmem>> -> memref<1x128xi32, #tpu.memory_space<vmem>>
      %dma_start3A_32 = tpu.memref_squeeze %dma_start3A_31 : memref<1x128xi32, #tpu.memory_space<vmem>> -> memref<128xi32, #tpu.memory_space<vmem>>
      %dma_start3A_33 = arith.constant 0 : i32
      %dma_start3A_34 = arith.constant 0 : i32
      %dma_start3A_35 = tpu.memref_slice %arg12[%dma_start3A_33, %dma_start3A_34] : memref<10112x32xf32, #tpu.memory_space<vmem_shared>> -> memref<10112x32xf32, #tpu.memory_space<vmem_shared>>
      tpu.enqueue_indirect_dma source(%dma_start3A_35 : memref<10112x32xf32, #tpu.memory_space<vmem_shared>>) target(%arg10 : memref<128x32xf32, #tpu.memory_space<vmem>>) offsets(%dma_start3A_32 : memref<128xi32, #tpu.memory_space<vmem>>) semaphore(%arg14 : memref<!tpu.dma_semaphore, #tpu.memory_space<semaphore_mem>>)
      %dma_wait3A = arith.constant 0 : i32
      %dma_wait3A_36 = tpu.memref_slice %arg7[%mul3A_27, %dma_wait3A] : memref<80x128xi32, #tpu.memory_space<vmem>> -> memref<1x128xi32, #tpu.memory_space<vmem>>
      %dma_wait3A_37 = tpu.memref_squeeze %dma_wait3A_36 : memref<1x128xi32, #tpu.memory_space<vmem>> -> memref<128xi32, #tpu.memory_space<vmem>>
      %dma_wait3A_38 = arith.constant 0 : i32
      %dma_wait3A_39 = arith.constant 0 : i32
      %dma_wait3A_40 = tpu.memref_slice %arg12[%dma_wait3A_38, %dma_wait3A_39] : memref<10112x32xf32, #tpu.memory_space<vmem_shared>> -> memref<10112x32xf32, #tpu.memory_space<vmem_shared>>
      tpu.wait_indirect_dma semaphore(%arg13 : memref<!tpu.dma_semaphore, #tpu.memory_space<semaphore_mem>>) src(%dma_wait3A_40 : memref<10112x32xf32, #tpu.memory_space<vmem_shared>>) dst(%arg9 : memref<128x32xf32, #tpu.memory_space<vmem>>)
      "tpu.region"() ({
        %run_scoped3A = tpu.sem_alloc : memref<!tpu.dma_semaphore, #tpu.memory_space<semaphore_mem>>
        %dma_start3A_53 = arith.constant 0 : i32
        %dma_start3A_54 = tpu.memref_slice %arg8[%mul3A_27, %dma_start3A_53] : memref<80x128xi32, #tpu.memory_space<vmem>> -> memref<1x128xi32, #tpu.memory_space<vmem>>
        %dma_start3A_55 = tpu.memref_squeeze %dma_start3A_54 : memref<1x128xi32, #tpu.memory_space<vmem>> -> memref<128xi32, #tpu.memory_space<vmem>>
        %dma_start3A_56 = arith.constant 0 : i32
        %dma_start3A_57 = arith.constant 0 : i32
        %dma_start3A_58 = tpu.memref_slice %arg11[%dma_start3A_56, %dma_start3A_57] : memref<10112x32xf32, #tpu.memory_space<vmem_shared>> -> memref<10112x32xf32, #tpu.memory_space<vmem_shared>>
        tpu.enqueue_indirect_dma source(%arg9 : memref<128x32xf32, #tpu.memory_space<vmem>>) target(%dma_start3A_58 : memref<10112x32xf32, #tpu.memory_space<vmem_shared>>) offsets(%dma_start3A_55 : memref<128xi32, #tpu.memory_space<vmem>>) semaphore(%run_scoped3A : memref<!tpu.dma_semaphore, #tpu.memory_space<semaphore_mem>>) {add = true}
        %dma_wait3A_59 = arith.constant 0 : i32
        %dma_wait3A_60 = tpu.memref_slice %arg8[%mul3A_27, %dma_wait3A_59] : memref<80x128xi32, #tpu.memory_space<vmem>> -> memref<1x128xi32, #tpu.memory_space<vmem>>
        %dma_wait3A_61 = tpu.memref_squeeze %dma_wait3A_60 : memref<1x128xi32, #tpu.memory_space<vmem>> -> memref<128xi32, #tpu.memory_space<vmem>>
        %dma_wait3A_62 = arith.constant 0 : i32
        %dma_wait3A_63 = arith.constant 0 : i32
        %dma_wait3A_64 = tpu.memref_slice %arg11[%dma_wait3A_62, %dma_wait3A_63] : memref<10112x32xf32, #tpu.memory_space<vmem_shared>> -> memref<10112x32xf32, #tpu.memory_space<vmem_shared>>
        tpu.wait_indirect_dma semaphore(%run_scoped3A : memref<!tpu.dma_semaphore, #tpu.memory_space<semaphore_mem>>) src(%arg9 : memref<128x32xf32, #tpu.memory_space<vmem>>) dst(%dma_wait3A_64 : memref<10112x32xf32, #tpu.memory_space<vmem_shared>>)
        tpu.yield
      }) : () -> ()
      %lt3A = arith.constant 39 : i32
      %lt3A_41 = arith.cmpi slt, %scan3A_25, %lt3A : i32
      %convert_element_type3A = arith.extui %lt3A_41 : i1 to i32
      %cond3A = arith.constant 0 : i32
      %cond3A_42 = arith.cmpi ne, %convert_element_type3A, %cond3A : i32
      scf.if %cond3A_42 {
        %add3A_53 = arith.constant 2 : i32
        %add3A_54 = arith.addi %mul3A_27, %add3A_53 : i32
        %dma_start3A_55 = arith.constant 0 : i32
        %dma_start3A_56 = tpu.memref_slice %arg7[%add3A_54, %dma_start3A_55] : memref<80x128xi32, #tpu.memory_space<vmem>> -> memref<1x128xi32, #tpu.memory_space<vmem>>
        %dma_start3A_57 = tpu.memref_squeeze %dma_start3A_56 : memref<1x128xi32, #tpu.memory_space<vmem>> -> memref<128xi32, #tpu.memory_space<vmem>>
        %dma_start3A_58 = arith.constant 0 : i32
        %dma_start3A_59 = arith.constant 0 : i32
        %dma_start3A_60 = tpu.memref_slice %arg12[%dma_start3A_58, %dma_start3A_59] : memref<10112x32xf32, #tpu.memory_space<vmem_shared>> -> memref<10112x32xf32, #tpu.memory_space<vmem_shared>>
        tpu.enqueue_indirect_dma source(%dma_start3A_60 : memref<10112x32xf32, #tpu.memory_space<vmem_shared>>) target(%arg9 : memref<128x32xf32, #tpu.memory_space<vmem>>) offsets(%dma_start3A_57 : memref<128xi32, #tpu.memory_space<vmem>>) semaphore(%arg13 : memref<!tpu.dma_semaphore, #tpu.memory_space<semaphore_mem>>)
      } else {
      }
      %add3A_43 = arith.constant 1 : i32
      %add3A_44 = arith.addi %mul3A_27, %add3A_43 : i32
      %dma_wait3A_45 = arith.constant 0 : i32
      %dma_wait3A_46 = tpu.memref_slice %arg7[%add3A_44, %dma_wait3A_45] : memref<80x128xi32, #tpu.memory_space<vmem>> -> memref<1x128xi32, #tpu.memory_space<vmem>>
      %dma_wait3A_47 = tpu.memref_squeeze %dma_wait3A_46 : memref<1x128xi32, #tpu.memory_space<vmem>> -> memref<128xi32, #tpu.memory_space<vmem>>
      %dma_wait3A_48 = arith.constant 0 : i32
      %dma_wait3A_49 = arith.constant 0 : i32
      %dma_wait3A_50 = tpu.memref_slice %arg12[%dma_wait3A_48, %dma_wait3A_49] : memref<10112x32xf32, #tpu.memory_space<vmem_shared>> -> memref<10112x32xf32, #tpu.memory_space<vmem_shared>>
      tpu.wait_indirect_dma semaphore(%arg14 : memref<!tpu.dma_semaphore, #tpu.memory_space<semaphore_mem>>) src(%dma_wait3A_50 : memref<10112x32xf32, #tpu.memory_space<vmem_shared>>) dst(%arg10 : memref<128x32xf32, #tpu.memory_space<vmem>>)
      %add3A_51 = arith.constant 1 : i32
      %add3A_52 = arith.addi %mul3A_27, %add3A_51 : i32
      "tpu.region"() ({
        %run_scoped3A = tpu.sem_alloc : memref<!tpu.dma_semaphore, #tpu.memory_space<semaphore_mem>>
        %dma_start3A_53 = arith.constant 0 : i32
        %dma_start3A_54 = tpu.memref_slice %arg8[%add3A_52, %dma_start3A_53] : memref<80x128xi32, #tpu.memory_space<vmem>> -> memref<1x128xi32, #tpu.memory_space<vmem>>
        %dma_start3A_55 = tpu.memref_squeeze %dma_start3A_54 : memref<1x128xi32, #tpu.memory_space<vmem>> -> memref<128xi32, #tpu.memory_space<vmem>>
        %dma_start3A_56 = arith.constant 0 : i32
        %dma_start3A_57 = arith.constant 0 : i32
        %dma_start3A_58 = tpu.memref_slice %arg11[%dma_start3A_56, %dma_start3A_57] : memref<10112x32xf32, #tpu.memory_space<vmem_shared>> -> memref<10112x32xf32, #tpu.memory_space<vmem_shared>>
        tpu.enqueue_indirect_dma source(%arg10 : memref<128x32xf32, #tpu.memory_space<vmem>>) target(%dma_start3A_58 : memref<10112x32xf32, #tpu.memory_space<vmem_shared>>) offsets(%dma_start3A_55 : memref<128xi32, #tpu.memory_space<vmem>>) semaphore(%run_scoped3A : memref<!tpu.dma_semaphore, #tpu.memory_space<semaphore_mem>>) {add = true}
        %dma_wait3A_59 = arith.constant 0 : i32
        %dma_wait3A_60 = tpu.memref_slice %arg8[%add3A_52, %dma_wait3A_59] : memref<80x128xi32, #tpu.memory_space<vmem>> -> memref<1x128xi32, #tpu.memory_space<vmem>>
        %dma_wait3A_61 = tpu.memref_squeeze %dma_wait3A_60 : memref<1x128xi32, #tpu.memory_space<vmem>> -> memref<128xi32, #tpu.memory_space<vmem>>
        %dma_wait3A_62 = arith.constant 0 : i32
        %dma_wait3A_63 = arith.constant 0 : i32
        %dma_wait3A_64 = tpu.memref_slice %arg11[%dma_wait3A_62, %dma_wait3A_63] : memref<10112x32xf32, #tpu.memory_space<vmem_shared>> -> memref<10112x32xf32, #tpu.memory_space<vmem_shared>>
        tpu.wait_indirect_dma semaphore(%run_scoped3A : memref<!tpu.dma_semaphore, #tpu.memory_space<semaphore_mem>>) src(%arg10 : memref<128x32xf32, #tpu.memory_space<vmem>>) dst(%dma_wait3A_64 : memref<10112x32xf32, #tpu.memory_space<vmem_shared>>)
        tpu.yield
      }) : () -> ()
    }
    %scan3A_19 = arith.constant 40 : i32
    %barrier3A_20 = arith.constant 0 : index
    tpu.barrier barrier_id(%barrier3A_20)
    %mul3A_21 = arith.constant 632 : i32
    %mul3A_22 = arith.muli %arg1, %mul3A_21 : i32
    %mul3A_23 = arith.constant 632 : i32
    %mul3A_24 = arith.muli %arg1, %mul3A_23 : i32
    "tpu.region"() ({
      %run_scoped3A = tpu.sem_alloc : memref<!tpu.dma_semaphore, #tpu.memory_space<semaphore_mem>>
      %dma_start3A_25 = arith.constant 0 : i32
      %dma_start3A_26 = tpu.memref_slice %arg6[%arg0, %mul3A_24, %dma_start3A_25] : memref<2x10112x32xf32, #tpu.memory_space<hbm>> -> memref<1x632x32xf32, #tpu.memory_space<hbm>>
      %dma_start3A_27 = tpu.memref_squeeze %dma_start3A_26 : memref<1x632x32xf32, #tpu.memory_space<hbm>> -> memref<632x32xf32, #tpu.memory_space<hbm>>
      %dma_start3A_28 = arith.constant 0 : i32
      %dma_start3A_29 = tpu.memref_slice %arg11[%mul3A_22, %dma_start3A_28] : memref<10112x32xf32, #tpu.memory_space<vmem_shared>> -> memref<632x32xf32, #tpu.memory_space<vmem_shared>>
      tpu.enqueue_dma source(%dma_start3A_29 : memref<632x32xf32, #tpu.memory_space<vmem_shared>>) target(%dma_start3A_27 : memref<632x32xf32, #tpu.memory_space<hbm>>) target_semaphore(%run_scoped3A : memref<!tpu.dma_semaphore, #tpu.memory_space<semaphore_mem>>)
      %dma_wait3A = arith.constant 0 : i32
      %dma_wait3A_30 = tpu.memref_slice %arg6[%arg0, %mul3A_24, %dma_wait3A] : memref<2x10112x32xf32, #tpu.memory_space<hbm>> -> memref<1x632x32xf32, #tpu.memory_space<hbm>>
      %dma_wait3A_31 = tpu.memref_squeeze %dma_wait3A_30 : memref<1x632x32xf32, #tpu.memory_space<hbm>> -> memref<632x32xf32, #tpu.memory_space<hbm>>
      %dma_wait3A_32 = arith.constant 0 : i32
      %dma_wait3A_33 = tpu.memref_slice %arg11[%mul3A_22, %dma_wait3A_32] : memref<10112x32xf32, #tpu.memory_space<vmem_shared>> -> memref<632x32xf32, #tpu.memory_space<vmem_shared>>
      tpu.wait_dma2 semaphore(%run_scoped3A : memref<!tpu.dma_semaphore, #tpu.memory_space<semaphore_mem>>) src(%dma_wait3A_33 : memref<632x32xf32, #tpu.memory_space<vmem_shared>>) dst(%dma_wait3A_31 : memref<632x32xf32, #tpu.memory_space<hbm>>)
      tpu.yield
    }) : () -> ()
    return
  }
}

#map = affine_map<(d0, d1) -> (0, 0, 0)>
#map1 = affine_map<(d0, d1) -> (0, 0)>
module attributes {stable_mosaic.version = 14 : i64} {
  func.func @_sc_deg(%arg0: i32, %arg1: i32, %arg2: memref<32x80x128xi32, #tpu.memory_space<hbm>>, %arg3: memref<128x8xf32, #tpu.memory_space<hbm>>, %arg4: memref<10112x8xf32, #tpu.memory_space<hbm>>, %arg5: memref<2x10112x8xf32, #tpu.memory_space<hbm>>, %arg6: memref<80x128xi32, #tpu.memory_space<vmem>>, %arg7: memref<128x8xf32, #tpu.memory_space<vmem>>, %arg8: memref<10112x8xf32, #tpu.memory_space<vmem_shared>>) attributes {dimension_semantics = [#tpu.dimension_semantics<core_parallel>, #tpu.dimension_semantics<subcore_parallel>], iteration_bounds = array<i64: 2, 16>, scalar_prefetch = 0 : i64, scratch_operands = 3 : i64, tpu.core_type = #tpu.core_type<sc_vector_subcore>, window_params = [{transform_indices = #map}, {transform_indices = #map1}, {transform_indices = #map1}, {transform_indices = #map}]} {
    %mul3A = arith.constant 2 : i32
    %mul3A_0 = arith.muli %arg1, %mul3A : i32
    %add3A = arith.addi %mul3A_0, %arg0 : i32
    "tpu.region"() ({
      %run_scoped3A = tpu.sem_alloc : memref<!tpu.dma_semaphore, #tpu.memory_space<semaphore_mem>>
      %dma_start3A = arith.constant 0 : i32
      %dma_start3A_15 = arith.constant 0 : i32
      %dma_start3A_16 = tpu.memref_slice %arg2[%add3A, %dma_start3A, %dma_start3A_15] : memref<32x80x128xi32, #tpu.memory_space<hbm>> -> memref<1x80x128xi32, #tpu.memory_space<hbm>>
      %dma_start3A_17 = tpu.memref_squeeze %dma_start3A_16 : memref<1x80x128xi32, #tpu.memory_space<hbm>> -> memref<80x128xi32, #tpu.memory_space<hbm>>
      %dma_start3A_18 = arith.constant 0 : i32
      %dma_start3A_19 = arith.constant 0 : i32
      %dma_start3A_20 = tpu.memref_slice %arg2[%add3A, %dma_start3A_18, %dma_start3A_19] : memref<32x80x128xi32, #tpu.memory_space<hbm>> -> memref<1x80x128xi32, #tpu.memory_space<hbm>>
      %dma_start3A_21 = tpu.memref_squeeze %dma_start3A_20 : memref<1x80x128xi32, #tpu.memory_space<hbm>> -> memref<80x128xi32, #tpu.memory_space<hbm>>
      tpu.enqueue_dma source(%dma_start3A_21 : memref<80x128xi32, #tpu.memory_space<hbm>>) target(%arg6 : memref<80x128xi32, #tpu.memory_space<vmem>>) target_semaphore(%run_scoped3A : memref<!tpu.dma_semaphore, #tpu.memory_space<semaphore_mem>>)
      %dma_wait3A = arith.constant 0 : i32
      %dma_wait3A_22 = arith.constant 0 : i32
      %dma_wait3A_23 = tpu.memref_slice %arg2[%add3A, %dma_wait3A, %dma_wait3A_22] : memref<32x80x128xi32, #tpu.memory_space<hbm>> -> memref<1x80x128xi32, #tpu.memory_space<hbm>>
      %dma_wait3A_24 = tpu.memref_squeeze %dma_wait3A_23 : memref<1x80x128xi32, #tpu.memory_space<hbm>> -> memref<80x128xi32, #tpu.memory_space<hbm>>
      %dma_wait3A_25 = arith.constant 0 : i32
      %dma_wait3A_26 = arith.constant 0 : i32
      %dma_wait3A_27 = tpu.memref_slice %arg2[%add3A, %dma_wait3A_25, %dma_wait3A_26] : memref<32x80x128xi32, #tpu.memory_space<hbm>> -> memref<1x80x128xi32, #tpu.memory_space<hbm>>
      %dma_wait3A_28 = tpu.memref_squeeze %dma_wait3A_27 : memref<1x80x128xi32, #tpu.memory_space<hbm>> -> memref<80x128xi32, #tpu.memory_space<hbm>>
      tpu.wait_dma2 semaphore(%run_scoped3A : memref<!tpu.dma_semaphore, #tpu.memory_space<semaphore_mem>>) src(%dma_wait3A_28 : memref<80x128xi32, #tpu.memory_space<hbm>>) dst(%arg6 : memref<80x128xi32, #tpu.memory_space<vmem>>)
      tpu.yield
    }) : () -> ()
    "tpu.region"() ({
      %run_scoped3A = tpu.sem_alloc : memref<!tpu.dma_semaphore, #tpu.memory_space<semaphore_mem>>
      tpu.enqueue_dma source(%arg3 : memref<128x8xf32, #tpu.memory_space<hbm>>) target(%arg7 : memref<128x8xf32, #tpu.memory_space<vmem>>) target_semaphore(%run_scoped3A : memref<!tpu.dma_semaphore, #tpu.memory_space<semaphore_mem>>)
      tpu.wait_dma2 semaphore(%run_scoped3A : memref<!tpu.dma_semaphore, #tpu.memory_space<semaphore_mem>>) src(%arg3 : memref<128x8xf32, #tpu.memory_space<hbm>>) dst(%arg7 : memref<128x8xf32, #tpu.memory_space<vmem>>)
      tpu.yield
    }) : () -> ()
    %mul3A_1 = arith.constant 632 : i32
    %mul3A_2 = arith.muli %arg1, %mul3A_1 : i32
    %mul3A_3 = arith.constant 632 : i32
    %mul3A_4 = arith.muli %arg1, %mul3A_3 : i32
    "tpu.region"() ({
      %run_scoped3A = tpu.sem_alloc : memref<!tpu.dma_semaphore, #tpu.memory_space<semaphore_mem>>
      %dma_start3A = arith.constant 0 : i32
      %dma_start3A_15 = tpu.memref_slice %arg8[%mul3A_4, %dma_start3A] : memref<10112x8xf32, #tpu.memory_space<vmem_shared>> -> memref<632x8xf32, #tpu.memory_space<vmem_shared>>
      %dma_start3A_16 = arith.constant 0 : i32
      %dma_start3A_17 = tpu.memref_slice %arg4[%mul3A_2, %dma_start3A_16] : memref<10112x8xf32, #tpu.memory_space<hbm>> -> memref<632x8xf32, #tpu.memory_space<hbm>>
      tpu.enqueue_dma source(%dma_start3A_17 : memref<632x8xf32, #tpu.memory_space<hbm>>) target(%dma_start3A_15 : memref<632x8xf32, #tpu.memory_space<vmem_shared>>) target_semaphore(%run_scoped3A : memref<!tpu.dma_semaphore, #tpu.memory_space<semaphore_mem>>)
      %dma_wait3A = arith.constant 0 : i32
      %dma_wait3A_18 = tpu.memref_slice %arg8[%mul3A_4, %dma_wait3A] : memref<10112x8xf32, #tpu.memory_space<vmem_shared>> -> memref<632x8xf32, #tpu.memory_space<vmem_shared>>
      %dma_wait3A_19 = arith.constant 0 : i32
      %dma_wait3A_20 = tpu.memref_slice %arg4[%mul3A_2, %dma_wait3A_19] : memref<10112x8xf32, #tpu.memory_space<hbm>> -> memref<632x8xf32, #tpu.memory_space<hbm>>
      tpu.wait_dma2 semaphore(%run_scoped3A : memref<!tpu.dma_semaphore, #tpu.memory_space<semaphore_mem>>) src(%dma_wait3A_20 : memref<632x8xf32, #tpu.memory_space<hbm>>) dst(%dma_wait3A_18 : memref<632x8xf32, #tpu.memory_space<vmem_shared>>)
      tpu.yield
    }) : () -> ()
    %barrier3A = arith.constant 0 : index
    tpu.barrier barrier_id(%barrier3A)
    %scan3A = arith.constant 0 : i32
    %scan3A_5 = arith.constant 0 : i32
    %scan3A_6 = arith.constant 80 : i32
    %scan3A_7 = arith.addi %scan3A_5, %scan3A_6 : i32
    %scan3A_8 = arith.constant 1 : i32
    scf.for %scan3A_15 = %scan3A_5 to %scan3A_7 step %scan3A_8  : i32 {
      "tpu.region"() ({
        %run_scoped3A = tpu.sem_alloc : memref<!tpu.dma_semaphore, #tpu.memory_space<semaphore_mem>>
        %dma_start3A = arith.constant 0 : i32
        %dma_start3A_16 = tpu.memref_slice %arg6[%scan3A_15, %dma_start3A] : memref<80x128xi32, #tpu.memory_space<vmem>> -> memref<1x128xi32, #tpu.memory_space<vmem>>
        %dma_start3A_17 = tpu.memref_squeeze %dma_start3A_16 : memref<1x128xi32, #tpu.memory_space<vmem>> -> memref<128xi32, #tpu.memory_space<vmem>>
        %dma_start3A_18 = arith.constant 0 : i32
        %dma_start3A_19 = arith.constant 0 : i32
        %dma_start3A_20 = tpu.memref_slice %arg8[%dma_start3A_18, %dma_start3A_19] : memref<10112x8xf32, #tpu.memory_space<vmem_shared>> -> memref<10112x8xf32, #tpu.memory_space<vmem_shared>>
        tpu.enqueue_indirect_dma source(%arg7 : memref<128x8xf32, #tpu.memory_space<vmem>>) target(%dma_start3A_20 : memref<10112x8xf32, #tpu.memory_space<vmem_shared>>) offsets(%dma_start3A_17 : memref<128xi32, #tpu.memory_space<vmem>>) semaphore(%run_scoped3A : memref<!tpu.dma_semaphore, #tpu.memory_space<semaphore_mem>>) {add = true}
        %dma_wait3A = arith.constant 0 : i32
        %dma_wait3A_21 = tpu.memref_slice %arg6[%scan3A_15, %dma_wait3A] : memref<80x128xi32, #tpu.memory_space<vmem>> -> memref<1x128xi32, #tpu.memory_space<vmem>>
        %dma_wait3A_22 = tpu.memref_squeeze %dma_wait3A_21 : memref<1x128xi32, #tpu.memory_space<vmem>> -> memref<128xi32, #tpu.memory_space<vmem>>
        %dma_wait3A_23 = arith.constant 0 : i32
        %dma_wait3A_24 = arith.constant 0 : i32
        %dma_wait3A_25 = tpu.memref_slice %arg8[%dma_wait3A_23, %dma_wait3A_24] : memref<10112x8xf32, #tpu.memory_space<vmem_shared>> -> memref<10112x8xf32, #tpu.memory_space<vmem_shared>>
        tpu.wait_indirect_dma semaphore(%run_scoped3A : memref<!tpu.dma_semaphore, #tpu.memory_space<semaphore_mem>>) src(%arg7 : memref<128x8xf32, #tpu.memory_space<vmem>>) dst(%dma_wait3A_25 : memref<10112x8xf32, #tpu.memory_space<vmem_shared>>)
        tpu.yield
      }) : () -> ()
    }
    %scan3A_9 = arith.constant 80 : i32
    %barrier3A_10 = arith.constant 0 : index
    tpu.barrier barrier_id(%barrier3A_10)
    %mul3A_11 = arith.constant 632 : i32
    %mul3A_12 = arith.muli %arg1, %mul3A_11 : i32
    %mul3A_13 = arith.constant 632 : i32
    %mul3A_14 = arith.muli %arg1, %mul3A_13 : i32
    "tpu.region"() ({
      %run_scoped3A = tpu.sem_alloc : memref<!tpu.dma_semaphore, #tpu.memory_space<semaphore_mem>>
      %dma_start3A = arith.constant 0 : i32
      %dma_start3A_15 = tpu.memref_slice %arg5[%arg0, %mul3A_14, %dma_start3A] : memref<2x10112x8xf32, #tpu.memory_space<hbm>> -> memref<1x632x8xf32, #tpu.memory_space<hbm>>
      %dma_start3A_16 = tpu.memref_squeeze %dma_start3A_15 : memref<1x632x8xf32, #tpu.memory_space<hbm>> -> memref<632x8xf32, #tpu.memory_space<hbm>>
      %dma_start3A_17 = arith.constant 0 : i32
      %dma_start3A_18 = tpu.memref_slice %arg8[%mul3A_12, %dma_start3A_17] : memref<10112x8xf32, #tpu.memory_space<vmem_shared>> -> memref<632x8xf32, #tpu.memory_space<vmem_shared>>
      tpu.enqueue_dma source(%dma_start3A_18 : memref<632x8xf32, #tpu.memory_space<vmem_shared>>) target(%dma_start3A_16 : memref<632x8xf32, #tpu.memory_space<hbm>>) target_semaphore(%run_scoped3A : memref<!tpu.dma_semaphore, #tpu.memory_space<semaphore_mem>>)
      %dma_wait3A = arith.constant 0 : i32
      %dma_wait3A_19 = tpu.memref_slice %arg5[%arg0, %mul3A_14, %dma_wait3A] : memref<2x10112x8xf32, #tpu.memory_space<hbm>> -> memref<1x632x8xf32, #tpu.memory_space<hbm>>
      %dma_wait3A_20 = tpu.memref_squeeze %dma_wait3A_19 : memref<1x632x8xf32, #tpu.memory_space<hbm>> -> memref<632x8xf32, #tpu.memory_space<hbm>>
      %dma_wait3A_21 = arith.constant 0 : i32
      %dma_wait3A_22 = tpu.memref_slice %arg8[%mul3A_12, %dma_wait3A_21] : memref<10112x8xf32, #tpu.memory_space<vmem_shared>> -> memref<632x8xf32, #tpu.memory_space<vmem_shared>>
      tpu.wait_dma2 semaphore(%run_scoped3A : memref<!tpu.dma_semaphore, #tpu.memory_space<semaphore_mem>>) src(%dma_wait3A_22 : memref<632x8xf32, #tpu.memory_space<vmem_shared>>) dst(%dma_wait3A_20 : memref<632x8xf32, #tpu.memory_space<hbm>>)
      tpu.yield
    }) : () -> ()
    return
  }
}

#map = affine_map<(d0, d1) -> (0, 0)>
#map1 = affine_map<(d0, d1) -> (0, 0, 0)>
module attributes {stable_mosaic.version = 14 : i64} {
  func.func @_sc_scatter(%arg0: i32, %arg1: i32, %arg2: memref<10112x32xf32, #tpu.memory_space<hbm>>, %arg3: memref<32x80x128xi32, #tpu.memory_space<hbm>>, %arg4: memref<32x80x128xi32, #tpu.memory_space<hbm>>, %arg5: memref<10112x32xf32, #tpu.memory_space<hbm>>, %arg6: memref<2x10112x32xf32, #tpu.memory_space<hbm>>, %arg7: memref<80x128xi32, #tpu.memory_space<vmem>>, %arg8: memref<80x128xi32, #tpu.memory_space<vmem>>, %arg9: memref<128x32xf32, #tpu.memory_space<vmem>>, %arg10: memref<128x32xf32, #tpu.memory_space<vmem>>, %arg11: memref<10112x32xf32, #tpu.memory_space<vmem_shared>>, %arg12: memref<10112x32xf32, #tpu.memory_space<vmem_shared>>, %arg13: memref<!tpu.dma_semaphore, #tpu.memory_space<semaphore_mem>>, %arg14: memref<!tpu.dma_semaphore, #tpu.memory_space<semaphore_mem>>) attributes {dimension_semantics = [#tpu.dimension_semantics<core_parallel>, #tpu.dimension_semantics<subcore_parallel>], iteration_bounds = array<i64: 2, 16>, scalar_prefetch = 0 : i64, scratch_operands = 8 : i64, tpu.core_type = #tpu.core_type<sc_vector_subcore>, window_params = [{transform_indices = #map}, {transform_indices = #map1}, {transform_indices = #map1}, {transform_indices = #map}, {transform_indices = #map1}]} {
    %mul3A = arith.constant 2 : i32
    %mul3A_0 = arith.muli %arg1, %mul3A : i32
    %add3A = arith.addi %mul3A_0, %arg0 : i32
    "tpu.region"() ({
      %run_scoped3A = tpu.sem_alloc : memref<!tpu.dma_semaphore, #tpu.memory_space<semaphore_mem>>
      %dma_start3A_25 = arith.constant 0 : i32
      %dma_start3A_26 = arith.constant 0 : i32
      %dma_start3A_27 = tpu.memref_slice %arg3[%add3A, %dma_start3A_25, %dma_start3A_26] : memref<32x80x128xi32, #tpu.memory_space<hbm>> -> memref<1x80x128xi32, #tpu.memory_space<hbm>>
      %dma_start3A_28 = tpu.memref_squeeze %dma_start3A_27 : memref<1x80x128xi32, #tpu.memory_space<hbm>> -> memref<80x128xi32, #tpu.memory_space<hbm>>
      %dma_start3A_29 = arith.constant 0 : i32
      %dma_start3A_30 = arith.constant 0 : i32
      %dma_start3A_31 = tpu.memref_slice %arg3[%add3A, %dma_start3A_29, %dma_start3A_30] : memref<32x80x128xi32, #tpu.memory_space<hbm>> -> memref<1x80x128xi32, #tpu.memory_space<hbm>>
      %dma_start3A_32 = tpu.memref_squeeze %dma_start3A_31 : memref<1x80x128xi32, #tpu.memory_space<hbm>> -> memref<80x128xi32, #tpu.memory_space<hbm>>
      tpu.enqueue_dma source(%dma_start3A_32 : memref<80x128xi32, #tpu.memory_space<hbm>>) target(%arg7 : memref<80x128xi32, #tpu.memory_space<vmem>>) target_semaphore(%run_scoped3A : memref<!tpu.dma_semaphore, #tpu.memory_space<semaphore_mem>>)
      %dma_wait3A = arith.constant 0 : i32
      %dma_wait3A_33 = arith.constant 0 : i32
      %dma_wait3A_34 = tpu.memref_slice %arg3[%add3A, %dma_wait3A, %dma_wait3A_33] : memref<32x80x128xi32, #tpu.memory_space<hbm>> -> memref<1x80x128xi32, #tpu.memory_space<hbm>>
      %dma_wait3A_35 = tpu.memref_squeeze %dma_wait3A_34 : memref<1x80x128xi32, #tpu.memory_space<hbm>> -> memref<80x128xi32, #tpu.memory_space<hbm>>
      %dma_wait3A_36 = arith.constant 0 : i32
      %dma_wait3A_37 = arith.constant 0 : i32
      %dma_wait3A_38 = tpu.memref_slice %arg3[%add3A, %dma_wait3A_36, %dma_wait3A_37] : memref<32x80x128xi32, #tpu.memory_space<hbm>> -> memref<1x80x128xi32, #tpu.memory_space<hbm>>
      %dma_wait3A_39 = tpu.memref_squeeze %dma_wait3A_38 : memref<1x80x128xi32, #tpu.memory_space<hbm>> -> memref<80x128xi32, #tpu.memory_space<hbm>>
      tpu.wait_dma2 semaphore(%run_scoped3A : memref<!tpu.dma_semaphore, #tpu.memory_space<semaphore_mem>>) src(%dma_wait3A_39 : memref<80x128xi32, #tpu.memory_space<hbm>>) dst(%arg7 : memref<80x128xi32, #tpu.memory_space<vmem>>)
      tpu.yield
    }) : () -> ()
    "tpu.region"() ({
      %run_scoped3A = tpu.sem_alloc : memref<!tpu.dma_semaphore, #tpu.memory_space<semaphore_mem>>
      %dma_start3A_25 = arith.constant 0 : i32
      %dma_start3A_26 = arith.constant 0 : i32
      %dma_start3A_27 = tpu.memref_slice %arg4[%add3A, %dma_start3A_25, %dma_start3A_26] : memref<32x80x128xi32, #tpu.memory_space<hbm>> -> memref<1x80x128xi32, #tpu.memory_space<hbm>>
      %dma_start3A_28 = tpu.memref_squeeze %dma_start3A_27 : memref<1x80x128xi32, #tpu.memory_space<hbm>> -> memref<80x128xi32, #tpu.memory_space<hbm>>
      %dma_start3A_29 = arith.constant 0 : i32
      %dma_start3A_30 = arith.constant 0 : i32
      %dma_start3A_31 = tpu.memref_slice %arg4[%add3A, %dma_start3A_29, %dma_start3A_30] : memref<32x80x128xi32, #tpu.memory_space<hbm>> -> memref<1x80x128xi32, #tpu.memory_space<hbm>>
      %dma_start3A_32 = tpu.memref_squeeze %dma_start3A_31 : memref<1x80x128xi32, #tpu.memory_space<hbm>> -> memref<80x128xi32, #tpu.memory_space<hbm>>
      tpu.enqueue_dma source(%dma_start3A_32 : memref<80x128xi32, #tpu.memory_space<hbm>>) target(%arg8 : memref<80x128xi32, #tpu.memory_space<vmem>>) target_semaphore(%run_scoped3A : memref<!tpu.dma_semaphore, #tpu.memory_space<semaphore_mem>>)
      %dma_wait3A = arith.constant 0 : i32
      %dma_wait3A_33 = arith.constant 0 : i32
      %dma_wait3A_34 = tpu.memref_slice %arg4[%add3A, %dma_wait3A, %dma_wait3A_33] : memref<32x80x128xi32, #tpu.memory_space<hbm>> -> memref<1x80x128xi32, #tpu.memory_space<hbm>>
      %dma_wait3A_35 = tpu.memref_squeeze %dma_wait3A_34 : memref<1x80x128xi32, #tpu.memory_space<hbm>> -> memref<80x128xi32, #tpu.memory_space<hbm>>
      %dma_wait3A_36 = arith.constant 0 : i32
      %dma_wait3A_37 = arith.constant 0 : i32
      %dma_wait3A_38 = tpu.memref_slice %arg4[%add3A, %dma_wait3A_36, %dma_wait3A_37] : memref<32x80x128xi32, #tpu.memory_space<hbm>> -> memref<1x80x128xi32, #tpu.memory_space<hbm>>
      %dma_wait3A_39 = tpu.memref_squeeze %dma_wait3A_38 : memref<1x80x128xi32, #tpu.memory_space<hbm>> -> memref<80x128xi32, #tpu.memory_space<hbm>>
      tpu.wait_dma2 semaphore(%run_scoped3A : memref<!tpu.dma_semaphore, #tpu.memory_space<semaphore_mem>>) src(%dma_wait3A_39 : memref<80x128xi32, #tpu.memory_space<hbm>>) dst(%arg8 : memref<80x128xi32, #tpu.memory_space<vmem>>)
      tpu.yield
    }) : () -> ()
    %mul3A_1 = arith.constant 632 : i32
    %mul3A_2 = arith.muli %arg1, %mul3A_1 : i32
    %mul3A_3 = arith.constant 632 : i32
    %mul3A_4 = arith.muli %arg1, %mul3A_3 : i32
    "tpu.region"() ({
      %run_scoped3A = tpu.sem_alloc : memref<!tpu.dma_semaphore, #tpu.memory_space<semaphore_mem>>
      %dma_start3A_25 = arith.constant 0 : i32
      %dma_start3A_26 = tpu.memref_slice %arg11[%mul3A_4, %dma_start3A_25] : memref<10112x32xf32, #tpu.memory_space<vmem_shared>> -> memref<632x32xf32, #tpu.memory_space<vmem_shared>>
      %dma_start3A_27 = arith.constant 0 : i32
      %dma_start3A_28 = tpu.memref_slice %arg5[%mul3A_2, %dma_start3A_27] : memref<10112x32xf32, #tpu.memory_space<hbm>> -> memref<632x32xf32, #tpu.memory_space<hbm>>
      tpu.enqueue_dma source(%dma_start3A_28 : memref<632x32xf32, #tpu.memory_space<hbm>>) target(%dma_start3A_26 : memref<632x32xf32, #tpu.memory_space<vmem_shared>>) target_semaphore(%run_scoped3A : memref<!tpu.dma_semaphore, #tpu.memory_space<semaphore_mem>>)
      %dma_wait3A = arith.constant 0 : i32
      %dma_wait3A_29 = tpu.memref_slice %arg11[%mul3A_4, %dma_wait3A] : memref<10112x32xf32, #tpu.memory_space<vmem_shared>> -> memref<632x32xf32, #tpu.memory_space<vmem_shared>>
      %dma_wait3A_30 = arith.constant 0 : i32
      %dma_wait3A_31 = tpu.memref_slice %arg5[%mul3A_2, %dma_wait3A_30] : memref<10112x32xf32, #tpu.memory_space<hbm>> -> memref<632x32xf32, #tpu.memory_space<hbm>>
      tpu.wait_dma2 semaphore(%run_scoped3A : memref<!tpu.dma_semaphore, #tpu.memory_space<semaphore_mem>>) src(%dma_wait3A_31 : memref<632x32xf32, #tpu.memory_space<hbm>>) dst(%dma_wait3A_29 : memref<632x32xf32, #tpu.memory_space<vmem_shared>>)
      tpu.yield
    }) : () -> ()
    %mul3A_5 = arith.constant 632 : i32
    %mul3A_6 = arith.muli %arg1, %mul3A_5 : i32
    %mul3A_7 = arith.constant 632 : i32
    %mul3A_8 = arith.muli %arg1, %mul3A_7 : i32
    "tpu.region"() ({
      %run_scoped3A = tpu.sem_alloc : memref<!tpu.dma_semaphore, #tpu.memory_space<semaphore_mem>>
      %dma_start3A_25 = arith.constant 0 : i32
      %dma_start3A_26 = tpu.memref_slice %arg12[%mul3A_8, %dma_start3A_25] : memref<10112x32xf32, #tpu.memory_space<vmem_shared>> -> memref<632x32xf32, #tpu.memory_space<vmem_shared>>
      %dma_start3A_27 = arith.constant 0 : i32
      %dma_start3A_28 = tpu.memref_slice %arg2[%mul3A_6, %dma_start3A_27] : memref<10112x32xf32, #tpu.memory_space<hbm>> -> memref<632x32xf32, #tpu.memory_space<hbm>>
      tpu.enqueue_dma source(%dma_start3A_28 : memref<632x32xf32, #tpu.memory_space<hbm>>) target(%dma_start3A_26 : memref<632x32xf32, #tpu.memory_space<vmem_shared>>) target_semaphore(%run_scoped3A : memref<!tpu.dma_semaphore, #tpu.memory_space<semaphore_mem>>)
      %dma_wait3A = arith.constant 0 : i32
      %dma_wait3A_29 = tpu.memref_slice %arg12[%mul3A_8, %dma_wait3A] : memref<10112x32xf32, #tpu.memory_space<vmem_shared>> -> memref<632x32xf32, #tpu.memory_space<vmem_shared>>
      %dma_wait3A_30 = arith.constant 0 : i32
      %dma_wait3A_31 = tpu.memref_slice %arg2[%mul3A_6, %dma_wait3A_30] : memref<10112x32xf32, #tpu.memory_space<hbm>> -> memref<632x32xf32, #tpu.memory_space<hbm>>
      tpu.wait_dma2 semaphore(%run_scoped3A : memref<!tpu.dma_semaphore, #tpu.memory_space<semaphore_mem>>) src(%dma_wait3A_31 : memref<632x32xf32, #tpu.memory_space<hbm>>) dst(%dma_wait3A_29 : memref<632x32xf32, #tpu.memory_space<vmem_shared>>)
      tpu.yield
    }) : () -> ()
    %barrier3A = arith.constant 0 : index
    tpu.barrier barrier_id(%barrier3A)
    %dma_start3A = arith.constant 0 : i32
    %dma_start3A_9 = arith.constant 0 : i32
    %dma_start3A_10 = tpu.memref_slice %arg7[%dma_start3A, %dma_start3A_9] : memref<80x128xi32, #tpu.memory_space<vmem>> -> memref<1x128xi32, #tpu.memory_space<vmem>>
    %dma_start3A_11 = tpu.memref_squeeze %dma_start3A_10 : memref<1x128xi32, #tpu.memory_space<vmem>> -> memref<128xi32, #tpu.memory_space<vmem>>
    %dma_start3A_12 = arith.constant 0 : i32
    %dma_start3A_13 = arith.constant 0 : i32
    %dma_start3A_14 = tpu.memref_slice %arg12[%dma_start3A_12, %dma_start3A_13] : memref<10112x32xf32, #tpu.memory_space<vmem_shared>> -> memref<10112x32xf32, #tpu.memory_space<vmem_shared>>
    tpu.enqueue_indirect_dma source(%dma_start3A_14 : memref<10112x32xf32, #tpu.memory_space<vmem_shared>>) target(%arg9 : memref<128x32xf32, #tpu.memory_space<vmem>>) offsets(%dma_start3A_11 : memref<128xi32, #tpu.memory_space<vmem>>) semaphore(%arg13 : memref<!tpu.dma_semaphore, #tpu.memory_space<semaphore_mem>>)
    %scan3A = arith.constant 0 : i32
    %scan3A_15 = arith.constant 0 : i32
    %scan3A_16 = arith.constant 40 : i32
    %scan3A_17 = arith.addi %scan3A_15, %scan3A_16 : i32
    %scan3A_18 = arith.constant 1 : i32
    scf.for %scan3A_25 = %scan3A_15 to %scan3A_17 step %scan3A_18  : i32 {
      %mul3A_26 = arith.constant 2 : i32
      %mul3A_27 = arith.muli %mul3A_26, %scan3A_25 : i32
      %add3A_28 = arith.constant 1 : i32
      %add3A_29 = arith.addi %mul3A_27, %add3A_28 : i32
      %dma_start3A_30 = arith.constant 0 : i32
      %dma_start3A_31 = tpu.memref_slice %arg7[%add3A_29, %dma_start3A_30] : memref<80x128xi32, #tpu.memory_space<vmem>> -> memref<1x128xi32, #tpu.memory_space<vmem>>
      %dma_start3A_32 = tpu.memref_squeeze %dma_start3A_31 : memref<1x128xi32, #tpu.memory_space<vmem>> -> memref<128xi32, #tpu.memory_space<vmem>>
      %dma_start3A_33 = arith.constant 0 : i32
      %dma_start3A_34 = arith.constant 0 : i32
      %dma_start3A_35 = tpu.memref_slice %arg12[%dma_start3A_33, %dma_start3A_34] : memref<10112x32xf32, #tpu.memory_space<vmem_shared>> -> memref<10112x32xf32, #tpu.memory_space<vmem_shared>>
      tpu.enqueue_indirect_dma source(%dma_start3A_35 : memref<10112x32xf32, #tpu.memory_space<vmem_shared>>) target(%arg10 : memref<128x32xf32, #tpu.memory_space<vmem>>) offsets(%dma_start3A_32 : memref<128xi32, #tpu.memory_space<vmem>>) semaphore(%arg14 : memref<!tpu.dma_semaphore, #tpu.memory_space<semaphore_mem>>)
      %dma_wait3A = arith.constant 0 : i32
      %dma_wait3A_36 = tpu.memref_slice %arg7[%mul3A_27, %dma_wait3A] : memref<80x128xi32, #tpu.memory_space<vmem>> -> memref<1x128xi32, #tpu.memory_space<vmem>>
      %dma_wait3A_37 = tpu.memref_squeeze %dma_wait3A_36 : memref<1x128xi32, #tpu.memory_space<vmem>> -> memref<128xi32, #tpu.memory_space<vmem>>
      %dma_wait3A_38 = arith.constant 0 : i32
      %dma_wait3A_39 = arith.constant 0 : i32
      %dma_wait3A_40 = tpu.memref_slice %arg12[%dma_wait3A_38, %dma_wait3A_39] : memref<10112x32xf32, #tpu.memory_space<vmem_shared>> -> memref<10112x32xf32, #tpu.memory_space<vmem_shared>>
      tpu.wait_indirect_dma semaphore(%arg13 : memref<!tpu.dma_semaphore, #tpu.memory_space<semaphore_mem>>) src(%dma_wait3A_40 : memref<10112x32xf32, #tpu.memory_space<vmem_shared>>) dst(%arg9 : memref<128x32xf32, #tpu.memory_space<vmem>>)
      "tpu.region"() ({
        %run_scoped3A = tpu.sem_alloc : memref<!tpu.dma_semaphore, #tpu.memory_space<semaphore_mem>>
        %dma_start3A_53 = arith.constant 0 : i32
        %dma_start3A_54 = tpu.memref_slice %arg8[%mul3A_27, %dma_start3A_53] : memref<80x128xi32, #tpu.memory_space<vmem>> -> memref<1x128xi32, #tpu.memory_space<vmem>>
        %dma_start3A_55 = tpu.memref_squeeze %dma_start3A_54 : memref<1x128xi32, #tpu.memory_space<vmem>> -> memref<128xi32, #tpu.memory_space<vmem>>
        %dma_start3A_56 = arith.constant 0 : i32
        %dma_start3A_57 = arith.constant 0 : i32
        %dma_start3A_58 = tpu.memref_slice %arg11[%dma_start3A_56, %dma_start3A_57] : memref<10112x32xf32, #tpu.memory_space<vmem_shared>> -> memref<10112x32xf32, #tpu.memory_space<vmem_shared>>
        tpu.enqueue_indirect_dma source(%arg9 : memref<128x32xf32, #tpu.memory_space<vmem>>) target(%dma_start3A_58 : memref<10112x32xf32, #tpu.memory_space<vmem_shared>>) offsets(%dma_start3A_55 : memref<128xi32, #tpu.memory_space<vmem>>) semaphore(%run_scoped3A : memref<!tpu.dma_semaphore, #tpu.memory_space<semaphore_mem>>) {add = true}
        %dma_wait3A_59 = arith.constant 0 : i32
        %dma_wait3A_60 = tpu.memref_slice %arg8[%mul3A_27, %dma_wait3A_59] : memref<80x128xi32, #tpu.memory_space<vmem>> -> memref<1x128xi32, #tpu.memory_space<vmem>>
        %dma_wait3A_61 = tpu.memref_squeeze %dma_wait3A_60 : memref<1x128xi32, #tpu.memory_space<vmem>> -> memref<128xi32, #tpu.memory_space<vmem>>
        %dma_wait3A_62 = arith.constant 0 : i32
        %dma_wait3A_63 = arith.constant 0 : i32
        %dma_wait3A_64 = tpu.memref_slice %arg11[%dma_wait3A_62, %dma_wait3A_63] : memref<10112x32xf32, #tpu.memory_space<vmem_shared>> -> memref<10112x32xf32, #tpu.memory_space<vmem_shared>>
        tpu.wait_indirect_dma semaphore(%run_scoped3A : memref<!tpu.dma_semaphore, #tpu.memory_space<semaphore_mem>>) src(%arg9 : memref<128x32xf32, #tpu.memory_space<vmem>>) dst(%dma_wait3A_64 : memref<10112x32xf32, #tpu.memory_space<vmem_shared>>)
        tpu.yield
      }) : () -> ()
      %lt3A = arith.constant 39 : i32
      %lt3A_41 = arith.cmpi slt, %scan3A_25, %lt3A : i32
      %convert_element_type3A = arith.extui %lt3A_41 : i1 to i32
      %cond3A = arith.constant 0 : i32
      %cond3A_42 = arith.cmpi ne, %convert_element_type3A, %cond3A : i32
      scf.if %cond3A_42 {
        %add3A_53 = arith.constant 2 : i32
        %add3A_54 = arith.addi %mul3A_27, %add3A_53 : i32
        %dma_start3A_55 = arith.constant 0 : i32
        %dma_start3A_56 = tpu.memref_slice %arg7[%add3A_54, %dma_start3A_55] : memref<80x128xi32, #tpu.memory_space<vmem>> -> memref<1x128xi32, #tpu.memory_space<vmem>>
        %dma_start3A_57 = tpu.memref_squeeze %dma_start3A_56 : memref<1x128xi32, #tpu.memory_space<vmem>> -> memref<128xi32, #tpu.memory_space<vmem>>
        %dma_start3A_58 = arith.constant 0 : i32
        %dma_start3A_59 = arith.constant 0 : i32
        %dma_start3A_60 = tpu.memref_slice %arg12[%dma_start3A_58, %dma_start3A_59] : memref<10112x32xf32, #tpu.memory_space<vmem_shared>> -> memref<10112x32xf32, #tpu.memory_space<vmem_shared>>
        tpu.enqueue_indirect_dma source(%dma_start3A_60 : memref<10112x32xf32, #tpu.memory_space<vmem_shared>>) target(%arg9 : memref<128x32xf32, #tpu.memory_space<vmem>>) offsets(%dma_start3A_57 : memref<128xi32, #tpu.memory_space<vmem>>) semaphore(%arg13 : memref<!tpu.dma_semaphore, #tpu.memory_space<semaphore_mem>>)
      } else {
      }
      %add3A_43 = arith.constant 1 : i32
      %add3A_44 = arith.addi %mul3A_27, %add3A_43 : i32
      %dma_wait3A_45 = arith.constant 0 : i32
      %dma_wait3A_46 = tpu.memref_slice %arg7[%add3A_44, %dma_wait3A_45] : memref<80x128xi32, #tpu.memory_space<vmem>> -> memref<1x128xi32, #tpu.memory_space<vmem>>
      %dma_wait3A_47 = tpu.memref_squeeze %dma_wait3A_46 : memref<1x128xi32, #tpu.memory_space<vmem>> -> memref<128xi32, #tpu.memory_space<vmem>>
      %dma_wait3A_48 = arith.constant 0 : i32
      %dma_wait3A_49 = arith.constant 0 : i32
      %dma_wait3A_50 = tpu.memref_slice %arg12[%dma_wait3A_48, %dma_wait3A_49] : memref<10112x32xf32, #tpu.memory_space<vmem_shared>> -> memref<10112x32xf32, #tpu.memory_space<vmem_shared>>
      tpu.wait_indirect_dma semaphore(%arg14 : memref<!tpu.dma_semaphore, #tpu.memory_space<semaphore_mem>>) src(%dma_wait3A_50 : memref<10112x32xf32, #tpu.memory_space<vmem_shared>>) dst(%arg10 : memref<128x32xf32, #tpu.memory_space<vmem>>)
      %add3A_51 = arith.constant 1 : i32
      %add3A_52 = arith.addi %mul3A_27, %add3A_51 : i32
      "tpu.region"() ({
        %run_scoped3A = tpu.sem_alloc : memref<!tpu.dma_semaphore, #tpu.memory_space<semaphore_mem>>
        %dma_start3A_53 = arith.constant 0 : i32
        %dma_start3A_54 = tpu.memref_slice %arg8[%add3A_52, %dma_start3A_53] : memref<80x128xi32, #tpu.memory_space<vmem>> -> memref<1x128xi32, #tpu.memory_space<vmem>>
        %dma_start3A_55 = tpu.memref_squeeze %dma_start3A_54 : memref<1x128xi32, #tpu.memory_space<vmem>> -> memref<128xi32, #tpu.memory_space<vmem>>
        %dma_start3A_56 = arith.constant 0 : i32
        %dma_start3A_57 = arith.constant 0 : i32
        %dma_start3A_58 = tpu.memref_slice %arg11[%dma_start3A_56, %dma_start3A_57] : memref<10112x32xf32, #tpu.memory_space<vmem_shared>> -> memref<10112x32xf32, #tpu.memory_space<vmem_shared>>
        tpu.enqueue_indirect_dma source(%arg10 : memref<128x32xf32, #tpu.memory_space<vmem>>) target(%dma_start3A_58 : memref<10112x32xf32, #tpu.memory_space<vmem_shared>>) offsets(%dma_start3A_55 : memref<128xi32, #tpu.memory_space<vmem>>) semaphore(%run_scoped3A : memref<!tpu.dma_semaphore, #tpu.memory_space<semaphore_mem>>) {add = true}
        %dma_wait3A_59 = arith.constant 0 : i32
        %dma_wait3A_60 = tpu.memref_slice %arg8[%add3A_52, %dma_wait3A_59] : memref<80x128xi32, #tpu.memory_space<vmem>> -> memref<1x128xi32, #tpu.memory_space<vmem>>
        %dma_wait3A_61 = tpu.memref_squeeze %dma_wait3A_60 : memref<1x128xi32, #tpu.memory_space<vmem>> -> memref<128xi32, #tpu.memory_space<vmem>>
        %dma_wait3A_62 = arith.constant 0 : i32
        %dma_wait3A_63 = arith.constant 0 : i32
        %dma_wait3A_64 = tpu.memref_slice %arg11[%dma_wait3A_62, %dma_wait3A_63] : memref<10112x32xf32, #tpu.memory_space<vmem_shared>> -> memref<10112x32xf32, #tpu.memory_space<vmem_shared>>
        tpu.wait_indirect_dma semaphore(%run_scoped3A : memref<!tpu.dma_semaphore, #tpu.memory_space<semaphore_mem>>) src(%arg10 : memref<128x32xf32, #tpu.memory_space<vmem>>) dst(%dma_wait3A_64 : memref<10112x32xf32, #tpu.memory_space<vmem_shared>>)
        tpu.yield
      }) : () -> ()
    }
    %scan3A_19 = arith.constant 40 : i32
    %barrier3A_20 = arith.constant 0 : index
    tpu.barrier barrier_id(%barrier3A_20)
    %mul3A_21 = arith.constant 632 : i32
    %mul3A_22 = arith.muli %arg1, %mul3A_21 : i32
    %mul3A_23 = arith.constant 632 : i32
    %mul3A_24 = arith.muli %arg1, %mul3A_23 : i32
    "tpu.region"() ({
      %run_scoped3A = tpu.sem_alloc : memref<!tpu.dma_semaphore, #tpu.memory_space<semaphore_mem>>
      %dma_start3A_25 = arith.constant 0 : i32
      %dma_start3A_26 = tpu.memref_slice %arg6[%arg0, %mul3A_24, %dma_start3A_25] : memref<2x10112x32xf32, #tpu.memory_space<hbm>> -> memref<1x632x32xf32, #tpu.memory_space<hbm>>
      %dma_start3A_27 = tpu.memref_squeeze %dma_start3A_26 : memref<1x632x32xf32, #tpu.memory_space<hbm>> -> memref<632x32xf32, #tpu.memory_space<hbm>>
      %dma_start3A_28 = arith.constant 0 : i32
      %dma_start3A_29 = tpu.memref_slice %arg11[%mul3A_22, %dma_start3A_28] : memref<10112x32xf32, #tpu.memory_space<vmem_shared>> -> memref<632x32xf32, #tpu.memory_space<vmem_shared>>
      tpu.enqueue_dma source(%dma_start3A_29 : memref<632x32xf32, #tpu.memory_space<vmem_shared>>) target(%dma_start3A_27 : memref<632x32xf32, #tpu.memory_space<hbm>>) target_semaphore(%run_scoped3A : memref<!tpu.dma_semaphore, #tpu.memory_space<semaphore_mem>>)
      %dma_wait3A = arith.constant 0 : i32
      %dma_wait3A_30 = tpu.memref_slice %arg6[%arg0, %mul3A_24, %dma_wait3A] : memref<2x10112x32xf32, #tpu.memory_space<hbm>> -> memref<1x632x32xf32, #tpu.memory_space<hbm>>
      %dma_wait3A_31 = tpu.memref_squeeze %dma_wait3A_30 : memref<1x632x32xf32, #tpu.memory_space<hbm>> -> memref<632x32xf32, #tpu.memory_space<hbm>>
      %dma_wait3A_32 = arith.constant 0 : i32
      %dma_wait3A_33 = tpu.memref_slice %arg11[%mul3A_22, %dma_wait3A_32] : memref<10112x32xf32, #tpu.memory_space<vmem_shared>> -> memref<632x32xf32, #tpu.memory_space<vmem_shared>>
      tpu.wait_dma2 semaphore(%run_scoped3A : memref<!tpu.dma_semaphore, #tpu.memory_space<semaphore_mem>>) src(%dma_wait3A_33 : memref<632x32xf32, #tpu.memory_space<vmem_shared>>) dst(%dma_wait3A_31 : memref<632x32xf32, #tpu.memory_space<hbm>>)
      tpu.yield
    }) : () -> ()
    return
  }
}

#map = affine_map<(d0, d1) -> (0, 0)>
#map1 = affine_map<(d0, d1) -> (0, 0, 0)>
module attributes {stable_mosaic.version = 14 : i64} {
  func.func @_sc_scatter(%arg0: i32, %arg1: i32, %arg2: memref<10112x32xf32, #tpu.memory_space<hbm>>, %arg3: memref<32x80x128xi32, #tpu.memory_space<hbm>>, %arg4: memref<32x80x128xi32, #tpu.memory_space<hbm>>, %arg5: memref<10112x32xf32, #tpu.memory_space<hbm>>, %arg6: memref<2x10112x32xf32, #tpu.memory_space<hbm>>, %arg7: memref<80x128xi32, #tpu.memory_space<vmem>>, %arg8: memref<80x128xi32, #tpu.memory_space<vmem>>, %arg9: memref<128x32xf32, #tpu.memory_space<vmem>>, %arg10: memref<128x32xf32, #tpu.memory_space<vmem>>, %arg11: memref<10112x32xf32, #tpu.memory_space<vmem_shared>>, %arg12: memref<10112x32xf32, #tpu.memory_space<vmem_shared>>, %arg13: memref<!tpu.dma_semaphore, #tpu.memory_space<semaphore_mem>>, %arg14: memref<!tpu.dma_semaphore, #tpu.memory_space<semaphore_mem>>) attributes {dimension_semantics = [#tpu.dimension_semantics<core_parallel>, #tpu.dimension_semantics<subcore_parallel>], iteration_bounds = array<i64: 2, 16>, scalar_prefetch = 0 : i64, scratch_operands = 8 : i64, tpu.core_type = #tpu.core_type<sc_vector_subcore>, window_params = [{transform_indices = #map}, {transform_indices = #map1}, {transform_indices = #map1}, {transform_indices = #map}, {transform_indices = #map1}]} {
    %mul3A = arith.constant 2 : i32
    %mul3A_0 = arith.muli %arg1, %mul3A : i32
    %add3A = arith.addi %mul3A_0, %arg0 : i32
    "tpu.region"() ({
      %run_scoped3A = tpu.sem_alloc : memref<!tpu.dma_semaphore, #tpu.memory_space<semaphore_mem>>
      %dma_start3A_25 = arith.constant 0 : i32
      %dma_start3A_26 = arith.constant 0 : i32
      %dma_start3A_27 = tpu.memref_slice %arg3[%add3A, %dma_start3A_25, %dma_start3A_26] : memref<32x80x128xi32, #tpu.memory_space<hbm>> -> memref<1x80x128xi32, #tpu.memory_space<hbm>>
      %dma_start3A_28 = tpu.memref_squeeze %dma_start3A_27 : memref<1x80x128xi32, #tpu.memory_space<hbm>> -> memref<80x128xi32, #tpu.memory_space<hbm>>
      %dma_start3A_29 = arith.constant 0 : i32
      %dma_start3A_30 = arith.constant 0 : i32
      %dma_start3A_31 = tpu.memref_slice %arg3[%add3A, %dma_start3A_29, %dma_start3A_30] : memref<32x80x128xi32, #tpu.memory_space<hbm>> -> memref<1x80x128xi32, #tpu.memory_space<hbm>>
      %dma_start3A_32 = tpu.memref_squeeze %dma_start3A_31 : memref<1x80x128xi32, #tpu.memory_space<hbm>> -> memref<80x128xi32, #tpu.memory_space<hbm>>
      tpu.enqueue_dma source(%dma_start3A_32 : memref<80x128xi32, #tpu.memory_space<hbm>>) target(%arg7 : memref<80x128xi32, #tpu.memory_space<vmem>>) target_semaphore(%run_scoped3A : memref<!tpu.dma_semaphore, #tpu.memory_space<semaphore_mem>>)
      %dma_wait3A = arith.constant 0 : i32
      %dma_wait3A_33 = arith.constant 0 : i32
      %dma_wait3A_34 = tpu.memref_slice %arg3[%add3A, %dma_wait3A, %dma_wait3A_33] : memref<32x80x128xi32, #tpu.memory_space<hbm>> -> memref<1x80x128xi32, #tpu.memory_space<hbm>>
      %dma_wait3A_35 = tpu.memref_squeeze %dma_wait3A_34 : memref<1x80x128xi32, #tpu.memory_space<hbm>> -> memref<80x128xi32, #tpu.memory_space<hbm>>
      %dma_wait3A_36 = arith.constant 0 : i32
      %dma_wait3A_37 = arith.constant 0 : i32
      %dma_wait3A_38 = tpu.memref_slice %arg3[%add3A, %dma_wait3A_36, %dma_wait3A_37] : memref<32x80x128xi32, #tpu.memory_space<hbm>> -> memref<1x80x128xi32, #tpu.memory_space<hbm>>
      %dma_wait3A_39 = tpu.memref_squeeze %dma_wait3A_38 : memref<1x80x128xi32, #tpu.memory_space<hbm>> -> memref<80x128xi32, #tpu.memory_space<hbm>>
      tpu.wait_dma2 semaphore(%run_scoped3A : memref<!tpu.dma_semaphore, #tpu.memory_space<semaphore_mem>>) src(%dma_wait3A_39 : memref<80x128xi32, #tpu.memory_space<hbm>>) dst(%arg7 : memref<80x128xi32, #tpu.memory_space<vmem>>)
      tpu.yield
    }) : () -> ()
    "tpu.region"() ({
      %run_scoped3A = tpu.sem_alloc : memref<!tpu.dma_semaphore, #tpu.memory_space<semaphore_mem>>
      %dma_start3A_25 = arith.constant 0 : i32
      %dma_start3A_26 = arith.constant 0 : i32
      %dma_start3A_27 = tpu.memref_slice %arg4[%add3A, %dma_start3A_25, %dma_start3A_26] : memref<32x80x128xi32, #tpu.memory_space<hbm>> -> memref<1x80x128xi32, #tpu.memory_space<hbm>>
      %dma_start3A_28 = tpu.memref_squeeze %dma_start3A_27 : memref<1x80x128xi32, #tpu.memory_space<hbm>> -> memref<80x128xi32, #tpu.memory_space<hbm>>
      %dma_start3A_29 = arith.constant 0 : i32
      %dma_start3A_30 = arith.constant 0 : i32
      %dma_start3A_31 = tpu.memref_slice %arg4[%add3A, %dma_start3A_29, %dma_start3A_30] : memref<32x80x128xi32, #tpu.memory_space<hbm>> -> memref<1x80x128xi32, #tpu.memory_space<hbm>>
      %dma_start3A_32 = tpu.memref_squeeze %dma_start3A_31 : memref<1x80x128xi32, #tpu.memory_space<hbm>> -> memref<80x128xi32, #tpu.memory_space<hbm>>
      tpu.enqueue_dma source(%dma_start3A_32 : memref<80x128xi32, #tpu.memory_space<hbm>>) target(%arg8 : memref<80x128xi32, #tpu.memory_space<vmem>>) target_semaphore(%run_scoped3A : memref<!tpu.dma_semaphore, #tpu.memory_space<semaphore_mem>>)
      %dma_wait3A = arith.constant 0 : i32
      %dma_wait3A_33 = arith.constant 0 : i32
      %dma_wait3A_34 = tpu.memref_slice %arg4[%add3A, %dma_wait3A, %dma_wait3A_33] : memref<32x80x128xi32, #tpu.memory_space<hbm>> -> memref<1x80x128xi32, #tpu.memory_space<hbm>>
      %dma_wait3A_35 = tpu.memref_squeeze %dma_wait3A_34 : memref<1x80x128xi32, #tpu.memory_space<hbm>> -> memref<80x128xi32, #tpu.memory_space<hbm>>
      %dma_wait3A_36 = arith.constant 0 : i32
      %dma_wait3A_37 = arith.constant 0 : i32
      %dma_wait3A_38 = tpu.memref_slice %arg4[%add3A, %dma_wait3A_36, %dma_wait3A_37] : memref<32x80x128xi32, #tpu.memory_space<hbm>> -> memref<1x80x128xi32, #tpu.memory_space<hbm>>
      %dma_wait3A_39 = tpu.memref_squeeze %dma_wait3A_38 : memref<1x80x128xi32, #tpu.memory_space<hbm>> -> memref<80x128xi32, #tpu.memory_space<hbm>>
      tpu.wait_dma2 semaphore(%run_scoped3A : memref<!tpu.dma_semaphore, #tpu.memory_space<semaphore_mem>>) src(%dma_wait3A_39 : memref<80x128xi32, #tpu.memory_space<hbm>>) dst(%arg8 : memref<80x128xi32, #tpu.memory_space<vmem>>)
      tpu.yield
    }) : () -> ()
    %mul3A_1 = arith.constant 632 : i32
    %mul3A_2 = arith.muli %arg1, %mul3A_1 : i32
    %mul3A_3 = arith.constant 632 : i32
    %mul3A_4 = arith.muli %arg1, %mul3A_3 : i32
    "tpu.region"() ({
      %run_scoped3A = tpu.sem_alloc : memref<!tpu.dma_semaphore, #tpu.memory_space<semaphore_mem>>
      %dma_start3A_25 = arith.constant 0 : i32
      %dma_start3A_26 = tpu.memref_slice %arg11[%mul3A_4, %dma_start3A_25] : memref<10112x32xf32, #tpu.memory_space<vmem_shared>> -> memref<632x32xf32, #tpu.memory_space<vmem_shared>>
      %dma_start3A_27 = arith.constant 0 : i32
      %dma_start3A_28 = tpu.memref_slice %arg5[%mul3A_2, %dma_start3A_27] : memref<10112x32xf32, #tpu.memory_space<hbm>> -> memref<632x32xf32, #tpu.memory_space<hbm>>
      tpu.enqueue_dma source(%dma_start3A_28 : memref<632x32xf32, #tpu.memory_space<hbm>>) target(%dma_start3A_26 : memref<632x32xf32, #tpu.memory_space<vmem_shared>>) target_semaphore(%run_scoped3A : memref<!tpu.dma_semaphore, #tpu.memory_space<semaphore_mem>>)
      %dma_wait3A = arith.constant 0 : i32
      %dma_wait3A_29 = tpu.memref_slice %arg11[%mul3A_4, %dma_wait3A] : memref<10112x32xf32, #tpu.memory_space<vmem_shared>> -> memref<632x32xf32, #tpu.memory_space<vmem_shared>>
      %dma_wait3A_30 = arith.constant 0 : i32
      %dma_wait3A_31 = tpu.memref_slice %arg5[%mul3A_2, %dma_wait3A_30] : memref<10112x32xf32, #tpu.memory_space<hbm>> -> memref<632x32xf32, #tpu.memory_space<hbm>>
      tpu.wait_dma2 semaphore(%run_scoped3A : memref<!tpu.dma_semaphore, #tpu.memory_space<semaphore_mem>>) src(%dma_wait3A_31 : memref<632x32xf32, #tpu.memory_space<hbm>>) dst(%dma_wait3A_29 : memref<632x32xf32, #tpu.memory_space<vmem_shared>>)
      tpu.yield
    }) : () -> ()
    %mul3A_5 = arith.constant 632 : i32
    %mul3A_6 = arith.muli %arg1, %mul3A_5 : i32
    %mul3A_7 = arith.constant 632 : i32
    %mul3A_8 = arith.muli %arg1, %mul3A_7 : i32
    "tpu.region"() ({
      %run_scoped3A = tpu.sem_alloc : memref<!tpu.dma_semaphore, #tpu.memory_space<semaphore_mem>>
      %dma_start3A_25 = arith.constant 0 : i32
      %dma_start3A_26 = tpu.memref_slice %arg12[%mul3A_8, %dma_start3A_25] : memref<10112x32xf32, #tpu.memory_space<vmem_shared>> -> memref<632x32xf32, #tpu.memory_space<vmem_shared>>
      %dma_start3A_27 = arith.constant 0 : i32
      %dma_start3A_28 = tpu.memref_slice %arg2[%mul3A_6, %dma_start3A_27] : memref<10112x32xf32, #tpu.memory_space<hbm>> -> memref<632x32xf32, #tpu.memory_space<hbm>>
      tpu.enqueue_dma source(%dma_start3A_28 : memref<632x32xf32, #tpu.memory_space<hbm>>) target(%dma_start3A_26 : memref<632x32xf32, #tpu.memory_space<vmem_shared>>) target_semaphore(%run_scoped3A : memref<!tpu.dma_semaphore, #tpu.memory_space<semaphore_mem>>)
      %dma_wait3A = arith.constant 0 : i32
      %dma_wait3A_29 = tpu.memref_slice %arg12[%mul3A_8, %dma_wait3A] : memref<10112x32xf32, #tpu.memory_space<vmem_shared>> -> memref<632x32xf32, #tpu.memory_space<vmem_shared>>
      %dma_wait3A_30 = arith.constant 0 : i32
      %dma_wait3A_31 = tpu.memref_slice %arg2[%mul3A_6, %dma_wait3A_30] : memref<10112x32xf32, #tpu.memory_space<hbm>> -> memref<632x32xf32, #tpu.memory_space<hbm>>
      tpu.wait_dma2 semaphore(%run_scoped3A : memref<!tpu.dma_semaphore, #tpu.memory_space<semaphore_mem>>) src(%dma_wait3A_31 : memref<632x32xf32, #tpu.memory_space<hbm>>) dst(%dma_wait3A_29 : memref<632x32xf32, #tpu.memory_space<vmem_shared>>)
      tpu.yield
    }) : () -> ()
    %barrier3A = arith.constant 0 : index
    tpu.barrier barrier_id(%barrier3A)
    %dma_start3A = arith.constant 0 : i32
    %dma_start3A_9 = arith.constant 0 : i32
    %dma_start3A_10 = tpu.memref_slice %arg7[%dma_start3A, %dma_start3A_9] : memref<80x128xi32, #tpu.memory_space<vmem>> -> memref<1x128xi32, #tpu.memory_space<vmem>>
    %dma_start3A_11 = tpu.memref_squeeze %dma_start3A_10 : memref<1x128xi32, #tpu.memory_space<vmem>> -> memref<128xi32, #tpu.memory_space<vmem>>
    %dma_start3A_12 = arith.constant 0 : i32
    %dma_start3A_13 = arith.constant 0 : i32
    %dma_start3A_14 = tpu.memref_slice %arg12[%dma_start3A_12, %dma_start3A_13] : memref<10112x32xf32, #tpu.memory_space<vmem_shared>> -> memref<10112x32xf32, #tpu.memory_space<vmem_shared>>
    tpu.enqueue_indirect_dma source(%dma_start3A_14 : memref<10112x32xf32, #tpu.memory_space<vmem_shared>>) target(%arg9 : memref<128x32xf32, #tpu.memory_space<vmem>>) offsets(%dma_start3A_11 : memref<128xi32, #tpu.memory_space<vmem>>) semaphore(%arg13 : memref<!tpu.dma_semaphore, #tpu.memory_space<semaphore_mem>>)
    %scan3A = arith.constant 0 : i32
    %scan3A_15 = arith.constant 0 : i32
    %scan3A_16 = arith.constant 40 : i32
    %scan3A_17 = arith.addi %scan3A_15, %scan3A_16 : i32
    %scan3A_18 = arith.constant 1 : i32
    scf.for %scan3A_25 = %scan3A_15 to %scan3A_17 step %scan3A_18  : i32 {
      %mul3A_26 = arith.constant 2 : i32
      %mul3A_27 = arith.muli %mul3A_26, %scan3A_25 : i32
      %add3A_28 = arith.constant 1 : i32
      %add3A_29 = arith.addi %mul3A_27, %add3A_28 : i32
      %dma_start3A_30 = arith.constant 0 : i32
      %dma_start3A_31 = tpu.memref_slice %arg7[%add3A_29, %dma_start3A_30] : memref<80x128xi32, #tpu.memory_space<vmem>> -> memref<1x128xi32, #tpu.memory_space<vmem>>
      %dma_start3A_32 = tpu.memref_squeeze %dma_start3A_31 : memref<1x128xi32, #tpu.memory_space<vmem>> -> memref<128xi32, #tpu.memory_space<vmem>>
      %dma_start3A_33 = arith.constant 0 : i32
      %dma_start3A_34 = arith.constant 0 : i32
      %dma_start3A_35 = tpu.memref_slice %arg12[%dma_start3A_33, %dma_start3A_34] : memref<10112x32xf32, #tpu.memory_space<vmem_shared>> -> memref<10112x32xf32, #tpu.memory_space<vmem_shared>>
      tpu.enqueue_indirect_dma source(%dma_start3A_35 : memref<10112x32xf32, #tpu.memory_space<vmem_shared>>) target(%arg10 : memref<128x32xf32, #tpu.memory_space<vmem>>) offsets(%dma_start3A_32 : memref<128xi32, #tpu.memory_space<vmem>>) semaphore(%arg14 : memref<!tpu.dma_semaphore, #tpu.memory_space<semaphore_mem>>)
      %dma_wait3A = arith.constant 0 : i32
      %dma_wait3A_36 = tpu.memref_slice %arg7[%mul3A_27, %dma_wait3A] : memref<80x128xi32, #tpu.memory_space<vmem>> -> memref<1x128xi32, #tpu.memory_space<vmem>>
      %dma_wait3A_37 = tpu.memref_squeeze %dma_wait3A_36 : memref<1x128xi32, #tpu.memory_space<vmem>> -> memref<128xi32, #tpu.memory_space<vmem>>
      %dma_wait3A_38 = arith.constant 0 : i32
      %dma_wait3A_39 = arith.constant 0 : i32
      %dma_wait3A_40 = tpu.memref_slice %arg12[%dma_wait3A_38, %dma_wait3A_39] : memref<10112x32xf32, #tpu.memory_space<vmem_shared>> -> memref<10112x32xf32, #tpu.memory_space<vmem_shared>>
      tpu.wait_indirect_dma semaphore(%arg13 : memref<!tpu.dma_semaphore, #tpu.memory_space<semaphore_mem>>) src(%dma_wait3A_40 : memref<10112x32xf32, #tpu.memory_space<vmem_shared>>) dst(%arg9 : memref<128x32xf32, #tpu.memory_space<vmem>>)
      "tpu.region"() ({
        %run_scoped3A = tpu.sem_alloc : memref<!tpu.dma_semaphore, #tpu.memory_space<semaphore_mem>>
        %dma_start3A_53 = arith.constant 0 : i32
        %dma_start3A_54 = tpu.memref_slice %arg8[%mul3A_27, %dma_start3A_53] : memref<80x128xi32, #tpu.memory_space<vmem>> -> memref<1x128xi32, #tpu.memory_space<vmem>>
        %dma_start3A_55 = tpu.memref_squeeze %dma_start3A_54 : memref<1x128xi32, #tpu.memory_space<vmem>> -> memref<128xi32, #tpu.memory_space<vmem>>
        %dma_start3A_56 = arith.constant 0 : i32
        %dma_start3A_57 = arith.constant 0 : i32
        %dma_start3A_58 = tpu.memref_slice %arg11[%dma_start3A_56, %dma_start3A_57] : memref<10112x32xf32, #tpu.memory_space<vmem_shared>> -> memref<10112x32xf32, #tpu.memory_space<vmem_shared>>
        tpu.enqueue_indirect_dma source(%arg9 : memref<128x32xf32, #tpu.memory_space<vmem>>) target(%dma_start3A_58 : memref<10112x32xf32, #tpu.memory_space<vmem_shared>>) offsets(%dma_start3A_55 : memref<128xi32, #tpu.memory_space<vmem>>) semaphore(%run_scoped3A : memref<!tpu.dma_semaphore, #tpu.memory_space<semaphore_mem>>) {add = true}
        %dma_wait3A_59 = arith.constant 0 : i32
        %dma_wait3A_60 = tpu.memref_slice %arg8[%mul3A_27, %dma_wait3A_59] : memref<80x128xi32, #tpu.memory_space<vmem>> -> memref<1x128xi32, #tpu.memory_space<vmem>>
        %dma_wait3A_61 = tpu.memref_squeeze %dma_wait3A_60 : memref<1x128xi32, #tpu.memory_space<vmem>> -> memref<128xi32, #tpu.memory_space<vmem>>
        %dma_wait3A_62 = arith.constant 0 : i32
        %dma_wait3A_63 = arith.constant 0 : i32
        %dma_wait3A_64 = tpu.memref_slice %arg11[%dma_wait3A_62, %dma_wait3A_63] : memref<10112x32xf32, #tpu.memory_space<vmem_shared>> -> memref<10112x32xf32, #tpu.memory_space<vmem_shared>>
        tpu.wait_indirect_dma semaphore(%run_scoped3A : memref<!tpu.dma_semaphore, #tpu.memory_space<semaphore_mem>>) src(%arg9 : memref<128x32xf32, #tpu.memory_space<vmem>>) dst(%dma_wait3A_64 : memref<10112x32xf32, #tpu.memory_space<vmem_shared>>)
        tpu.yield
      }) : () -> ()
      %lt3A = arith.constant 39 : i32
      %lt3A_41 = arith.cmpi slt, %scan3A_25, %lt3A : i32
      %convert_element_type3A = arith.extui %lt3A_41 : i1 to i32
      %cond3A = arith.constant 0 : i32
      %cond3A_42 = arith.cmpi ne, %convert_element_type3A, %cond3A : i32
      scf.if %cond3A_42 {
        %add3A_53 = arith.constant 2 : i32
        %add3A_54 = arith.addi %mul3A_27, %add3A_53 : i32
        %dma_start3A_55 = arith.constant 0 : i32
        %dma_start3A_56 = tpu.memref_slice %arg7[%add3A_54, %dma_start3A_55] : memref<80x128xi32, #tpu.memory_space<vmem>> -> memref<1x128xi32, #tpu.memory_space<vmem>>
        %dma_start3A_57 = tpu.memref_squeeze %dma_start3A_56 : memref<1x128xi32, #tpu.memory_space<vmem>> -> memref<128xi32, #tpu.memory_space<vmem>>
        %dma_start3A_58 = arith.constant 0 : i32
        %dma_start3A_59 = arith.constant 0 : i32
        %dma_start3A_60 = tpu.memref_slice %arg12[%dma_start3A_58, %dma_start3A_59] : memref<10112x32xf32, #tpu.memory_space<vmem_shared>> -> memref<10112x32xf32, #tpu.memory_space<vmem_shared>>
        tpu.enqueue_indirect_dma source(%dma_start3A_60 : memref<10112x32xf32, #tpu.memory_space<vmem_shared>>) target(%arg9 : memref<128x32xf32, #tpu.memory_space<vmem>>) offsets(%dma_start3A_57 : memref<128xi32, #tpu.memory_space<vmem>>) semaphore(%arg13 : memref<!tpu.dma_semaphore, #tpu.memory_space<semaphore_mem>>)
      } else {
      }
      %add3A_43 = arith.constant 1 : i32
      %add3A_44 = arith.addi %mul3A_27, %add3A_43 : i32
      %dma_wait3A_45 = arith.constant 0 : i32
      %dma_wait3A_46 = tpu.memref_slice %arg7[%add3A_44, %dma_wait3A_45] : memref<80x128xi32, #tpu.memory_space<vmem>> -> memref<1x128xi32, #tpu.memory_space<vmem>>
      %dma_wait3A_47 = tpu.memref_squeeze %dma_wait3A_46 : memref<1x128xi32, #tpu.memory_space<vmem>> -> memref<128xi32, #tpu.memory_space<vmem>>
      %dma_wait3A_48 = arith.constant 0 : i32
      %dma_wait3A_49 = arith.constant 0 : i32
      %dma_wait3A_50 = tpu.memref_slice %arg12[%dma_wait3A_48, %dma_wait3A_49] : memref<10112x32xf32, #tpu.memory_space<vmem_shared>> -> memref<10112x32xf32, #tpu.memory_space<vmem_shared>>
      tpu.wait_indirect_dma semaphore(%arg14 : memref<!tpu.dma_semaphore, #tpu.memory_space<semaphore_mem>>) src(%dma_wait3A_50 : memref<10112x32xf32, #tpu.memory_space<vmem_shared>>) dst(%arg10 : memref<128x32xf32, #tpu.memory_space<vmem>>)
      %add3A_51 = arith.constant 1 : i32
      %add3A_52 = arith.addi %mul3A_27, %add3A_51 : i32
      "tpu.region"() ({
        %run_scoped3A = tpu.sem_alloc : memref<!tpu.dma_semaphore, #tpu.memory_space<semaphore_mem>>
        %dma_start3A_53 = arith.constant 0 : i32
        %dma_start3A_54 = tpu.memref_slice %arg8[%add3A_52, %dma_start3A_53] : memref<80x128xi32, #tpu.memory_space<vmem>> -> memref<1x128xi32, #tpu.memory_space<vmem>>
        %dma_start3A_55 = tpu.memref_squeeze %dma_start3A_54 : memref<1x128xi32, #tpu.memory_space<vmem>> -> memref<128xi32, #tpu.memory_space<vmem>>
        %dma_start3A_56 = arith.constant 0 : i32
        %dma_start3A_57 = arith.constant 0 : i32
        %dma_start3A_58 = tpu.memref_slice %arg11[%dma_start3A_56, %dma_start3A_57] : memref<10112x32xf32, #tpu.memory_space<vmem_shared>> -> memref<10112x32xf32, #tpu.memory_space<vmem_shared>>
        tpu.enqueue_indirect_dma source(%arg10 : memref<128x32xf32, #tpu.memory_space<vmem>>) target(%dma_start3A_58 : memref<10112x32xf32, #tpu.memory_space<vmem_shared>>) offsets(%dma_start3A_55 : memref<128xi32, #tpu.memory_space<vmem>>) semaphore(%run_scoped3A : memref<!tpu.dma_semaphore, #tpu.memory_space<semaphore_mem>>) {add = true}
        %dma_wait3A_59 = arith.constant 0 : i32
        %dma_wait3A_60 = tpu.memref_slice %arg8[%add3A_52, %dma_wait3A_59] : memref<80x128xi32, #tpu.memory_space<vmem>> -> memref<1x128xi32, #tpu.memory_space<vmem>>
        %dma_wait3A_61 = tpu.memref_squeeze %dma_wait3A_60 : memref<1x128xi32, #tpu.memory_space<vmem>> -> memref<128xi32, #tpu.memory_space<vmem>>
        %dma_wait3A_62 = arith.constant 0 : i32
        %dma_wait3A_63 = arith.constant 0 : i32
        %dma_wait3A_64 = tpu.memref_slice %arg11[%dma_wait3A_62, %dma_wait3A_63] : memref<10112x32xf32, #tpu.memory_space<vmem_shared>> -> memref<10112x32xf32, #tpu.memory_space<vmem_shared>>
        tpu.wait_indirect_dma semaphore(%run_scoped3A : memref<!tpu.dma_semaphore, #tpu.memory_space<semaphore_mem>>) src(%arg10 : memref<128x32xf32, #tpu.memory_space<vmem>>) dst(%dma_wait3A_64 : memref<10112x32xf32, #tpu.memory_space<vmem_shared>>)
        tpu.yield
      }) : () -> ()
    }
    %scan3A_19 = arith.constant 40 : i32
    %barrier3A_20 = arith.constant 0 : index
    tpu.barrier barrier_id(%barrier3A_20)
    %mul3A_21 = arith.constant 632 : i32
    %mul3A_22 = arith.muli %arg1, %mul3A_21 : i32
    %mul3A_23 = arith.constant 632 : i32
    %mul3A_24 = arith.muli %arg1, %mul3A_23 : i32
    "tpu.region"() ({
      %run_scoped3A = tpu.sem_alloc : memref<!tpu.dma_semaphore, #tpu.memory_space<semaphore_mem>>
      %dma_start3A_25 = arith.constant 0 : i32
      %dma_start3A_26 = tpu.memref_slice %arg6[%arg0, %mul3A_24, %dma_start3A_25] : memref<2x10112x32xf32, #tpu.memory_space<hbm>> -> memref<1x632x32xf32, #tpu.memory_space<hbm>>
      %dma_start3A_27 = tpu.memref_squeeze %dma_start3A_26 : memref<1x632x32xf32, #tpu.memory_space<hbm>> -> memref<632x32xf32, #tpu.memory_space<hbm>>
      %dma_start3A_28 = arith.constant 0 : i32
      %dma_start3A_29 = tpu.memref_slice %arg11[%mul3A_22, %dma_start3A_28] : memref<10112x32xf32, #tpu.memory_space<vmem_shared>> -> memref<632x32xf32, #tpu.memory_space<vmem_shared>>
      tpu.enqueue_dma source(%dma_start3A_29 : memref<632x32xf32, #tpu.memory_space<vmem_shared>>) target(%dma_start3A_27 : memref<632x32xf32, #tpu.memory_space<hbm>>) target_semaphore(%run_scoped3A : memref<!tpu.dma_semaphore, #tpu.memory_space<semaphore_mem>>)
      %dma_wait3A = arith.constant 0 : i32
      %dma_wait3A_30 = tpu.memref_slice %arg6[%arg0, %mul3A_24, %dma_wait3A] : memref<2x10112x32xf32, #tpu.memory_space<hbm>> -> memref<1x632x32xf32, #tpu.memory_space<hbm>>
      %dma_wait3A_31 = tpu.memref_squeeze %dma_wait3A_30 : memref<1x632x32xf32, #tpu.memory_space<hbm>> -> memref<632x32xf32, #tpu.memory_space<hbm>>
      %dma_wait3A_32 = arith.constant 0 : i32
      %dma_wait3A_33 = tpu.memref_slice %arg11[%mul3A_22, %dma_wait3A_32] : memref<10112x32xf32, #tpu.memory_space<vmem_shared>> -> memref<632x32xf32, #tpu.memory_space<vmem_shared>>
      tpu.wait_dma2 semaphore(%run_scoped3A : memref<!tpu.dma_semaphore, #tpu.memory_space<semaphore_mem>>) src(%dma_wait3A_33 : memref<632x32xf32, #tpu.memory_space<vmem_shared>>) dst(%dma_wait3A_31 : memref<632x32xf32, #tpu.memory_space<hbm>>)
      tpu.yield
    }) : () -> ()
    return
  }
}

#map = affine_map<(d0, d1) -> (0, 0)>
#map1 = affine_map<(d0, d1) -> (0, 0, 0)>
module attributes {stable_mosaic.version = 14 : i64} {
  func.func @_sc_edge(%arg0: i32, %arg1: i32, %arg2: memref<10112x32xf32, #tpu.memory_space<hbm>>, %arg3: memref<32x80x128xi32, #tpu.memory_space<hbm>>, %arg4: memref<32x80x128xi32, #tpu.memory_space<hbm>>, %arg5: memref<327680x32xf32, #tpu.memory_space<hbm>>, %arg6: memref<327680x32xf32, #tpu.memory_space<hbm>>, %arg7: memref<80x128xi32, #tpu.memory_space<vmem>>, %arg8: memref<80x128xi32, #tpu.memory_space<vmem>>, %arg9: memref<128x32xf32, #tpu.memory_space<vmem>>, %arg10: memref<128x32xf32, #tpu.memory_space<vmem>>, %arg11: memref<128x32xf32, #tpu.memory_space<vmem>>, %arg12: memref<128x32xf32, #tpu.memory_space<vmem>>, %arg13: memref<10112x32xf32, #tpu.memory_space<vmem_shared>>, %arg14: memref<!tpu.dma_semaphore, #tpu.memory_space<semaphore_mem>>, %arg15: memref<!tpu.dma_semaphore, #tpu.memory_space<semaphore_mem>>, %arg16: memref<!tpu.dma_semaphore, #tpu.memory_space<semaphore_mem>>, %arg17: memref<!tpu.dma_semaphore, #tpu.memory_space<semaphore_mem>>) attributes {dimension_semantics = [#tpu.dimension_semantics<core_parallel>, #tpu.dimension_semantics<subcore_parallel>], iteration_bounds = array<i64: 2, 16>, scalar_prefetch = 0 : i64, scratch_operands = 11 : i64, tpu.core_type = #tpu.core_type<sc_vector_subcore>, window_params = [{transform_indices = #map}, {transform_indices = #map1}, {transform_indices = #map1}, {transform_indices = #map}, {transform_indices = #map}]} {
    %mul3A = arith.constant 2 : i32
    %mul3A_0 = arith.muli %arg1, %mul3A : i32
    %add3A = arith.addi %mul3A_0, %arg0 : i32
    "tpu.region"() ({
      %run_scoped3A = tpu.sem_alloc : memref<!tpu.dma_semaphore, #tpu.memory_space<semaphore_mem>>
      %dma_start3A_23 = arith.constant 0 : i32
      %dma_start3A_24 = arith.constant 0 : i32
      %dma_start3A_25 = tpu.memref_slice %arg3[%add3A, %dma_start3A_23, %dma_start3A_24] : memref<32x80x128xi32, #tpu.memory_space<hbm>> -> memref<1x80x128xi32, #tpu.memory_space<hbm>>
      %dma_start3A_26 = tpu.memref_squeeze %dma_start3A_25 : memref<1x80x128xi32, #tpu.memory_space<hbm>> -> memref<80x128xi32, #tpu.memory_space<hbm>>
      %dma_start3A_27 = arith.constant 0 : i32
      %dma_start3A_28 = arith.constant 0 : i32
      %dma_start3A_29 = tpu.memref_slice %arg3[%add3A, %dma_start3A_27, %dma_start3A_28] : memref<32x80x128xi32, #tpu.memory_space<hbm>> -> memref<1x80x128xi32, #tpu.memory_space<hbm>>
      %dma_start3A_30 = tpu.memref_squeeze %dma_start3A_29 : memref<1x80x128xi32, #tpu.memory_space<hbm>> -> memref<80x128xi32, #tpu.memory_space<hbm>>
      tpu.enqueue_dma source(%dma_start3A_30 : memref<80x128xi32, #tpu.memory_space<hbm>>) target(%arg7 : memref<80x128xi32, #tpu.memory_space<vmem>>) target_semaphore(%run_scoped3A : memref<!tpu.dma_semaphore, #tpu.memory_space<semaphore_mem>>)
      %dma_wait3A = arith.constant 0 : i32
      %dma_wait3A_31 = arith.constant 0 : i32
      %dma_wait3A_32 = tpu.memref_slice %arg3[%add3A, %dma_wait3A, %dma_wait3A_31] : memref<32x80x128xi32, #tpu.memory_space<hbm>> -> memref<1x80x128xi32, #tpu.memory_space<hbm>>
      %dma_wait3A_33 = tpu.memref_squeeze %dma_wait3A_32 : memref<1x80x128xi32, #tpu.memory_space<hbm>> -> memref<80x128xi32, #tpu.memory_space<hbm>>
      %dma_wait3A_34 = arith.constant 0 : i32
      %dma_wait3A_35 = arith.constant 0 : i32
      %dma_wait3A_36 = tpu.memref_slice %arg3[%add3A, %dma_wait3A_34, %dma_wait3A_35] : memref<32x80x128xi32, #tpu.memory_space<hbm>> -> memref<1x80x128xi32, #tpu.memory_space<hbm>>
      %dma_wait3A_37 = tpu.memref_squeeze %dma_wait3A_36 : memref<1x80x128xi32, #tpu.memory_space<hbm>> -> memref<80x128xi32, #tpu.memory_space<hbm>>
      tpu.wait_dma2 semaphore(%run_scoped3A : memref<!tpu.dma_semaphore, #tpu.memory_space<semaphore_mem>>) src(%dma_wait3A_37 : memref<80x128xi32, #tpu.memory_space<hbm>>) dst(%arg7 : memref<80x128xi32, #tpu.memory_space<vmem>>)
      tpu.yield
    }) : () -> ()
    "tpu.region"() ({
      %run_scoped3A = tpu.sem_alloc : memref<!tpu.dma_semaphore, #tpu.memory_space<semaphore_mem>>
      %dma_start3A_23 = arith.constant 0 : i32
      %dma_start3A_24 = arith.constant 0 : i32
      %dma_start3A_25 = tpu.memref_slice %arg4[%add3A, %dma_start3A_23, %dma_start3A_24] : memref<32x80x128xi32, #tpu.memory_space<hbm>> -> memref<1x80x128xi32, #tpu.memory_space<hbm>>
      %dma_start3A_26 = tpu.memref_squeeze %dma_start3A_25 : memref<1x80x128xi32, #tpu.memory_space<hbm>> -> memref<80x128xi32, #tpu.memory_space<hbm>>
      %dma_start3A_27 = arith.constant 0 : i32
      %dma_start3A_28 = arith.constant 0 : i32
      %dma_start3A_29 = tpu.memref_slice %arg4[%add3A, %dma_start3A_27, %dma_start3A_28] : memref<32x80x128xi32, #tpu.memory_space<hbm>> -> memref<1x80x128xi32, #tpu.memory_space<hbm>>
      %dma_start3A_30 = tpu.memref_squeeze %dma_start3A_29 : memref<1x80x128xi32, #tpu.memory_space<hbm>> -> memref<80x128xi32, #tpu.memory_space<hbm>>
      tpu.enqueue_dma source(%dma_start3A_30 : memref<80x128xi32, #tpu.memory_space<hbm>>) target(%arg8 : memref<80x128xi32, #tpu.memory_space<vmem>>) target_semaphore(%run_scoped3A : memref<!tpu.dma_semaphore, #tpu.memory_space<semaphore_mem>>)
      %dma_wait3A = arith.constant 0 : i32
      %dma_wait3A_31 = arith.constant 0 : i32
      %dma_wait3A_32 = tpu.memref_slice %arg4[%add3A, %dma_wait3A, %dma_wait3A_31] : memref<32x80x128xi32, #tpu.memory_space<hbm>> -> memref<1x80x128xi32, #tpu.memory_space<hbm>>
      %dma_wait3A_33 = tpu.memref_squeeze %dma_wait3A_32 : memref<1x80x128xi32, #tpu.memory_space<hbm>> -> memref<80x128xi32, #tpu.memory_space<hbm>>
      %dma_wait3A_34 = arith.constant 0 : i32
      %dma_wait3A_35 = arith.constant 0 : i32
      %dma_wait3A_36 = tpu.memref_slice %arg4[%add3A, %dma_wait3A_34, %dma_wait3A_35] : memref<32x80x128xi32, #tpu.memory_space<hbm>> -> memref<1x80x128xi32, #tpu.memory_space<hbm>>
      %dma_wait3A_37 = tpu.memref_squeeze %dma_wait3A_36 : memref<1x80x128xi32, #tpu.memory_space<hbm>> -> memref<80x128xi32, #tpu.memory_space<hbm>>
      tpu.wait_dma2 semaphore(%run_scoped3A : memref<!tpu.dma_semaphore, #tpu.memory_space<semaphore_mem>>) src(%dma_wait3A_37 : memref<80x128xi32, #tpu.memory_space<hbm>>) dst(%arg8 : memref<80x128xi32, #tpu.memory_space<vmem>>)
      tpu.yield
    }) : () -> ()
    %mul3A_1 = arith.constant 632 : i32
    %mul3A_2 = arith.muli %arg1, %mul3A_1 : i32
    %mul3A_3 = arith.constant 632 : i32
    %mul3A_4 = arith.muli %arg1, %mul3A_3 : i32
    "tpu.region"() ({
      %run_scoped3A = tpu.sem_alloc : memref<!tpu.dma_semaphore, #tpu.memory_space<semaphore_mem>>
      %dma_start3A_23 = arith.constant 0 : i32
      %dma_start3A_24 = tpu.memref_slice %arg13[%mul3A_4, %dma_start3A_23] : memref<10112x32xf32, #tpu.memory_space<vmem_shared>> -> memref<632x32xf32, #tpu.memory_space<vmem_shared>>
      %dma_start3A_25 = arith.constant 0 : i32
      %dma_start3A_26 = tpu.memref_slice %arg2[%mul3A_2, %dma_start3A_25] : memref<10112x32xf32, #tpu.memory_space<hbm>> -> memref<632x32xf32, #tpu.memory_space<hbm>>
      tpu.enqueue_dma source(%dma_start3A_26 : memref<632x32xf32, #tpu.memory_space<hbm>>) target(%dma_start3A_24 : memref<632x32xf32, #tpu.memory_space<vmem_shared>>) target_semaphore(%run_scoped3A : memref<!tpu.dma_semaphore, #tpu.memory_space<semaphore_mem>>)
      %dma_wait3A = arith.constant 0 : i32
      %dma_wait3A_27 = tpu.memref_slice %arg13[%mul3A_4, %dma_wait3A] : memref<10112x32xf32, #tpu.memory_space<vmem_shared>> -> memref<632x32xf32, #tpu.memory_space<vmem_shared>>
      %dma_wait3A_28 = arith.constant 0 : i32
      %dma_wait3A_29 = tpu.memref_slice %arg2[%mul3A_2, %dma_wait3A_28] : memref<10112x32xf32, #tpu.memory_space<hbm>> -> memref<632x32xf32, #tpu.memory_space<hbm>>
      tpu.wait_dma2 semaphore(%run_scoped3A : memref<!tpu.dma_semaphore, #tpu.memory_space<semaphore_mem>>) src(%dma_wait3A_29 : memref<632x32xf32, #tpu.memory_space<hbm>>) dst(%dma_wait3A_27 : memref<632x32xf32, #tpu.memory_space<vmem_shared>>)
      tpu.yield
    }) : () -> ()
    %barrier3A = arith.constant 0 : index
    tpu.barrier barrier_id(%barrier3A)
    %dma_start3A = arith.constant 0 : i32
    %dma_start3A_5 = arith.constant 0 : i32
    %dma_start3A_6 = tpu.memref_slice %arg7[%dma_start3A, %dma_start3A_5] : memref<80x128xi32, #tpu.memory_space<vmem>> -> memref<1x128xi32, #tpu.memory_space<vmem>>
    %dma_start3A_7 = tpu.memref_squeeze %dma_start3A_6 : memref<1x128xi32, #tpu.memory_space<vmem>> -> memref<128xi32, #tpu.memory_space<vmem>>
    %dma_start3A_8 = arith.constant 0 : i32
    %dma_start3A_9 = arith.constant 0 : i32
    %dma_start3A_10 = tpu.memref_slice %arg13[%dma_start3A_8, %dma_start3A_9] : memref<10112x32xf32, #tpu.memory_space<vmem_shared>> -> memref<10112x32xf32, #tpu.memory_space<vmem_shared>>
    tpu.enqueue_indirect_dma source(%dma_start3A_10 : memref<10112x32xf32, #tpu.memory_space<vmem_shared>>) target(%arg9 : memref<128x32xf32, #tpu.memory_space<vmem>>) offsets(%dma_start3A_7 : memref<128xi32, #tpu.memory_space<vmem>>) semaphore(%arg14 : memref<!tpu.dma_semaphore, #tpu.memory_space<semaphore_mem>>)
    %dma_start3A_11 = arith.constant 0 : i32
    %dma_start3A_12 = arith.constant 0 : i32
    %dma_start3A_13 = tpu.memref_slice %arg8[%dma_start3A_11, %dma_start3A_12] : memref<80x128xi32, #tpu.memory_space<vmem>> -> memref<1x128xi32, #tpu.memory_space<vmem>>
    %dma_start3A_14 = tpu.memref_squeeze %dma_start3A_13 : memref<1x128xi32, #tpu.memory_space<vmem>> -> memref<128xi32, #tpu.memory_space<vmem>>
    %dma_start3A_15 = arith.constant 0 : i32
    %dma_start3A_16 = arith.constant 0 : i32
    %dma_start3A_17 = tpu.memref_slice %arg13[%dma_start3A_15, %dma_start3A_16] : memref<10112x32xf32, #tpu.memory_space<vmem_shared>> -> memref<10112x32xf32, #tpu.memory_space<vmem_shared>>
    tpu.enqueue_indirect_dma source(%dma_start3A_17 : memref<10112x32xf32, #tpu.memory_space<vmem_shared>>) target(%arg11 : memref<128x32xf32, #tpu.memory_space<vmem>>) offsets(%dma_start3A_14 : memref<128xi32, #tpu.memory_space<vmem>>) semaphore(%arg16 : memref<!tpu.dma_semaphore, #tpu.memory_space<semaphore_mem>>)
    %scan3A = arith.constant 0 : i32
    %scan3A_18 = arith.constant 0 : i32
    %scan3A_19 = arith.constant 40 : i32
    %scan3A_20 = arith.addi %scan3A_18, %scan3A_19 : i32
    %scan3A_21 = arith.constant 1 : i32
    scf.for %scan3A_23 = %scan3A_18 to %scan3A_20 step %scan3A_21  : i32 {
      %mul3A_24 = arith.constant 2 : i32
      %mul3A_25 = arith.muli %mul3A_24, %scan3A_23 : i32
      %mul3A_26 = arith.constant 10240 : i32
      %mul3A_27 = arith.muli %add3A, %mul3A_26 : i32
      %mul3A_28 = arith.constant 128 : i32
      %mul3A_29 = arith.muli %mul3A_25, %mul3A_28 : i32
      %add3A_30 = arith.addi %mul3A_27, %mul3A_29 : i32
      %add3A_31 = arith.constant 1 : i32
      %add3A_32 = arith.addi %mul3A_25, %add3A_31 : i32
      %dma_start3A_33 = arith.constant 0 : i32
      %dma_start3A_34 = tpu.memref_slice %arg7[%add3A_32, %dma_start3A_33] : memref<80x128xi32, #tpu.memory_space<vmem>> -> memref<1x128xi32, #tpu.memory_space<vmem>>
      %dma_start3A_35 = tpu.memref_squeeze %dma_start3A_34 : memref<1x128xi32, #tpu.memory_space<vmem>> -> memref<128xi32, #tpu.memory_space<vmem>>
      %dma_start3A_36 = arith.constant 0 : i32
      %dma_start3A_37 = arith.constant 0 : i32
      %dma_start3A_38 = tpu.memref_slice %arg13[%dma_start3A_36, %dma_start3A_37] : memref<10112x32xf32, #tpu.memory_space<vmem_shared>> -> memref<10112x32xf32, #tpu.memory_space<vmem_shared>>
      tpu.enqueue_indirect_dma source(%dma_start3A_38 : memref<10112x32xf32, #tpu.memory_space<vmem_shared>>) target(%arg10 : memref<128x32xf32, #tpu.memory_space<vmem>>) offsets(%dma_start3A_35 : memref<128xi32, #tpu.memory_space<vmem>>) semaphore(%arg15 : memref<!tpu.dma_semaphore, #tpu.memory_space<semaphore_mem>>)
      %add3A_39 = arith.constant 1 : i32
      %add3A_40 = arith.addi %mul3A_25, %add3A_39 : i32
      %dma_start3A_41 = arith.constant 0 : i32
      %dma_start3A_42 = tpu.memref_slice %arg8[%add3A_40, %dma_start3A_41] : memref<80x128xi32, #tpu.memory_space<vmem>> -> memref<1x128xi32, #tpu.memory_space<vmem>>
      %dma_start3A_43 = tpu.memref_squeeze %dma_start3A_42 : memref<1x128xi32, #tpu.memory_space<vmem>> -> memref<128xi32, #tpu.memory_space<vmem>>
      %dma_start3A_44 = arith.constant 0 : i32
      %dma_start3A_45 = arith.constant 0 : i32
      %dma_start3A_46 = tpu.memref_slice %arg13[%dma_start3A_44, %dma_start3A_45] : memref<10112x32xf32, #tpu.memory_space<vmem_shared>> -> memref<10112x32xf32, #tpu.memory_space<vmem_shared>>
      tpu.enqueue_indirect_dma source(%dma_start3A_46 : memref<10112x32xf32, #tpu.memory_space<vmem_shared>>) target(%arg12 : memref<128x32xf32, #tpu.memory_space<vmem>>) offsets(%dma_start3A_43 : memref<128xi32, #tpu.memory_space<vmem>>) semaphore(%arg17 : memref<!tpu.dma_semaphore, #tpu.memory_space<semaphore_mem>>)
      %dma_wait3A = arith.constant 0 : i32
      %dma_wait3A_47 = tpu.memref_slice %arg7[%mul3A_25, %dma_wait3A] : memref<80x128xi32, #tpu.memory_space<vmem>> -> memref<1x128xi32, #tpu.memory_space<vmem>>
      %dma_wait3A_48 = tpu.memref_squeeze %dma_wait3A_47 : memref<1x128xi32, #tpu.memory_space<vmem>> -> memref<128xi32, #tpu.memory_space<vmem>>
      %dma_wait3A_49 = arith.constant 0 : i32
      %dma_wait3A_50 = arith.constant 0 : i32
      %dma_wait3A_51 = tpu.memref_slice %arg13[%dma_wait3A_49, %dma_wait3A_50] : memref<10112x32xf32, #tpu.memory_space<vmem_shared>> -> memref<10112x32xf32, #tpu.memory_space<vmem_shared>>
      tpu.wait_indirect_dma semaphore(%arg14 : memref<!tpu.dma_semaphore, #tpu.memory_space<semaphore_mem>>) src(%dma_wait3A_51 : memref<10112x32xf32, #tpu.memory_space<vmem_shared>>) dst(%arg9 : memref<128x32xf32, #tpu.memory_space<vmem>>)
      "tpu.region"() ({
        %run_scoped3A = tpu.sem_alloc : memref<!tpu.dma_semaphore, #tpu.memory_space<semaphore_mem>>
        %dma_start3A_80 = arith.constant 0 : i32
        %dma_start3A_81 = tpu.memref_slice %arg5[%add3A_30, %dma_start3A_80] : memref<327680x32xf32, #tpu.memory_space<hbm>> -> memref<128x32xf32, #tpu.memory_space<hbm>>
        %dma_start3A_82 = arith.constant 0 : i32
        %dma_start3A_83 = tpu.memref_slice %arg5[%add3A_30, %dma_start3A_82] : memref<327680x32xf32, #tpu.memory_space<hbm>> -> memref<128x32xf32, #tpu.memory_space<hbm>>
        tpu.enqueue_dma source(%arg9 : memref<128x32xf32, #tpu.memory_space<vmem>>) target(%dma_start3A_83 : memref<128x32xf32, #tpu.memory_space<hbm>>) target_semaphore(%run_scoped3A : memref<!tpu.dma_semaphore, #tpu.memory_space<semaphore_mem>>)
        %dma_wait3A_84 = arith.constant 0 : i32
        %dma_wait3A_85 = tpu.memref_slice %arg5[%add3A_30, %dma_wait3A_84] : memref<327680x32xf32, #tpu.memory_space<hbm>> -> memref<128x32xf32, #tpu.memory_space<hbm>>
        %dma_wait3A_86 = arith.constant 0 : i32
        %dma_wait3A_87 = tpu.memref_slice %arg5[%add3A_30, %dma_wait3A_86] : memref<327680x32xf32, #tpu.memory_space<hbm>> -> memref<128x32xf32, #tpu.memory_space<hbm>>
        tpu.wait_dma2 semaphore(%run_scoped3A : memref<!tpu.dma_semaphore, #tpu.memory_space<semaphore_mem>>) src(%arg9 : memref<128x32xf32, #tpu.memory_space<vmem>>) dst(%dma_wait3A_87 : memref<128x32xf32, #tpu.memory_space<hbm>>)
        tpu.yield
      }) : () -> ()
      %dma_wait3A_52 = arith.constant 0 : i32
      %dma_wait3A_53 = tpu.memref_slice %arg8[%mul3A_25, %dma_wait3A_52] : memref<80x128xi32, #tpu.memory_space<vmem>> -> memref<1x128xi32, #tpu.memory_space<vmem>>
      %dma_wait3A_54 = tpu.memref_squeeze %dma_wait3A_53 : memref<1x128xi32, #tpu.memory_space<vmem>> -> memref<128xi32, #tpu.memory_space<vmem>>
      %dma_wait3A_55 = arith.constant 0 : i32
      %dma_wait3A_56 = arith.constant 0 : i32
      %dma_wait3A_57 = tpu.memref_slice %arg13[%dma_wait3A_55, %dma_wait3A_56] : memref<10112x32xf32, #tpu.memory_space<vmem_shared>> -> memref<10112x32xf32, #tpu.memory_space<vmem_shared>>
      tpu.wait_indirect_dma semaphore(%arg16 : memref<!tpu.dma_semaphore, #tpu.memory_space<semaphore_mem>>) src(%dma_wait3A_57 : memref<10112x32xf32, #tpu.memory_space<vmem_shared>>) dst(%arg11 : memref<128x32xf32, #tpu.memory_space<vmem>>)
      "tpu.region"() ({
        %run_scoped3A = tpu.sem_alloc : memref<!tpu.dma_semaphore, #tpu.memory_space<semaphore_mem>>
        %dma_start3A_80 = arith.constant 0 : i32
        %dma_start3A_81 = tpu.memref_slice %arg6[%add3A_30, %dma_start3A_80] : memref<327680x32xf32, #tpu.memory_space<hbm>> -> memref<128x32xf32, #tpu.memory_space<hbm>>
        %dma_start3A_82 = arith.constant 0 : i32
        %dma_start3A_83 = tpu.memref_slice %arg6[%add3A_30, %dma_start3A_82] : memref<327680x32xf32, #tpu.memory_space<hbm>> -> memref<128x32xf32, #tpu.memory_space<hbm>>
        tpu.enqueue_dma source(%arg11 : memref<128x32xf32, #tpu.memory_space<vmem>>) target(%dma_start3A_83 : memref<128x32xf32, #tpu.memory_space<hbm>>) target_semaphore(%run_scoped3A : memref<!tpu.dma_semaphore, #tpu.memory_space<semaphore_mem>>)
        %dma_wait3A_84 = arith.constant 0 : i32
        %dma_wait3A_85 = tpu.memref_slice %arg6[%add3A_30, %dma_wait3A_84] : memref<327680x32xf32, #tpu.memory_space<hbm>> -> memref<128x32xf32, #tpu.memory_space<hbm>>
        %dma_wait3A_86 = arith.constant 0 : i32
        %dma_wait3A_87 = tpu.memref_slice %arg6[%add3A_30, %dma_wait3A_86] : memref<327680x32xf32, #tpu.memory_space<hbm>> -> memref<128x32xf32, #tpu.memory_space<hbm>>
        tpu.wait_dma2 semaphore(%run_scoped3A : memref<!tpu.dma_semaphore, #tpu.memory_space<semaphore_mem>>) src(%arg11 : memref<128x32xf32, #tpu.memory_space<vmem>>) dst(%dma_wait3A_87 : memref<128x32xf32, #tpu.memory_space<hbm>>)
        tpu.yield
      }) : () -> ()
      %lt3A = arith.constant 39 : i32
      %lt3A_58 = arith.cmpi slt, %scan3A_23, %lt3A : i32
      %convert_element_type3A = arith.extui %lt3A_58 : i1 to i32
      %cond3A = arith.constant 0 : i32
      %cond3A_59 = arith.cmpi ne, %convert_element_type3A, %cond3A : i32
      scf.if %cond3A_59 {
        %add3A_80 = arith.constant 2 : i32
        %add3A_81 = arith.addi %mul3A_25, %add3A_80 : i32
        %dma_start3A_82 = arith.constant 0 : i32
        %dma_start3A_83 = tpu.memref_slice %arg7[%add3A_81, %dma_start3A_82] : memref<80x128xi32, #tpu.memory_space<vmem>> -> memref<1x128xi32, #tpu.memory_space<vmem>>
        %dma_start3A_84 = tpu.memref_squeeze %dma_start3A_83 : memref<1x128xi32, #tpu.memory_space<vmem>> -> memref<128xi32, #tpu.memory_space<vmem>>
        %dma_start3A_85 = arith.constant 0 : i32
        %dma_start3A_86 = arith.constant 0 : i32
        %dma_start3A_87 = tpu.memref_slice %arg13[%dma_start3A_85, %dma_start3A_86] : memref<10112x32xf32, #tpu.memory_space<vmem_shared>> -> memref<10112x32xf32, #tpu.memory_space<vmem_shared>>
        tpu.enqueue_indirect_dma source(%dma_start3A_87 : memref<10112x32xf32, #tpu.memory_space<vmem_shared>>) target(%arg9 : memref<128x32xf32, #tpu.memory_space<vmem>>) offsets(%dma_start3A_84 : memref<128xi32, #tpu.memory_space<vmem>>) semaphore(%arg14 : memref<!tpu.dma_semaphore, #tpu.memory_space<semaphore_mem>>)
        %add3A_88 = arith.constant 2 : i32
        %add3A_89 = arith.addi %mul3A_25, %add3A_88 : i32
        %dma_start3A_90 = arith.constant 0 : i32
        %dma_start3A_91 = tpu.memref_slice %arg8[%add3A_89, %dma_start3A_90] : memref<80x128xi32, #tpu.memory_space<vmem>> -> memref<1x128xi32, #tpu.memory_space<vmem>>
        %dma_start3A_92 = tpu.memref_squeeze %dma_start3A_91 : memref<1x128xi32, #tpu.memory_space<vmem>> -> memref<128xi32, #tpu.memory_space<vmem>>
        %dma_start3A_93 = arith.constant 0 : i32
        %dma_start3A_94 = arith.constant 0 : i32
        %dma_start3A_95 = tpu.memref_slice %arg13[%dma_start3A_93, %dma_start3A_94] : memref<10112x32xf32, #tpu.memory_space<vmem_shared>> -> memref<10112x32xf32, #tpu.memory_space<vmem_shared>>
        tpu.enqueue_indirect_dma source(%dma_start3A_95 : memref<10112x32xf32, #tpu.memory_space<vmem_shared>>) target(%arg11 : memref<128x32xf32, #tpu.memory_space<vmem>>) offsets(%dma_start3A_92 : memref<128xi32, #tpu.memory_space<vmem>>) semaphore(%arg16 : memref<!tpu.dma_semaphore, #tpu.memory_space<semaphore_mem>>)
      } else {
      }
      %add3A_60 = arith.constant 1 : i32
      %add3A_61 = arith.addi %mul3A_25, %add3A_60 : i32
      %dma_wait3A_62 = arith.constant 0 : i32
      %dma_wait3A_63 = tpu.memref_slice %arg7[%add3A_61, %dma_wait3A_62] : memref<80x128xi32, #tpu.memory_space<vmem>> -> memref<1x128xi32, #tpu.memory_space<vmem>>
      %dma_wait3A_64 = tpu.memref_squeeze %dma_wait3A_63 : memref<1x128xi32, #tpu.memory_space<vmem>> -> memref<128xi32, #tpu.memory_space<vmem>>
      %dma_wait3A_65 = arith.constant 0 : i32
      %dma_wait3A_66 = arith.constant 0 : i32
      %dma_wait3A_67 = tpu.memref_slice %arg13[%dma_wait3A_65, %dma_wait3A_66] : memref<10112x32xf32, #tpu.memory_space<vmem_shared>> -> memref<10112x32xf32, #tpu.memory_space<vmem_shared>>
      tpu.wait_indirect_dma semaphore(%arg15 : memref<!tpu.dma_semaphore, #tpu.memory_space<semaphore_mem>>) src(%dma_wait3A_67 : memref<10112x32xf32, #tpu.memory_space<vmem_shared>>) dst(%arg10 : memref<128x32xf32, #tpu.memory_space<vmem>>)
      %add3A_68 = arith.constant 128 : i32
      %add3A_69 = arith.addi %add3A_30, %add3A_68 : i32
      "tpu.region"() ({
        %run_scoped3A = tpu.sem_alloc : memref<!tpu.dma_semaphore, #tpu.memory_space<semaphore_mem>>
        %dma_start3A_80 = arith.constant 0 : i32
        %dma_start3A_81 = tpu.memref_slice %arg5[%add3A_69, %dma_start3A_80] : memref<327680x32xf32, #tpu.memory_space<hbm>> -> memref<128x32xf32, #tpu.memory_space<hbm>>
        %dma_start3A_82 = arith.constant 0 : i32
        %dma_start3A_83 = tpu.memref_slice %arg5[%add3A_69, %dma_start3A_82] : memref<327680x32xf32, #tpu.memory_space<hbm>> -> memref<128x32xf32, #tpu.memory_space<hbm>>
        tpu.enqueue_dma source(%arg10 : memref<128x32xf32, #tpu.memory_space<vmem>>) target(%dma_start3A_83 : memref<128x32xf32, #tpu.memory_space<hbm>>) target_semaphore(%run_scoped3A : memref<!tpu.dma_semaphore, #tpu.memory_space<semaphore_mem>>)
        %dma_wait3A_84 = arith.constant 0 : i32
        %dma_wait3A_85 = tpu.memref_slice %arg5[%add3A_69, %dma_wait3A_84] : memref<327680x32xf32, #tpu.memory_space<hbm>> -> memref<128x32xf32, #tpu.memory_space<hbm>>
        %dma_wait3A_86 = arith.constant 0 : i32
        %dma_wait3A_87 = tpu.memref_slice %arg5[%add3A_69, %dma_wait3A_86] : memref<327680x32xf32, #tpu.memory_space<hbm>> -> memref<128x32xf32, #tpu.memory_space<hbm>>
        tpu.wait_dma2 semaphore(%run_scoped3A : memref<!tpu.dma_semaphore, #tpu.memory_space<semaphore_mem>>) src(%arg10 : memref<128x32xf32, #tpu.memory_space<vmem>>) dst(%dma_wait3A_87 : memref<128x32xf32, #tpu.memory_space<hbm>>)
        tpu.yield
      }) : () -> ()
      %add3A_70 = arith.constant 1 : i32
      %add3A_71 = arith.addi %mul3A_25, %add3A_70 : i32
      %dma_wait3A_72 = arith.constant 0 : i32
      %dma_wait3A_73 = tpu.memref_slice %arg8[%add3A_71, %dma_wait3A_72] : memref<80x128xi32, #tpu.memory_space<vmem>> -> memref<1x128xi32, #tpu.memory_space<vmem>>
      %dma_wait3A_74 = tpu.memref_squeeze %dma_wait3A_73 : memref<1x128xi32, #tpu.memory_space<vmem>> -> memref<128xi32, #tpu.memory_space<vmem>>
      %dma_wait3A_75 = arith.constant 0 : i32
      %dma_wait3A_76 = arith.constant 0 : i32
      %dma_wait3A_77 = tpu.memref_slice %arg13[%dma_wait3A_75, %dma_wait3A_76] : memref<10112x32xf32, #tpu.memory_space<vmem_shared>> -> memref<10112x32xf32, #tpu.memory_space<vmem_shared>>
      tpu.wait_indirect_dma semaphore(%arg17 : memref<!tpu.dma_semaphore, #tpu.memory_space<semaphore_mem>>) src(%dma_wait3A_77 : memref<10112x32xf32, #tpu.memory_space<vmem_shared>>) dst(%arg12 : memref<128x32xf32, #tpu.memory_space<vmem>>)
      %add3A_78 = arith.constant 128 : i32
      %add3A_79 = arith.addi %add3A_30, %add3A_78 : i32
      "tpu.region"() ({
        %run_scoped3A = tpu.sem_alloc : memref<!tpu.dma_semaphore, #tpu.memory_space<semaphore_mem>>
        %dma_start3A_80 = arith.constant 0 : i32
        %dma_start3A_81 = tpu.memref_slice %arg6[%add3A_79, %dma_start3A_80] : memref<327680x32xf32, #tpu.memory_space<hbm>> -> memref<128x32xf32, #tpu.memory_space<hbm>>
        %dma_start3A_82 = arith.constant 0 : i32
        %dma_start3A_83 = tpu.memref_slice %arg6[%add3A_79, %dma_start3A_82] : memref<327680x32xf32, #tpu.memory_space<hbm>> -> memref<128x32xf32, #tpu.memory_space<hbm>>
        tpu.enqueue_dma source(%arg12 : memref<128x32xf32, #tpu.memory_space<vmem>>) target(%dma_start3A_83 : memref<128x32xf32, #tpu.memory_space<hbm>>) target_semaphore(%run_scoped3A : memref<!tpu.dma_semaphore, #tpu.memory_space<semaphore_mem>>)
        %dma_wait3A_84 = arith.constant 0 : i32
        %dma_wait3A_85 = tpu.memref_slice %arg6[%add3A_79, %dma_wait3A_84] : memref<327680x32xf32, #tpu.memory_space<hbm>> -> memref<128x32xf32, #tpu.memory_space<hbm>>
        %dma_wait3A_86 = arith.constant 0 : i32
        %dma_wait3A_87 = tpu.memref_slice %arg6[%add3A_79, %dma_wait3A_86] : memref<327680x32xf32, #tpu.memory_space<hbm>> -> memref<128x32xf32, #tpu.memory_space<hbm>>
        tpu.wait_dma2 semaphore(%run_scoped3A : memref<!tpu.dma_semaphore, #tpu.memory_space<semaphore_mem>>) src(%arg12 : memref<128x32xf32, #tpu.memory_space<vmem>>) dst(%dma_wait3A_87 : memref<128x32xf32, #tpu.memory_space<hbm>>)
        tpu.yield
      }) : () -> ()
    }
    %scan3A_22 = arith.constant 40 : i32
    return
  }
}

module attributes {stable_mosaic.version = 14 : i64} {
  func.func @_tc_a_body(%arg0: memref<10112x128xf32, #tpu.memory_space<vmem>>, %arg1: memref<128x32xf32, #tpu.memory_space<vmem>>, %arg2: memref<2x10112x8xf32, #tpu.memory_space<vmem>>, %arg3: memref<10112x32xf32, #tpu.memory_space<vmem>>) attributes {dimension_semantics = [], scalar_prefetch = 0 : i64, scratch_operands = 0 : i64, tpu.core_type = #tpu.core_type<tc>} {
    %get3A = arith.constant 0 : index
    %get3A_0 = arith.constant 0 : index
    %get3A_1 = arith.constant 0 : index
    %get3A_2 = vector.load %arg2[%get3A, %get3A_0, %get3A_1] : memref<2x10112x8xf32, #tpu.memory_space<vmem>>, vector<2x10112x8xf32>
    %slice3A = vector.extract_strided_slice %get3A_2 {offsets = [0, 0, 0], sizes = [1, 10112, 1], strides = [1, 1, 1]} : vector<2x10112x8xf32> to vector<1x10112x1xf32>
    %squeeze3A = vector.shape_cast %slice3A : vector<1x10112x1xf32> to vector<10112x1xf32>
    %slice3A_3 = vector.extract_strided_slice %get3A_2 {offsets = [1, 0, 0], sizes = [1, 10112, 1], strides = [1, 1, 1]} : vector<2x10112x8xf32> to vector<1x10112x1xf32>
    %squeeze3A_4 = vector.shape_cast %slice3A_3 : vector<1x10112x1xf32> to vector<10112x1xf32>
    %add3A = arith.addf %squeeze3A, %squeeze3A_4 : vector<10112x1xf32>
    %add3A_5 = arith.constant 1.000000e+00 : f32
    %add3A_6 = vector.broadcast %add3A_5 : f32 to vector<10112x1xf32>
    %add3A_7 = arith.addf %add3A, %add3A_6 : vector<10112x1xf32>
    %sqrt3A = math.sqrt %add3A_7 : vector<10112x1xf32>
    %div3A = arith.constant 1.000000e+00 : f32
    %div3A_8 = vector.broadcast %div3A : f32 to vector<10112x1xf32>
    %div3A_9 = arith.divf %div3A_8, %sqrt3A : vector<10112x1xf32>
    %get3A_10 = arith.constant 0 : index
    %get3A_11 = arith.constant 0 : index
    %get3A_12 = vector.load %arg0[%get3A_10, %get3A_11] : memref<10112x128xf32, #tpu.memory_space<vmem>>, vector<10112x128xf32>
    %get3A_13 = arith.constant 0 : index
    %get3A_14 = arith.constant 0 : index
    %get3A_15 = vector.load %arg1[%get3A_13, %get3A_14] : memref<128x32xf32, #tpu.memory_space<vmem>>, vector<128x32xf32>
    %dot_general3A = arith.constant dense<0.000000e+00> : vector<10112x32xf32>
    %dot_general3A_16 = tpu.matmul %get3A_12, %get3A_15, %dot_general3A {dimension_numbers = #tpu.dot_dimension_numbers<[1], [0], [0], [1], [0, 0, 1, 1], [], []>, transpose_lhs_hint = false} : vector<10112x128xf32>, vector<128x32xf32>, vector<10112x32xf32> -> vector<10112x32xf32>
    %mul3A = vector.broadcast %div3A_9 : vector<10112x1xf32> to vector<10112x32xf32>
    %mul3A_17 = arith.mulf %mul3A, %dot_general3A_16 : vector<10112x32xf32>
    %swap3A = arith.constant 0 : index
    %swap3A_18 = arith.constant 0 : index
    %swap3A_19 = vector.load %arg3[%swap3A, %swap3A_18] : memref<10112x32xf32, #tpu.memory_space<vmem>>, vector<10112x32xf32>
    tpu.vector_store %arg3[%swap3A, %swap3A_18], %mul3A_17 {strides = array<i32>} : memref<10112x32xf32, #tpu.memory_space<vmem>>, vector<10112x32xf32>,
    return
  }
}

module attributes {stable_mosaic.version = 14 : i64} {
  func.func @_tc_mid_body(%arg0: memref<2x10112x32xf32, #tpu.memory_space<vmem>>, %arg1: memref<10112x32xf32, #tpu.memory_space<vmem>>, %arg2: memref<2x10112x8xf32, #tpu.memory_space<vmem>>, %arg3: memref<1x32xf32, #tpu.memory_space<vmem>>, %arg4: memref<1x32xf32, #tpu.memory_space<vmem>>, %arg5: memref<1x32xf32, #tpu.memory_space<vmem>>, %arg6: memref<32x32xf32, #tpu.memory_space<vmem>>, %arg7: memref<10112x32xf32, #tpu.memory_space<vmem>>) attributes {dimension_semantics = [], scalar_prefetch = 0 : i64, scratch_operands = 0 : i64, tpu.core_type = #tpu.core_type<tc>} {
    %get3A = arith.constant 0 : index
    %get3A_0 = arith.constant 0 : index
    %get3A_1 = arith.constant 0 : index
    %get3A_2 = vector.load %arg2[%get3A, %get3A_0, %get3A_1] : memref<2x10112x8xf32, #tpu.memory_space<vmem>>, vector<2x10112x8xf32>
    %slice3A = vector.extract_strided_slice %get3A_2 {offsets = [0, 0, 0], sizes = [1, 10112, 1], strides = [1, 1, 1]} : vector<2x10112x8xf32> to vector<1x10112x1xf32>
    %squeeze3A = vector.shape_cast %slice3A : vector<1x10112x1xf32> to vector<10112x1xf32>
    %slice3A_3 = vector.extract_strided_slice %get3A_2 {offsets = [1, 0, 0], sizes = [1, 10112, 1], strides = [1, 1, 1]} : vector<2x10112x8xf32> to vector<1x10112x1xf32>
    %squeeze3A_4 = vector.shape_cast %slice3A_3 : vector<1x10112x1xf32> to vector<10112x1xf32>
    %add3A = arith.addf %squeeze3A, %squeeze3A_4 : vector<10112x1xf32>
    %add3A_5 = arith.constant 1.000000e+00 : f32
    %add3A_6 = vector.broadcast %add3A_5 : f32 to vector<10112x1xf32>
    %add3A_7 = arith.addf %add3A, %add3A_6 : vector<10112x1xf32>
    %sqrt3A = math.sqrt %add3A_7 : vector<10112x1xf32>
    %div3A = arith.constant 1.000000e+00 : f32
    %div3A_8 = vector.broadcast %div3A : f32 to vector<10112x1xf32>
    %div3A_9 = arith.divf %div3A_8, %sqrt3A : vector<10112x1xf32>
    %get3A_10 = arith.constant 0 : index
    %get3A_11 = arith.constant 0 : index
    %get3A_12 = arith.constant 0 : index
    %get3A_13 = vector.load %arg0[%get3A_10, %get3A_11, %get3A_12] : memref<2x10112x32xf32, #tpu.memory_space<vmem>>, vector<1x10112x32xf32>
    %get3A_14 = vector.shape_cast %get3A_13 : vector<1x10112x32xf32> to vector<10112x32xf32>
    %get3A_15 = arith.constant 1 : index
    %get3A_16 = arith.constant 0 : index
    %get3A_17 = arith.constant 0 : index
    %get3A_18 = vector.load %arg0[%get3A_15, %get3A_16, %get3A_17] : memref<2x10112x32xf32, #tpu.memory_space<vmem>>, vector<1x10112x32xf32>
    %get3A_19 = vector.shape_cast %get3A_18 : vector<1x10112x32xf32> to vector<10112x32xf32>
    %add3A_20 = arith.addf %get3A_14, %get3A_19 : vector<10112x32xf32>
    %get3A_21 = arith.constant 0 : index
    %get3A_22 = arith.constant 0 : index
    %get3A_23 = vector.load %arg1[%get3A_21, %get3A_22] : memref<10112x32xf32, #tpu.memory_space<vmem>>, vector<10112x32xf32>
    %add3A_24 = arith.addf %add3A_20, %get3A_23 : vector<10112x32xf32>
    %mul3A = vector.broadcast %div3A_9 : vector<10112x1xf32> to vector<10112x32xf32>
    %mul3A_25 = arith.mulf %mul3A, %add3A_24 : vector<10112x32xf32>
    %get3A_26 = arith.constant 0 : index
    %get3A_27 = arith.constant 0 : index
    %get3A_28 = vector.load %arg3[%get3A_26, %get3A_27] : memref<1x32xf32, #tpu.memory_space<vmem>>, vector<1x32xf32>
    %add3A_29 = vector.broadcast %get3A_28 : vector<1x32xf32> to vector<10112x32xf32>
    %add3A_30 = arith.addf %mul3A_25, %add3A_29 : vector<10112x32xf32>
    %get3A_31 = arith.constant 0 : index
    %get3A_32 = arith.constant 0 : index
    %get3A_33 = vector.load %arg4[%get3A_31, %get3A_32] : memref<1x32xf32, #tpu.memory_space<vmem>>, vector<1x32xf32>
    %get3A_34 = arith.constant 0 : index
    %get3A_35 = arith.constant 0 : index
    %get3A_36 = vector.load %arg5[%get3A_34, %get3A_35] : memref<1x32xf32, #tpu.memory_space<vmem>>, vector<1x32xf32>
    %iota3A = tpu.iota {dimensions = array<i32: 0>} : vector<10112x1xi32>
    %lt3A = arith.constant 10000 : i32
    %lt3A_37 = vector.broadcast %lt3A : i32 to vector<10112x1xi32>
    %lt3A_38 = arith.cmpi slt, %iota3A, %lt3A_37 : vector<10112x1xi32>
    %jit3A = arith.constant 0.000000e+00 : f32
    %broadcast_in_dim3A = vector.shape_cast %lt3A_38 : vector<10112x1xi1> to vector<10112x1xi1>
    %broadcast_in_dim3A_39 = vector.broadcast %broadcast_in_dim3A : vector<10112x1xi1> to vector<10112x32xi1>
    %broadcast_in_dim3A_40 = vector.broadcast %jit3A : f32 to vector<10112x32xf32>
    %select_n3A = arith.select %broadcast_in_dim3A_39, %add3A_30, %broadcast_in_dim3A_40 : vector<10112x32xi1>, vector<10112x32xf32>
    %reduce_sum3A = arith.constant dense<0.000000e+00> : vector<32xf32>
    %reduce_sum3A_41 = vector.multi_reduction <add>, %select_n3A, %reduce_sum3A [0] : vector<10112x32xf32> to vector<32xf32>
    %broadcast_in_dim3A_42 = vector.shape_cast %reduce_sum3A_41 : vector<32xf32> to vector<1x32xf32>
    %div3A_43 = arith.constant 1.000000e+04 : f32
    %div3A_44 = vector.broadcast %div3A_43 : f32 to vector<1x32xf32>
    %div3A_45 = arith.divf %broadcast_in_dim3A_42, %div3A_44 : vector<1x32xf32>
    %sub3A = vector.broadcast %div3A_45 : vector<1x32xf32> to vector<10112x32xf32>
    %sub3A_46 = arith.subf %add3A_30, %sub3A : vector<10112x32xf32>
    %mul3A_47 = arith.mulf %sub3A_46, %sub3A_46 : vector<10112x32xf32>
    %jit3A_48 = arith.constant 0.000000e+00 : f32
    %broadcast_in_dim3A_49 = vector.shape_cast %lt3A_38 : vector<10112x1xi1> to vector<10112x1xi1>
    %broadcast_in_dim3A_50 = vector.broadcast %broadcast_in_dim3A_49 : vector<10112x1xi1> to vector<10112x32xi1>
    %broadcast_in_dim3A_51 = vector.broadcast %jit3A_48 : f32 to vector<10112x32xf32>
    %select_n3A_52 = arith.select %broadcast_in_dim3A_50, %mul3A_47, %broadcast_in_dim3A_51 : vector<10112x32xi1>, vector<10112x32xf32>
    %reduce_sum3A_53 = arith.constant dense<0.000000e+00> : vector<32xf32>
    %reduce_sum3A_54 = vector.multi_reduction <add>, %select_n3A_52, %reduce_sum3A_53 [0] : vector<10112x32xf32> to vector<32xf32>
    %broadcast_in_dim3A_55 = vector.shape_cast %reduce_sum3A_54 : vector<32xf32> to vector<1x32xf32>
    %div3A_56 = arith.constant 1.000000e+04 : f32
    %div3A_57 = vector.broadcast %div3A_56 : f32 to vector<1x32xf32>
    %div3A_58 = arith.divf %broadcast_in_dim3A_55, %div3A_57 : vector<1x32xf32>
    %mul3A_59 = vector.broadcast %get3A_33 : vector<1x32xf32> to vector<10112x32xf32>
    %mul3A_60 = arith.mulf %mul3A_59, %sub3A_46 : vector<10112x32xf32>
    %add3A_61 = arith.constant 9.99999974E-6 : f32
    %add3A_62 = vector.broadcast %add3A_61 : f32 to vector<1x32xf32>
    %add3A_63 = arith.addf %div3A_58, %add3A_62 : vector<1x32xf32>
    %sqrt3A_64 = math.sqrt %add3A_63 : vector<1x32xf32>
    %div3A_65 = vector.broadcast %sqrt3A_64 : vector<1x32xf32> to vector<10112x32xf32>
    %div3A_66 = arith.divf %mul3A_60, %div3A_65 : vector<10112x32xf32>
    %add3A_67 = vector.broadcast %get3A_36 : vector<1x32xf32> to vector<10112x32xf32>
    %add3A_68 = arith.addf %div3A_66, %add3A_67 : vector<10112x32xf32>
    %max3A = arith.constant 0.000000e+00 : f32
    %max3A_69 = vector.broadcast %max3A : f32 to vector<10112x32xf32>
    %max3A_70 = arith.maximumf %add3A_68, %max3A_69 : vector<10112x32xf32>
    %get3A_71 = arith.constant 0 : index
    %get3A_72 = arith.constant 0 : index
    %get3A_73 = vector.load %arg6[%get3A_71, %get3A_72] : memref<32x32xf32, #tpu.memory_space<vmem>>, vector<32x32xf32>
    %dot_general3A = arith.constant dense<0.000000e+00> : vector<10112x32xf32>
    %dot_general3A_74 = tpu.matmul %max3A_70, %get3A_73, %dot_general3A {dimension_numbers = #tpu.dot_dimension_numbers<[1], [0], [0], [1], [0, 0, 1, 1], [], []>, transpose_lhs_hint = false} : vector<10112x32xf32>, vector<32x32xf32>, vector<10112x32xf32> -> vector<10112x32xf32>
    %mul3A_75 = vector.broadcast %div3A_9 : vector<10112x1xf32> to vector<10112x32xf32>
    %mul3A_76 = arith.mulf %mul3A_75, %dot_general3A_74 : vector<10112x32xf32>
    %swap3A = arith.constant 0 : index
    %swap3A_77 = arith.constant 0 : index
    %swap3A_78 = vector.load %arg7[%swap3A, %swap3A_77] : memref<10112x32xf32, #tpu.memory_space<vmem>>, vector<10112x32xf32>
    tpu.vector_store %arg7[%swap3A, %swap3A_77], %mul3A_76 {strides = array<i32>} : memref<10112x32xf32, #tpu.memory_space<vmem>>, vector<10112x32xf32>,
    return
  }
}

module attributes {stable_mosaic.version = 14 : i64} {
  func.func @_tc_last_body(%arg0: memref<2x10112x32xf32, #tpu.memory_space<vmem>>, %arg1: memref<10112x32xf32, #tpu.memory_space<vmem>>, %arg2: memref<2x10112x8xf32, #tpu.memory_space<vmem>>, %arg3: memref<1x32xf32, #tpu.memory_space<vmem>>, %arg4: memref<1x32xf32, #tpu.memory_space<vmem>>, %arg5: memref<1x32xf32, #tpu.memory_space<vmem>>, %arg6: memref<10112x32xf32, #tpu.memory_space<vmem>>) attributes {dimension_semantics = [], scalar_prefetch = 0 : i64, scratch_operands = 0 : i64, tpu.core_type = #tpu.core_type<tc>} {
    %get3A = arith.constant 0 : index
    %get3A_0 = arith.constant 0 : index
    %get3A_1 = arith.constant 0 : index
    %get3A_2 = vector.load %arg2[%get3A, %get3A_0, %get3A_1] : memref<2x10112x8xf32, #tpu.memory_space<vmem>>, vector<2x10112x8xf32>
    %slice3A = vector.extract_strided_slice %get3A_2 {offsets = [0, 0, 0], sizes = [1, 10112, 1], strides = [1, 1, 1]} : vector<2x10112x8xf32> to vector<1x10112x1xf32>
    %squeeze3A = vector.shape_cast %slice3A : vector<1x10112x1xf32> to vector<10112x1xf32>
    %slice3A_3 = vector.extract_strided_slice %get3A_2 {offsets = [1, 0, 0], sizes = [1, 10112, 1], strides = [1, 1, 1]} : vector<2x10112x8xf32> to vector<1x10112x1xf32>
    %squeeze3A_4 = vector.shape_cast %slice3A_3 : vector<1x10112x1xf32> to vector<10112x1xf32>
    %add3A = arith.addf %squeeze3A, %squeeze3A_4 : vector<10112x1xf32>
    %add3A_5 = arith.constant 1.000000e+00 : f32
    %add3A_6 = vector.broadcast %add3A_5 : f32 to vector<10112x1xf32>
    %add3A_7 = arith.addf %add3A, %add3A_6 : vector<10112x1xf32>
    %sqrt3A = math.sqrt %add3A_7 : vector<10112x1xf32>
    %div3A = arith.constant 1.000000e+00 : f32
    %div3A_8 = vector.broadcast %div3A : f32 to vector<10112x1xf32>
    %div3A_9 = arith.divf %div3A_8, %sqrt3A : vector<10112x1xf32>
    %get3A_10 = arith.constant 0 : index
    %get3A_11 = arith.constant 0 : index
    %get3A_12 = arith.constant 0 : index
    %get3A_13 = vector.load %arg0[%get3A_10, %get3A_11, %get3A_12] : memref<2x10112x32xf32, #tpu.memory_space<vmem>>, vector<1x10112x32xf32>
    %get3A_14 = vector.shape_cast %get3A_13 : vector<1x10112x32xf32> to vector<10112x32xf32>
    %get3A_15 = arith.constant 1 : index
    %get3A_16 = arith.constant 0 : index
    %get3A_17 = arith.constant 0 : index
    %get3A_18 = vector.load %arg0[%get3A_15, %get3A_16, %get3A_17] : memref<2x10112x32xf32, #tpu.memory_space<vmem>>, vector<1x10112x32xf32>
    %get3A_19 = vector.shape_cast %get3A_18 : vector<1x10112x32xf32> to vector<10112x32xf32>
    %add3A_20 = arith.addf %get3A_14, %get3A_19 : vector<10112x32xf32>
    %get3A_21 = arith.constant 0 : index
    %get3A_22 = arith.constant 0 : index
    %get3A_23 = vector.load %arg1[%get3A_21, %get3A_22] : memref<10112x32xf32, #tpu.memory_space<vmem>>, vector<10112x32xf32>
    %add3A_24 = arith.addf %add3A_20, %get3A_23 : vector<10112x32xf32>
    %mul3A = vector.broadcast %div3A_9 : vector<10112x1xf32> to vector<10112x32xf32>
    %mul3A_25 = arith.mulf %mul3A, %add3A_24 : vector<10112x32xf32>
    %get3A_26 = arith.constant 0 : index
    %get3A_27 = arith.constant 0 : index
    %get3A_28 = vector.load %arg3[%get3A_26, %get3A_27] : memref<1x32xf32, #tpu.memory_space<vmem>>, vector<1x32xf32>
    %add3A_29 = vector.broadcast %get3A_28 : vector<1x32xf32> to vector<10112x32xf32>
    %add3A_30 = arith.addf %mul3A_25, %add3A_29 : vector<10112x32xf32>
    %get3A_31 = arith.constant 0 : index
    %get3A_32 = arith.constant 0 : index
    %get3A_33 = vector.load %arg4[%get3A_31, %get3A_32] : memref<1x32xf32, #tpu.memory_space<vmem>>, vector<1x32xf32>
    %get3A_34 = arith.constant 0 : index
    %get3A_35 = arith.constant 0 : index
    %get3A_36 = vector.load %arg5[%get3A_34, %get3A_35] : memref<1x32xf32, #tpu.memory_space<vmem>>, vector<1x32xf32>
    %iota3A = tpu.iota {dimensions = array<i32: 0>} : vector<10112x1xi32>
    %lt3A = arith.constant 10000 : i32
    %lt3A_37 = vector.broadcast %lt3A : i32 to vector<10112x1xi32>
    %lt3A_38 = arith.cmpi slt, %iota3A, %lt3A_37 : vector<10112x1xi32>
    %jit3A = arith.constant 0.000000e+00 : f32
    %broadcast_in_dim3A = vector.shape_cast %lt3A_38 : vector<10112x1xi1> to vector<10112x1xi1>
    %broadcast_in_dim3A_39 = vector.broadcast %broadcast_in_dim3A : vector<10112x1xi1> to vector<10112x32xi1>
    %broadcast_in_dim3A_40 = vector.broadcast %jit3A : f32 to vector<10112x32xf32>
    %select_n3A = arith.select %broadcast_in_dim3A_39, %add3A_30, %broadcast_in_dim3A_40 : vector<10112x32xi1>, vector<10112x32xf32>
    %reduce_sum3A = arith.constant dense<0.000000e+00> : vector<32xf32>
    %reduce_sum3A_41 = vector.multi_reduction <add>, %select_n3A, %reduce_sum3A [0] : vector<10112x32xf32> to vector<32xf32>
    %broadcast_in_dim3A_42 = vector.shape_cast %reduce_sum3A_41 : vector<32xf32> to vector<1x32xf32>
    %div3A_43 = arith.constant 1.000000e+04 : f32
    %div3A_44 = vector.broadcast %div3A_43 : f32 to vector<1x32xf32>
    %div3A_45 = arith.divf %broadcast_in_dim3A_42, %div3A_44 : vector<1x32xf32>
    %sub3A = vector.broadcast %div3A_45 : vector<1x32xf32> to vector<10112x32xf32>
    %sub3A_46 = arith.subf %add3A_30, %sub3A : vector<10112x32xf32>
    %mul3A_47 = arith.mulf %sub3A_46, %sub3A_46 : vector<10112x32xf32>
    %jit3A_48 = arith.constant 0.000000e+00 : f32
    %broadcast_in_dim3A_49 = vector.shape_cast %lt3A_38 : vector<10112x1xi1> to vector<10112x1xi1>
    %broadcast_in_dim3A_50 = vector.broadcast %broadcast_in_dim3A_49 : vector<10112x1xi1> to vector<10112x32xi1>
    %broadcast_in_dim3A_51 = vector.broadcast %jit3A_48 : f32 to vector<10112x32xf32>
    %select_n3A_52 = arith.select %broadcast_in_dim3A_50, %mul3A_47, %broadcast_in_dim3A_51 : vector<10112x32xi1>, vector<10112x32xf32>
    %reduce_sum3A_53 = arith.constant dense<0.000000e+00> : vector<32xf32>
    %reduce_sum3A_54 = vector.multi_reduction <add>, %select_n3A_52, %reduce_sum3A_53 [0] : vector<10112x32xf32> to vector<32xf32>
    %broadcast_in_dim3A_55 = vector.shape_cast %reduce_sum3A_54 : vector<32xf32> to vector<1x32xf32>
    %div3A_56 = arith.constant 1.000000e+04 : f32
    %div3A_57 = vector.broadcast %div3A_56 : f32 to vector<1x32xf32>
    %div3A_58 = arith.divf %broadcast_in_dim3A_55, %div3A_57 : vector<1x32xf32>
    %mul3A_59 = vector.broadcast %get3A_33 : vector<1x32xf32> to vector<10112x32xf32>
    %mul3A_60 = arith.mulf %mul3A_59, %sub3A_46 : vector<10112x32xf32>
    %add3A_61 = arith.constant 9.99999974E-6 : f32
    %add3A_62 = vector.broadcast %add3A_61 : f32 to vector<1x32xf32>
    %add3A_63 = arith.addf %div3A_58, %add3A_62 : vector<1x32xf32>
    %sqrt3A_64 = math.sqrt %add3A_63 : vector<1x32xf32>
    %div3A_65 = vector.broadcast %sqrt3A_64 : vector<1x32xf32> to vector<10112x32xf32>
    %div3A_66 = arith.divf %mul3A_60, %div3A_65 : vector<10112x32xf32>
    %add3A_67 = vector.broadcast %get3A_36 : vector<1x32xf32> to vector<10112x32xf32>
    %add3A_68 = arith.addf %div3A_66, %add3A_67 : vector<10112x32xf32>
    %max3A = arith.constant 0.000000e+00 : f32
    %max3A_69 = vector.broadcast %max3A : f32 to vector<10112x32xf32>
    %max3A_70 = arith.maximumf %add3A_68, %max3A_69 : vector<10112x32xf32>
    %swap3A = arith.constant 0 : index
    %swap3A_71 = arith.constant 0 : index
    %swap3A_72 = vector.load %arg6[%swap3A, %swap3A_71] : memref<10112x32xf32, #tpu.memory_space<vmem>>, vector<10112x32xf32>
    tpu.vector_store %arg6[%swap3A, %swap3A_71], %max3A_70 {strides = array<i32>} : memref<10112x32xf32, #tpu.memory_space<vmem>>, vector<10112x32xf32>,
    return
  }
}

module attributes {stable_mosaic.version = 14 : i64} {
  func.func @_tc_mlp_body(%arg0: i32, %arg1: memref<2048x32xf32, #tpu.memory_space<vmem>>, %arg2: memref<2048x32xf32, #tpu.memory_space<vmem>>, %arg3: memref<32x64xf32, #tpu.memory_space<vmem>>, %arg4: memref<32x64xf32, #tpu.memory_space<vmem>>, %arg5: memref<1x64xf32, #tpu.memory_space<vmem>>, %arg6: memref<64x1xf32, #tpu.memory_space<vmem>>, %arg7: memref<1x1xf32, #tpu.memory_space<vmem>>, %arg8: memref<2048x1xf32, #tpu.memory_space<vmem>>) attributes {dimension_semantics = [#tpu.dimension_semantics<arbitrary>], iteration_bounds = array<i64: 160>, scalar_prefetch = 0 : i64, scratch_operands = 0 : i64, tpu.core_type = #tpu.core_type<tc>, window_params = [{transform_indices = @transform_0, window_bounds = array<i64: 2048, 32>}, {transform_indices = @transform_1, window_bounds = array<i64: 2048, 32>}, {pipeline_mode = #tpu.pipeline_mode<synchronous>, transform_indices = @transform_2, window_bounds = array<i64: 32, 64>}, {pipeline_mode = #tpu.pipeline_mode<synchronous>, transform_indices = @transform_3, window_bounds = array<i64: 32, 64>}, {pipeline_mode = #tpu.pipeline_mode<synchronous>, transform_indices = @transform_4, window_bounds = array<i64: 1, 64>}, {pipeline_mode = #tpu.pipeline_mode<synchronous>, transform_indices = @transform_5, window_bounds = array<i64: 64, 1>}, {pipeline_mode = #tpu.pipeline_mode<synchronous>, transform_indices = @transform_6, window_bounds = array<i64: 1, 1>}, {transform_indices = @transform_7, window_bounds = array<i64: 2048, 1>}]} {
    %get3A = arith.constant 0 : index
    %get3A_0 = arith.constant 0 : index
    %get3A_1 = vector.load %arg1[%get3A, %get3A_0] : memref<2048x32xf32, #tpu.memory_space<vmem>>, vector<2048x32xf32>
    %get3A_2 = arith.constant 0 : index
    %get3A_3 = arith.constant 0 : index
    %get3A_4 = vector.load %arg2[%get3A_2, %get3A_3] : memref<2048x32xf32, #tpu.memory_space<vmem>>, vector<2048x32xf32>
    %min3A = arith.minimumf %get3A_1, %get3A_4 : vector<2048x32xf32>
    %max3A = arith.maximumf %get3A_1, %get3A_4 : vector<2048x32xf32>
    %get3A_5 = arith.constant 0 : index
    %get3A_6 = arith.constant 0 : index
    %get3A_7 = vector.load %arg3[%get3A_5, %get3A_6] : memref<32x64xf32, #tpu.memory_space<vmem>>, vector<32x64xf32>
    %dot_general3A = arith.constant dense<0.000000e+00> : vector<2048x64xf32>
    %dot_general3A_8 = tpu.matmul %min3A, %get3A_7, %dot_general3A {dimension_numbers = #tpu.dot_dimension_numbers<[1], [0], [0], [1], [0, 0, 1, 1], [], []>, transpose_lhs_hint = false} : vector<2048x32xf32>, vector<32x64xf32>, vector<2048x64xf32> -> vector<2048x64xf32>
    %get3A_9 = arith.constant 0 : index
    %get3A_10 = arith.constant 0 : index
    %get3A_11 = vector.load %arg4[%get3A_9, %get3A_10] : memref<32x64xf32, #tpu.memory_space<vmem>>, vector<32x64xf32>
    %dot_general3A_12 = arith.constant dense<0.000000e+00> : vector<2048x64xf32>
    %dot_general3A_13 = tpu.matmul %max3A, %get3A_11, %dot_general3A_12 {dimension_numbers = #tpu.dot_dimension_numbers<[1], [0], [0], [1], [0, 0, 1, 1], [], []>, transpose_lhs_hint = false} : vector<2048x32xf32>, vector<32x64xf32>, vector<2048x64xf32> -> vector<2048x64xf32>
    %add3A = arith.addf %dot_general3A_8, %dot_general3A_13 : vector<2048x64xf32>
    %get3A_14 = arith.constant 0 : index
    %get3A_15 = arith.constant 0 : index
    %get3A_16 = vector.load %arg5[%get3A_14, %get3A_15] : memref<1x64xf32, #tpu.memory_space<vmem>>, vector<1x64xf32>
    %add3A_17 = vector.broadcast %get3A_16 : vector<1x64xf32> to vector<2048x64xf32>
    %add3A_18 = arith.addf %add3A, %add3A_17 : vector<2048x64xf32>
    %max3A_19 = arith.constant 0.000000e+00 : f32
    %max3A_20 = vector.broadcast %max3A_19 : f32 to vector<2048x64xf32>
    %max3A_21 = arith.maximumf %add3A_18, %max3A_20 : vector<2048x64xf32>
    %get3A_22 = arith.constant 0 : index
    %get3A_23 = arith.constant 0 : index
    %get3A_24 = vector.load %arg6[%get3A_22, %get3A_23] : memref<64x1xf32, #tpu.memory_space<vmem>>, vector<64x1xf32>
    %dot_general3A_25 = arith.constant dense<0.000000e+00> : vector<2048x1xf32>
    %dot_general3A_26 = tpu.matmul %max3A_21, %get3A_24, %dot_general3A_25 {dimension_numbers = #tpu.dot_dimension_numbers<[1], [0], [0], [1], [0, 0, 1, 1], [], []>, transpose_lhs_hint = false} : vector<2048x64xf32>, vector<64x1xf32>, vector<2048x1xf32> -> vector<2048x1xf32>
    %get3A_27 = arith.constant 0 : index
    %get3A_28 = arith.constant 0 : index
    %get3A_29 = vector.load %arg7[%get3A_27, %get3A_28] : memref<1x1xf32, #tpu.memory_space<vmem>>, vector<1x1xf32>
    %add3A_30 = vector.broadcast %get3A_29 : vector<1x1xf32> to vector<2048x1xf32>
    %add3A_31 = arith.addf %dot_general3A_26, %add3A_30 : vector<2048x1xf32>
    %swap3A = arith.constant 0 : index
    %swap3A_32 = arith.constant 0 : index
    %swap3A_33 = vector.load %arg8[%swap3A, %swap3A_32] : memref<2048x1xf32, #tpu.memory_space<vmem>>, vector<2048x1xf32>
    tpu.vector_store %arg8[%swap3A, %swap3A_32], %add3A_31 {strides = array<i32>} : memref<2048x1xf32, #tpu.memory_space<vmem>>, vector<2048x1xf32>,
    return
  }
  func.func @transform_0(%arg0: i32) -> (i32, i32) {
    %c0_i32 = arith.constant 0 : i32
    %c0_i32_0 = arith.constant 0 : i32
    return %arg0, %c0_i32 : i32, i32
  }
  func.func @transform_1(%arg0: i32) -> (i32, i32) {
    %c0_i32 = arith.constant 0 : i32
    %c0_i32_0 = arith.constant 0 : i32
    return %arg0, %c0_i32 : i32, i32
  }
  func.func @transform_2(%arg0: i32) -> (i32, i32) {
    %c0_i32 = arith.constant 0 : i32
    %c0_i32_0 = arith.constant 0 : i32
    %c0_i32_1 = arith.constant 0 : i32
    return %c0_i32, %c0_i32_0 : i32, i32
  }
  func.func @transform_3(%arg0: i32) -> (i32, i32) {
    %c0_i32 = arith.constant 0 : i32
    %c0_i32_0 = arith.constant 0 : i32
    %c0_i32_1 = arith.constant 0 : i32
    return %c0_i32, %c0_i32_0 : i32, i32
  }
  func.func @transform_4(%arg0: i32) -> (i32, i32) {
    %c0_i32 = arith.constant 0 : i32
    %c0_i32_0 = arith.constant 0 : i32
    %c0_i32_1 = arith.constant 0 : i32
    return %c0_i32, %c0_i32_0 : i32, i32
  }
  func.func @transform_5(%arg0: i32) -> (i32, i32) {
    %c0_i32 = arith.constant 0 : i32
    %c0_i32_0 = arith.constant 0 : i32
    %c0_i32_1 = arith.constant 0 : i32
    return %c0_i32, %c0_i32_0 : i32, i32
  }
  func.func @transform_6(%arg0: i32) -> (i32, i32) {
    %c0_i32 = arith.constant 0 : i32
    %c0_i32_0 = arith.constant 0 : i32
    %c0_i32_1 = arith.constant 0 : i32
    return %c0_i32, %c0_i32_0 : i32, i32
  }
  func.func @transform_7(%arg0: i32) -> (i32, i32) {
    %c0_i32 = arith.constant 0 : i32
    %c0_i32_0 = arith.constant 0 : i32
    return %arg0, %c0_i32 : i32, i32
  }
}

</mosaic_0001>

<sc_bundles>
// kernel: kernel.12.cloned.1.call-start
scs
__scs_entry_jumppad:
0x0: {  	(pc) =	sbr.rel $0x88, $3  }
0x1: {  	(tag) =	ssettag $0x0;
	lr =	simm.s32 $0x1  }
0x2: {  	[smem:$0x3F8F] =	sst lr;
	_ =	strace $0xD0000000  }
0x3: {  	_ = 	snop  }
0x4: {  	_ = 	snop  }
0x5: {  	_ = 	snop  }
0x6: {  	_ = 	snop  }
0x7: {  	_ = 	snop  }
__scs_overlays_trampoline_lowered:
0x8: {  	[smem:$0x3F9E] =	sst s0  }
0x9: {  	[smem:$0x3F9F] =	sst s1  }
0xa: {  	[smem:$0x3FA0] =	sst s2  }
0xb: {  	[smem:$0x3FA1] =	sst s3  }
0xc: {  	[smem:$0x3FA2] =	sst s4  }
0xd: {  	[smem:$0x3FA3] =	sst s5  }
0xe: {  	[smem:$0x3FA4] =	sst s6  }
0xf: {  	[smem:$0x3FA5] =	sst s7  }
0x10: {  	[smem:$0x3FA6] =	sst s8  }
0x11: {  	[smem:$0x3FA7] =	sst s9;
	s0 =	simm.s32 @!p0 $0x0  }
0x12: {  	s1 =	sld [smem:$0x3F8D];
	s0 =	simm.s32 @p0 $0x1  }
0x13: {  	[smem:$0x3FA8] =	sst s0;
	s0 =	simm.s32 @!p1 $0x0  }
0x14: {  	s2 =	sld [smem:$0x3F8C];
	s0 =	simm.s32 @p1 $0x1  }
0x15: {  	[smem:$0x3FA9] =	sst s0;
	s0 =	simm.s32 @!p2 $0x0  }
0x16: {  	s3 =	sld [smem:$0x3FDB];
	s0 =	simm.s32 @p2 $0x1  }
0x17: {  	s4 =	simm.s32 $0x1BF5;
	[smem:$0x3FAB] =	sst s0  }
0x18: {  	s0 =	sld [smem:$0x3F8E];
	_ =	swait.ge [sflag:s4], $0x0  }
0x19: {  	s7 =	sld [smem:$0x3F8F]  }
0x1a: {  	s8 =	sadd.s32 $0xFFFFE003, lr  }
0x1b: {  	s9 =	sadd.s32 $0xFFFFFEF7, lr;
	s5 =	simm.s32 $0xFFFFFFFF;
	p2 =	slt.u32 s8, $0xFFFFF086  }
0x1c: {  	p1 =	slt.u32 s9, $0xF7A;
	s5 =	simm.s32 @!p2 $0x0  }
0x1d: {  	s5 =	simm.s32 @p1 $0x1;
	p0 =	seq.s32 s7, s2  }
0x1e: {  	s7 =	smul.u32 @!p0 $0xF7A, s2;
	p2 =	seq.s32 @!p0 s5, $0x0  }
0x1f: {  	s9 =	smul.u32 $0xF7A, s1;
	s8 =	simm.s32 @!p0 $0x1BF5;
	p2 =	por !p2, p0  }
0x20: {  	[sflag:s8] =	ssyncset.s32 @!p0 $0xFFFFF086;
	s6 =	sadd.s32 @!p0 s3, s7;
	s7 =	simm.s32 @!p0 $0x108  }
0x21: {  	s3 =	sadd.s32 s3, s9;
	s6 =	sadd.s32 @!p0 $0x88, s6;
	s7 =	simm.s32 @p2 $0x1082  }
0x22: {  	[simem:s7], [sflag:s8] =	dma.local @!p0 [hbm:s6], $0xF7A  }
0x23: {  	s9 =	sor.u32 $0xD0000000, s2;
	s6 =	simm.s32 $0x108;
	_ =	swait.ge @!p0 [sflag:s8], $0x0  }
0x24: {  	s3 =	sadd.s32 $0x88, s3;
	s6 =	simm.s32 @!p1 $0x1082;
	[sflag:s4] =	ssyncset.s32 $0xFFFFF086  }
0x25: {  	[simem:s6], [sflag:s4] =	dma.local [hbm:s3], $0xF7A  }
0x26: {  	[smem:$0x3F8F] =	sst s1;
	(tag) =	ssettag s2;
	_ =	strace s9  }
0x27: {  	s1 =	sld [smem:$0x3F9F]  }
0x28: {  	s2 =	sld [smem:$0x3FA0]  }
0x29: {  	s4 =	sld [smem:$0x3FA2]  }
0x2a: {  	p0 =	seq.s32 s5, $0x0;
	s5 =	sld [smem:$0x3FA3]  }
0x2b: {  	s6 =	sld [smem:$0x3FA4]  }
0x2c: {  	s7 =	sld [smem:$0x3FA5]  }
0x2d: {  	s3 =	simm.s32 $0x108;
	s8 =	sld [smem:$0x3FA6]  }
0x2e: {  	s3 =	simm.s32 @!p0 $0x1082;
	s9 =	sld [smem:$0x3FA7]  }
0x2f: {  	lr =	sadd.s32 s0, s3;
	s0 =	sld [smem:$0x3F9E]  }
0x30: {  	s3 =	sld [smem:$0x3FA1]  }
0x31: {  	[smem:$0x3FAA] =	sst s10  }
0x32: {  	s10 =	sld [smem:$0x3FA8];
	_ =	sdelay $0x3  }
0x33: {  	p0 =	seq.s32 s10, $0x1;
	s10 =	sld [smem:$0x3FAA];
	_ =	sdelay $0x3  }
0x34: {  	[smem:$0x3FAA] =	sst s10  }
0x35: {  	s10 =	sld [smem:$0x3FA9];
	_ =	sdelay $0x3  }
0x36: {  	p1 =	seq.s32 s10, $0x1;
	s10 =	sld [smem:$0x3FAA];
	_ =	sdelay $0x3  }
0x37: {  	[smem:$0x3FAA] =	sst s10  }
0x38: {  	s10 =	sld [smem:$0x3FAB]  }
0x39: {  	_ = 	snop;
	(pc) =	sbr.ind lr, $3  }
0x3a: {  	_ = 	snop  }
0x3b: {  	_ = 	snop  }
0x3c: {  	p2 =	seq.s32 s10, $0x1;
	s10 =	sld [smem:$0x3FAA]  }
0x3d: {  	_ =	shalt  }
0x3e: {  	_ =	shalt  }
0x3f: {  	_ =	shalt  }
0x40: {  	_ =	shalt  }
0x41: {  	_ =	shalt  }
0x42: {  	_ =	shalt  }
0x43: {  	_ =	shalt  }
0x44: {  	_ =	shalt  }
0x45: {  	_ =	shalt  }
0x46: {  	_ =	shalt  }
0x47: {  	_ =	shalt  }
0x48: {  	_ =	shalt  }
0x49: {  	_ =	shalt  }
0x4a: {  	_ =	shalt  }
0x4b: {  	_ =	shalt  }
0x4c: {  	_ =	shalt  }
0x4d: {  	_ =	shalt  }
0x4e: {  	_ =	shalt  }
0x4f: {  	_ =	shalt  }
0x50: {  	_ =	shalt  }
0x51: {  	_ =	shalt  }
0x52: {  	_ =	shalt  }
0x53: {  	_ =	shalt  }
0x54: {  	_ =	shalt  }
0x55: {  	_ =	shalt  }
0x56: {  	_ =	shalt  }
0x57: {  	_ =	shalt  }
0x58: {  	_ =	shalt  }
0x59: {  	_ =	shalt  }
0x5a: {  	_ =	shalt  }
0x5b: {  	_ =	shalt  }
0x5c: {  	_ =	shalt  }
0x5d: {  	_ =	shalt  }
0x5e: {  	_ =	shalt  }
0x5f: {  	_ =	shalt  }
0x60: {  	_ =	shalt  }
0x61: {  	_ =	shalt  }
0x62: {  	_ =	shalt  }
0x63: {  	_ =	shalt  }
0x64: {  	_ =	shalt  }
0x65: {  	_ =	shalt  }
0x66: {  	_ =	shalt  }
0x67: {  	_ =	shalt  }
0x68: {  	_ =	shalt  }
0x69: {  	_ =	shalt  }
0x6a: {  	_ =	shalt  }
0x6b: {  	_ =	shalt  }
0x6c: {  	_ =	shalt  }
0x6d: {  	_ =	shalt  }
0x6e: {  	_ =	shalt  }
0x6f: {  	_ =	shalt  }
0x70: {  	_ =	shalt  }
0x71: {  	_ =	shalt  }
0x72: {  	_ =	shalt  }
0x73: {  	_ =	shalt  }
0x74: {  	_ =	shalt  }
0x75: {  	_ =	shalt  }
0x76: {  	_ =	shalt  }
0x77: {  	_ =	shalt  }
0x78: {  	_ =	shalt  }
0x79: {  	_ =	shalt  }
0x7a: {  	_ =	shalt  }
0x7b: {  	_ =	shalt  }
0x7c: {  	_ =	shalt  }
0x7d: {  	_ =	shalt  }
0x7e: {  	_ =	shalt  }
0x7f: {  	_ =	shalt  }
0x80: {  	_ =	shalt  }
0x81: {  	_ =	shalt  }
0x82: {  	_ =	shalt  }
0x83: {  	_ =	shalt  }
0x84: {  	_ =	shalt  }
0x85: {  	_ =	shalt  }
0x86: {  	_ =	shalt  }
0x87: {  	_ =	shalt  }
.Lfunc_end0:
.L_simem_size_0:
called_computation_lowered:
.L_overlay_start_0:
0x88: {  	s2 =	sld [smem:$0x3FD9]  }
0x89: {  	s3 =	sld [smem:$0x3FFE];
	_ =	sdelay $0x1  }
0x8a: {  	s1 =	srdreg.scid  }
0x8b: {  	s0 =	sand.u32 $0x1, s1  }
0x8c: {  	s17 =	sshll.u32 s0, $0xA;
	s2 =	sadd.s32 s3, s2  }
0x8d: {  	s2 =	sadd.s32 s2, s17  }
0x8e: {  	[smem:$0x3FB6] =	sst s2  }
0x8f: {  	_ = 	snop  }
0x90: {  	s2 =	sld [smem:$0x3FD0];
	(tm) =	ssettm $0x1  }
0x91: {  	s18 =	sld [smem:$0x3FFB];
	_ =	sdelay $0x3  }
0x92: {  	_ =	strace s18  }
0x93: {  	s3 =	sld [smem:$0x3FFC];
	_ =	sdelay $0x3  }
0x94: {  	_ =	strace s3  }
0x95: {  	s3 =	sld [smem:$0x3FFD];
	_ =	sdelay $0x3  }
0x96: {  	_ =	strace s3  }
0x97: {  	_ =	strace $0x8FFFFFFF  }
0x98: {  	s19 =	sld [smem:$0x3FDB];
	_ =	sdelay $0x1  }
0x99: {  	s4 =	simm.s32 $_scs_section_size  }
0x9a: {  	s5 =	simm.s32 $_size__tile_overlayer_lowered;
	s6 =	simm.s32 $_tile_overlayer_lowered  }
0x9b: {  	s22 =	simm.s32 $0x1BFF;
	s21 =	sshll.u32 s6, $0x1;
	s3 =	sadd.s32 s4, s19  }
0x9c: {  	s7 =	simm.s32 $0x0;
	s20 =	sshll.u32 s5, $0x1;
	s5 =	sadd.s32 s21, s3  }
0x9d: {  	[timem:s7], [sflag:s22] =	dma.local [hbm:s5], s20  }
0x9e: {  	_ =	swait.ge [sflag:s22], s20  }
0x9f: {  	s4 =	ssub.s32 $0x0, s20;
	[sflag:s22] =	ssyncset.done $0x0  }
0xa0: {  	[sflag:s22] =	ssyncadd.s32 s4;
	_ =	sdelay $0x1  }
0xa1: {  	s23 =	simm.s32 $0x1B8B  }
0xa2: {  	_ =	swait.ge [sflag:s23], $0x1  }
0xa3: {  	[sflag:s23] =	ssyncset.done $0x0  }
0xa4: {  	s25 =	simm.s32 $0x1B8E;
	s24 =	sld [smem:$0x3FFE];
	[sflag:s23] =	ssyncadd.s32 $0xFFFFFFFF  }
0xa5: {  	s26 =	simm.s32 $execute0_lowered;
	[smem:$0x3FD2] =	sst s25  }
0xa6: {  	s5 =	sshll.u32 s26, $0x1;
	_ =	strace $0x80000046;
	[dreg:$0x1] =	wrdreg $0xFFFFFFFF  }
0xa7: {  	s28 =	simm.s32 $_size_execute0_lowered;
	s3 =	sadd.s32 s3, s5;
	[dreg:$0x0] =	wrdreg $0x0  }
0xa8: {  	s5 =	sshll.u32 s28, $0x1;
	[dreg:$0x2] =	wrdreg s3  }
0xa9: {  	[dreg:$0x3] =	wrdreg s5  }
0xaa: {  	[dreg:$0x4] =	wrdreg $0xC0  }
0xab: {  	_ =	task [dreg:s7], $0x5FFFF  }
0xac: {  	[dreg:$0x1] =	wrdreg $0xFFFFFFFF  }
0xad: {  	[dreg:$0x0] =	wrdreg $0x60  }
0xae: {  	[dreg:$0x2] =	wrdreg s24  }
0xaf: {  	[dreg:$0x3] =	wrdreg s2  }
0xb0: {  	[dreg:$0x4] =	wrdreg $0x2C000  }
0xb1: {  	[dreg:$0x5] =	wrdreg $0x9  }
0xb2: {  	_ =	task.clear_ibuf [dreg:s7], $0x6FFFF;
	_ =	strace $0x90000046  }
0xb3: {  	s29 =	simm.s32 $0x9;
	_ =	strace $0x80000048  }
0xb4: {  	_ =	swait.ge [sflag:s29], $0x1  }
0xb5: {  	[sflag:s29] =	ssyncadd.s32 $0xFFFFFFFF  }
0xb6: {  	_ =	strace $0x90000048  }
0xb7: {  	_ =	sfence  }
0xb8: {  	s30 =	sld [smem:$0x0];
	_ =	sdelay $0x2  }
0xb9: {  	s31 =	sshll.u32 s1, $0xD;
	s1 =	sshrl.u32 s1, $0x2  }
0xba: {  	s3 =	sand.u32 $0x4000, s31;
	s1 =	sadd.s32 s1, s30  }
0xbb: {  	s0 =	sor.u32 s3, s0;
	s1 =	sshll.u32 s1, $0x11  }
0xbc: {  	s0 =	sor.u32 s1, s0  }
0xbd: {  	s0 =	sadd.s32 $0x8F2B, s0  }
0xbe: {  	[sflag:s0] =	ssyncadd.remote.s32 $0x1  }
0xbf: {  	_ =	sfence.sel $0xFFFF  }
0xc0: {  	[dreg:$0x0] =	wrdreg $0xFFFFFFFF;
	(pc) =	sbr.abs _section_cstart, $3  }
0xc1: {  	[dreg:$0x1] =	wrdreg $0xFFFFFFFF  }
0xc2: {  	_ =	task.clear_ibuf [dreg:s7], $0x2FFFF;
	_ =	strace $0x9FFFFFFF  }
0xc3: {  	(tm) =	ssettm $0x7FFFFFFF  }
tec
execute0_lowered:
.L_overlay_start_1:
0x0: {  	(tag) =	ssettag $0x1  }
0x1: {  	s5 =	rddreg [dreg:$0x0]  }
0x2: {  	s1 =	srdreg.scid;
	s7 =	rddreg [dreg:$0x1]  }
0x3: {  	s0 =	stileid.u32;
	s2 =	rddreg [dreg:$0x2];
	s3 =	simm.s32 $0x0  }
0x4: {  	s13 =	simm.s32 $0x80;
	s4 =	sand.u32 $0x1, s1;
	s1 =	rddreg [dreg:$0x3]  }
0x5: {  	s14 =	simm.s32 $0x0;
	s28 =	sshll.u32 s0, $0x1;
	[smem:$0x7FF] =	sst s3  }
0x6: {  	s8 =	smul.u32 $0x13C0, s0;
	s31 =	sshll.u32 s0, $0x6;
	s6 =	sor.u32 s4, s28  }
0x7: {  	_ =	strace $0x80000047;
	s10 =	ssub.s32 $0x2, s4;
	s11 =	smul.u32 $0x13C00, s4  }
0x8: {  	s4 =	sadd.s32 $0x18C00, s5;
	s6 =	smul.u32 $0x500, s6;
	s9 =	sshrl.u32 s8, $0x3  }
0x9: {  	s29 =	sshrl.u32 s10, $0x1;
	s12 =	sadd.s32 s8, s2;
	s9 =	sadd.s32 s9, s5  }
0xa: {  	s10 =	ssub.s32 s10, s29;
	s11 =	sadd.s32 s8, s11;
	s12 =	sshrl.u32 s12, $0x3  }
0xb: {  	s6 =	sadd.s32 s6, s5;
	s30 =	sshrl.u32 s11, $0x3;
	s8 =	smax.u32 s10, $0x1  }
0xc: {  	s10 =	simm.s32 $0x2800;
	s11 =	sor.u32 $0x1C01, s31;
	s5 =	sadd.s32 $0xEC00, s6  }
0xd: {  	s6 =	sadd.s32 $0x18E00, s9;
	s7 =	sadd.s32 s7, s30;
	s9 =	simm.s32 $0x1  }
.LBB2_1:
0xe: {  	[tilespmem:s3], [sflag:$0x1] =	stream.linear.gather [hbm4b:s5+s3], $0x2800, $0x38;
	[tilespmem:$0x3FC0] =	vst v63  }
0xf: {  	_ =	swait.ge [sflag:s9], $0x2800  }
0x10: {  	[sflag:s9] =	ssyncset.done $0x0  }
0x11: {  	[sflag:s9] =	ssyncadd.s32 $0xFFFFD800  }
0x12: {  	[tilespmem:s10], [sflag:$0x1] =	stream.linear.gather [hbm4b:s4+s3], $0x400, $0x38;
	[tilespmem:$0x3FC0] =	vst v63  }
0x13: {  	_ =	swait.ge [sflag:s9], $0x400  }
0x14: {  	[sflag:s9] =	ssyncset.done $0x0  }
0x15: {  	[sflag:s9] =	ssyncadd.s32 $0xFFFFFC00  }
0x16: {  	[spmem:s12], [sflag:s11] =	dma.local [hbm:s6], $0x278  }
0x17: {  	_ =	swait.ge [sflag:s9], $0x278  }
0x18: {  	[sflag:s9] =	ssyncset.done $0x0  }
0x19: {  	[sflag:s9] =	ssyncadd.s32 $0xFFFFFD88  }
0x1a: {  	s15 =	simm.s32 $0x0;
	[bflag:$0x0] =	sbarrier.arrive $0xFFFF  }
0x1b: {  	[spmem:s2] =	stream.indirect.scatter.add.f32 [tilespmem:s10], [sflag:$0x1], $0x8, s15, s13, $0xb8;
	[tilespmem:$0x3FC0] =	vst v63  }
0x1c: {  	_ =	swait.ge [sflag:s9], $0x400  }
0x1d: {  	s15 =	simm.s32 $0x200;
	[sflag:s9] =	ssyncset.done $0x0  }
.LBB2_2:
0x1e: {  	s16 =	sshra.s32 s15, $0x2;
	[sflag:s9] =	ssyncadd.s32 $0xFFFFFC00;
	p0 =	sne.s32 s15, $0x9E00  }
0x1f: {  	[spmem:s2] =	stream.indirect.scatter.add.f32 [tilespmem:s10], [sflag:$0x1], $0x8, s16, s13, $0xb8;
	[tilespmem:$0x3FC0] =	vst v63  }
.Ltmp0:
0x20: {  	_ = 	snop;
	(pc) =	sbr.rel @p0 .LBB2_2-.Ltmp0, $4  }
0x21: {  	_ = 	snop  }
0x22: {  	s15 =	sadd.s32 $0x200, s15  }
0x23: {  	_ =	swait.ge [sflag:s9], $0x400  }
0x24: {  	[sflag:s9] =	ssyncset.done $0x0  }
0x25: {  	s14 =	sadd.s32 $0x1, s14  }
0x26: {  	[sflag:s9] =	ssyncadd.s32 $0xFFFFFC00;
	p0 =	sne.s32 s14, s8  }
.Ltmp1:
0x27: {  	[bflag:$0x0] =	sbarrier.arrive $0xFFFF;
	(pc) =	sbr.rel @p0 .LBB2_1-.Ltmp1, $4  }
0x28: {  	[hbm:s7], [sflag:s11] =	dma.local [spmem:s12], $0x278  }
0x29: {  	_ =	swait.ge [sflag:s9], $0x278  }
0x2a: {  	[sflag:s9] =	ssyncset.done $0x0  }
0x2b: {  	[sflag:s9] =	ssyncadd.s32 $0xFFFFFD88  }
0x2c: {  	_ =	sfence.sel $0x180000  }
0x2d: {  	[bflag:$0x0] =	sbarrier.arrive $0xFFFF  }
0x2e: {  	p0 =	sne.s32 s0, $0x0;
	_ =	strace $0x90000047  }
0x2f: {  	s0 =	sadd.s32 @!p0 $0x100000, s1;
	[bflag:$0x2] =	sbarrier.arrive $0xFFFF  }
0x30: {  	[sflag:s0] =	ssyncadd.tile.s32 @!p0 $0x1;
	_ =	shalt  }
.Lfunc_end2:
_tile_overlayer_lowered:
.L_overlay_start_2:
0x31: {  	(tag) =	ssettag $0x2  }
0x32: {  	s0 =	rddreg [dreg:$0x0];
	s2 =	stileid.u32  }
0x33: {  	s1 =	rddreg [dreg:$0x1];
	p0 =	sne.s32 s2, $0x0  }
0x34: {  	s3 =	rddreg [dreg:$0x2];
	[bflag:$0x3] =	sbarrier.arrive $0xFFFF;
	s2 =	simm.s32 @!p0 $0x1C01  }
0x35: {  	[timem:s3], [sflag:s2] =	dma.local @!p0 [hbm:s0], s1  }
0x36: {  	s0 =	simm.s32 @!p0 $0x1  }
0x37: {  	_ =	swait.ge @!p0 [sflag:s0], s1  }
0x38: {  	s1 =	ssub.s32 @!p0 $0x0, s1;
	[sflag:s0] =	ssyncset.done @!p0 $0x0  }
0x39: {  	[sflag:s0] =	ssyncadd.s32 @!p0 s1  }
0x3a: {  	[bflag:$0x3] =	sbarrier.arrive $0xFFFF  }
0x3b: {  	_ =	shalt  }

// kernel: kernel.15.cloned.1.call-start
scs
__scs_entry_jumppad:
0x0: {  	(pc) =	sbr.rel $0x88, $3  }
0x1: {  	(tag) =	ssettag $0x0;
	lr =	simm.s32 $0x1  }
0x2: {  	[smem:$0x3F8F] =	sst lr;
	_ =	strace $0xD0000000  }
0x3: {  	_ = 	snop  }
0x4: {  	_ = 	snop  }
0x5: {  	_ = 	snop  }
0x6: {  	_ = 	snop  }
0x7: {  	_ = 	snop  }
__scs_overlays_trampoline_lowered:
0x8: {  	[smem:$0x3F9E] =	sst s0  }
0x9: {  	[smem:$0x3F9F] =	sst s1  }
0xa: {  	[smem:$0x3FA0] =	sst s2  }
0xb: {  	[smem:$0x3FA1] =	sst s3  }
0xc: {  	[smem:$0x3FA2] =	sst s4  }
0xd: {  	[smem:$0x3FA3] =	sst s5  }
0xe: {  	[smem:$0x3FA4] =	sst s6  }
0xf: {  	[smem:$0x3FA5] =	sst s7  }
0x10: {  	[smem:$0x3FA6] =	sst s8  }
0x11: {  	[smem:$0x3FA7] =	sst s9;
	s0 =	simm.s32 @!p0 $0x0  }
0x12: {  	s1 =	sld [smem:$0x3F8D];
	s0 =	simm.s32 @p0 $0x1  }
0x13: {  	[smem:$0x3FA8] =	sst s0;
	s0 =	simm.s32 @!p1 $0x0  }
0x14: {  	s2 =	sld [smem:$0x3F8C];
	s0 =	simm.s32 @p1 $0x1  }
0x15: {  	[smem:$0x3FA9] =	sst s0;
	s0 =	simm.s32 @!p2 $0x0  }
0x16: {  	s3 =	sld [smem:$0x3FDB];
	s0 =	simm.s32 @p2 $0x1  }
0x17: {  	s4 =	simm.s32 $0x1BF5;
	[smem:$0x3FAB] =	sst s0  }
0x18: {  	s0 =	sld [smem:$0x3F8E];
	_ =	swait.ge [sflag:s4], $0x0  }
0x19: {  	s7 =	sld [smem:$0x3F8F]  }
0x1a: {  	s8 =	sadd.s32 $0xFFFFE003, lr  }
0x1b: {  	s9 =	sadd.s32 $0xFFFFFEF7, lr;
	s5 =	simm.s32 $0xFFFFFFFF;
	p2 =	slt.u32 s8, $0xFFFFF086  }
0x1c: {  	p1 =	slt.u32 s9, $0xF7A;
	s5 =	simm.s32 @!p2 $0x0  }
0x1d: {  	s5 =	simm.s32 @p1 $0x1;
	p0 =	seq.s32 s7, s2  }
0x1e: {  	s7 =	smul.u32 @!p0 $0xF7A, s2;
	p2 =	seq.s32 @!p0 s5, $0x0  }
0x1f: {  	s9 =	smul.u32 $0xF7A, s1;
	s8 =	simm.s32 @!p0 $0x1BF5;
	p2 =	por !p2, p0  }
0x20: {  	[sflag:s8] =	ssyncset.s32 @!p0 $0xFFFFF086;
	s6 =	sadd.s32 @!p0 s3, s7;
	s7 =	simm.s32 @!p0 $0x108  }
0x21: {  	s3 =	sadd.s32 s3, s9;
	s6 =	sadd.s32 @!p0 $0x88, s6;
	s7 =	simm.s32 @p2 $0x1082  }
0x22: {  	[simem:s7], [sflag:s8] =	dma.local @!p0 [hbm:s6], $0xF7A  }
0x23: {  	s9 =	sor.u32 $0xD0000000, s2;
	s6 =	simm.s32 $0x108;
	_ =	swait.ge @!p0 [sflag:s8], $0x0  }
0x24: {  	s3 =	sadd.s32 $0x88, s3;
	s6 =	simm.s32 @!p1 $0x1082;
	[sflag:s4] =	ssyncset.s32 $0xFFFFF086  }
0x25: {  	[simem:s6], [sflag:s4] =	dma.local [hbm:s3], $0xF7A  }
0x26: {  	[smem:$0x3F8F] =	sst s1;
	(tag) =	ssettag s2;
	_ =	strace s9  }
0x27: {  	s1 =	sld [smem:$0x3F9F]  }
0x28: {  	s2 =	sld [smem:$0x3FA0]  }
0x29: {  	s4 =	sld [smem:$0x3FA2]  }
0x2a: {  	p0 =	seq.s32 s5, $0x0;
	s5 =	sld [smem:$0x3FA3]  }
0x2b: {  	s6 =	sld [smem:$0x3FA4]  }
0x2c: {  	s7 =	sld [smem:$0x3FA5]  }
0x2d: {  	s3 =	simm.s32 $0x108;
	s8 =	sld [smem:$0x3FA6]  }
0x2e: {  	s3 =	simm.s32 @!p0 $0x1082;
	s9 =	sld [smem:$0x3FA7]  }
0x2f: {  	lr =	sadd.s32 s0, s3;
	s0 =	sld [smem:$0x3F9E]  }
0x30: {  	s3 =	sld [smem:$0x3FA1]  }
0x31: {  	[smem:$0x3FAA] =	sst s10  }
0x32: {  	s10 =	sld [smem:$0x3FA8];
	_ =	sdelay $0x3  }
0x33: {  	p0 =	seq.s32 s10, $0x1;
	s10 =	sld [smem:$0x3FAA];
	_ =	sdelay $0x3  }
0x34: {  	[smem:$0x3FAA] =	sst s10  }
0x35: {  	s10 =	sld [smem:$0x3FA9];
	_ =	sdelay $0x3  }
0x36: {  	p1 =	seq.s32 s10, $0x1;
	s10 =	sld [smem:$0x3FAA];
	_ =	sdelay $0x3  }
0x37: {  	[smem:$0x3FAA] =	sst s10  }
0x38: {  	s10 =	sld [smem:$0x3FAB]  }
0x39: {  	_ = 	snop;
	(pc) =	sbr.ind lr, $3  }
0x3a: {  	_ = 	snop  }
0x3b: {  	_ = 	snop  }
0x3c: {  	p2 =	seq.s32 s10, $0x1;
	s10 =	sld [smem:$0x3FAA]  }
0x3d: {  	_ =	shalt  }
0x3e: {  	_ =	shalt  }
0x3f: {  	_ =	shalt  }
0x40: {  	_ =	shalt  }
0x41: {  	_ =	shalt  }
0x42: {  	_ =	shalt  }
0x43: {  	_ =	shalt  }
0x44: {  	_ =	shalt  }
0x45: {  	_ =	shalt  }
0x46: {  	_ =	shalt  }
0x47: {  	_ =	shalt  }
0x48: {  	_ =	shalt  }
0x49: {  	_ =	shalt  }
0x4a: {  	_ =	shalt  }
0x4b: {  	_ =	shalt  }
0x4c: {  	_ =	shalt  }
0x4d: {  	_ =	shalt  }
0x4e: {  	_ =	shalt  }
0x4f: {  	_ =	shalt  }
0x50: {  	_ =	shalt  }
0x51: {  	_ =	shalt  }
0x52: {  	_ =	shalt  }
0x53: {  	_ =	shalt  }
0x54: {  	_ =	shalt  }
0x55: {  	_ =	shalt  }
0x56: {  	_ =	shalt  }
0x57: {  	_ =	shalt  }
0x58: {  	_ =	shalt  }
0x59: {  	_ =	shalt  }
0x5a: {  	_ =	shalt  }
0x5b: {  	_ =	shalt  }
0x5c: {  	_ =	shalt  }
0x5d: {  	_ =	shalt  }
0x5e: {  	_ =	shalt  }
0x5f: {  	_ =	shalt  }
0x60: {  	_ =	shalt  }
0x61: {  	_ =	shalt  }
0x62: {  	_ =	shalt  }
0x63: {  	_ =	shalt  }
0x64: {  	_ =	shalt  }
0x65: {  	_ =	shalt  }
0x66: {  	_ =	shalt  }
0x67: {  	_ =	shalt  }
0x68: {  	_ =	shalt  }
0x69: {  	_ =	shalt  }
0x6a: {  	_ =	shalt  }
0x6b: {  	_ =	shalt  }
0x6c: {  	_ =	shalt  }
0x6d: {  	_ =	shalt  }
0x6e: {  	_ =	shalt  }
0x6f: {  	_ =	shalt  }
0x70: {  	_ =	shalt  }
0x71: {  	_ =	shalt  }
0x72: {  	_ =	shalt  }
0x73: {  	_ =	shalt  }
0x74: {  	_ =	shalt  }
0x75: {  	_ =	shalt  }
0x76: {  	_ =	shalt  }
0x77: {  	_ =	shalt  }
0x78: {  	_ =	shalt  }
0x79: {  	_ =	shalt  }
0x7a: {  	_ =	shalt  }
0x7b: {  	_ =	shalt  }
0x7c: {  	_ =	shalt  }
0x7d: {  	_ =	shalt  }
0x7e: {  	_ =	shalt  }
0x7f: {  	_ =	shalt  }
0x80: {  	_ =	shalt  }
0x81: {  	_ =	shalt  }
0x82: {  	_ =	shalt  }
0x83: {  	_ =	shalt  }
0x84: {  	_ =	shalt  }
0x85: {  	_ =	shalt  }
0x86: {  	_ =	shalt  }
0x87: {  	_ =	shalt  }
.Lfunc_end0:
.L_simem_size_0:
called_computation.1_lowered:
.L_overlay_start_0:
0x88: {  	s2 =	sld [smem:$0x3FD9]  }
0x89: {  	s3 =	sld [smem:$0x3FFE];
	_ =	sdelay $0x1  }
0x8a: {  	s1 =	srdreg.scid  }
0x8b: {  	s0 =	sand.u32 $0x1, s1  }
0x8c: {  	s16 =	sshll.u32 s0, $0xA;
	s2 =	sadd.s32 s3, s2  }
0x8d: {  	s2 =	sadd.s32 s2, s16  }
0x8e: {  	[smem:$0x3FB6] =	sst s2  }
0x8f: {  	_ = 	snop  }
0x90: {  	(tm) =	ssettm $0x1  }
0x91: {  	s17 =	sld [smem:$0x3FFB];
	_ =	sdelay $0x3  }
0x92: {  	_ =	strace s17  }
0x93: {  	s2 =	sld [smem:$0x3FFC];
	_ =	sdelay $0x3  }
0x94: {  	_ =	strace s2  }
0x95: {  	s2 =	sld [smem:$0x3FFD];
	_ =	sdelay $0x3  }
0x96: {  	_ =	strace s2  }
0x97: {  	_ =	strace $0x8FFFFFFF  }
0x98: {  	s18 =	sld [smem:$0x3FDB];
	_ =	sdelay $0x1  }
0x99: {  	s19 =	simm.s32 $_scs_section_size  }
0x9a: {  	s4 =	simm.s32 $_size__tile_overlayer_lowered;
	s5 =	simm.s32 $_tile_overlayer_lowered  }
0x9b: {  	s22 =	simm.s32 $0x1BFF;
	s21 =	sshll.u32 s5, $0x1;
	s2 =	sadd.s32 s19, s18  }
0x9c: {  	s6 =	simm.s32 $0x0;
	s20 =	sshll.u32 s4, $0x1;
	s4 =	sadd.s32 s21, s2  }
0x9d: {  	[timem:s6], [sflag:s22] =	dma.local [hbm:s4], s20  }
0x9e: {  	_ =	swait.ge [sflag:s22], s20  }
0x9f: {  	s3 =	ssub.s32 $0x0, s20;
	[sflag:s22] =	ssyncset.done $0x0  }
0xa0: {  	[sflag:s22] =	ssyncadd.s32 s3;
	_ =	sdelay $0x1  }
0xa1: {  	s23 =	simm.s32 $0x1B8B  }
0xa2: {  	_ =	swait.ge [sflag:s23], $0x1  }
0xa3: {  	[sflag:s23] =	ssyncset.done $0x0  }
0xa4: {  	s25 =	simm.s32 $0x1B8E;
	s24 =	sld [smem:$0x3FFE];
	[sflag:s23] =	ssyncadd.s32 $0xFFFFFFFF  }
0xa5: {  	s26 =	simm.s32 $execute0_lowered;
	[smem:$0x3FD2] =	sst s25  }
0xa6: {  	s4 =	sshll.u32 s26, $0x1;
	_ =	strace $0x80000049;
	[dreg:$0x1] =	wrdreg $0xFFFFFFFF  }
0xa7: {  	s28 =	simm.s32 $_size_execute0_lowered;
	s2 =	sadd.s32 s2, s4;
	[dreg:$0x0] =	wrdreg $0x0  }
0xa8: {  	s4 =	sshll.u32 s28, $0x1;
	[dreg:$0x2] =	wrdreg s2  }
0xa9: {  	[dreg:$0x3] =	wrdreg s4  }
0xaa: {  	[dreg:$0x4] =	wrdreg $0xC0  }
0xab: {  	_ =	task [dreg:s6], $0x5FFFF  }
0xac: {  	[dreg:$0x1] =	wrdreg $0xFFFFFFFF  }
0xad: {  	[dreg:$0x0] =	wrdreg $0x60  }
0xae: {  	[dreg:$0x2] =	wrdreg s24  }
0xaf: {  	[dreg:$0x3] =	wrdreg $0x70000  }
0xb0: {  	[dreg:$0x4] =	wrdreg $0xBF000  }
0xb1: {  	[dreg:$0x5] =	wrdreg $0x9  }
0xb2: {  	_ =	task.clear_ibuf [dreg:s6], $0x6FFFF;
	_ =	strace $0x90000049  }
0xb3: {  	s29 =	simm.s32 $0x9;
	_ =	strace $0x8000004B  }
0xb4: {  	_ =	swait.ge [sflag:s29], $0x1  }
0xb5: {  	[sflag:s29] =	ssyncadd.s32 $0xFFFFFFFF  }
0xb6: {  	_ =	strace $0x9000004B  }
0xb7: {  	_ =	sfence  }
0xb8: {  	s30 =	sld [smem:$0x0];
	_ =	sdelay $0x2  }
0xb9: {  	s31 =	sshll.u32 s1, $0xD;
	s1 =	sshrl.u32 s1, $0x2  }
0xba: {  	s3 =	sand.u32 $0x4000, s31;
	s1 =	sadd.s32 s1, s30  }
0xbb: {  	s0 =	sor.u32 s3, s0;
	s1 =	sshll.u32 s1, $0x11  }
0xbc: {  	s0 =	sor.u32 s1, s0  }
0xbd: {  	s0 =	sadd.s32 $0x8F2B, s0  }
0xbe: {  	[sflag:s0] =	ssyncadd.remote.s32 $0x1  }
0xbf: {  	_ =	sfence.sel $0xFFFF  }
0xc0: {  	[dreg:$0x0] =	wrdreg $0xFFFFFFFF;
	(pc) =	sbr.abs _section_cstart, $3  }
0xc1: {  	[dreg:$0x1] =	wrdreg $0xFFFFFFFF  }
0xc2: {  	_ =	task.clear_ibuf [dreg:s6], $0x2FFFF;
	_ =	strace $0x9FFFFFFF  }
0xc3: {  	(tm) =	ssettm $0x7FFFFFFF  }
tec
execute0_lowered:
.L_overlay_start_1:
0x0: {  	(tag) =	ssettag $0x1  }
0x1: {  	s5 =	rddreg [dreg:$0x0]  }
0x2: {  	s2 =	rddreg [dreg:$0x1]  }
0x3: {  	s3 =	rddreg [dreg:$0x2]  }
0x4: {  	s0 =	rddreg [dreg:$0x3];
	s1 =	stileid.u32  }
0x5: {  	s6 =	srdreg.scid;
	s4 =	simm.s32 $0x0;
	s12 =	simm.s32 $0x2800  }
0x6: {  	s16 =	simm.s32 $0x80;
	s17 =	simm.s32 $0x5000;
	s18 =	simm.s32 $0x6000  }
0x7: {  	s19 =	simm.s32 $0x1;
	s20 =	simm.s32 $0x2;
	s21 =	simm.s32 $0x2780  }
0x8: {  	s22 =	simm.s32 $0x4F00;
	s23 =	simm.s32 $0x4F80;
	s24 =	simm.s32 $0x0  }
0x9: {  	s8 =	smul.u32 $0x4F00, s1;
	s6 =	sand.u32 $0x1, s6;
	[smem:$0x7FF] =	sst s4  }
0xa: {  	s7 =	sshll.u32 s1, $0x1;
	s13 =	sshll.u32 s1, $0x6;
	s9 =	smul.u32 $0x4F000, s6  }
0xb: {  	_ =	strace $0x8000004A;
	s7 =	sor.u32 s6, s7;
	s6 =	ssub.s32 $0x2, s6  }
0xc: {  	s13 =	sor.u32 $0x1C03, s13;
	s10 =	sshrl.u32 s8, $0x3;
	s7 =	smul.u32 $0x500, s7  }
0xd: {  	s31 =	sshrl.u32 s6, $0x1;
	s14 =	sadd.s32 s8, s2;
	s15 =	sadd.s32 s8, s3  }
0xe: {  	s9 =	sadd.s32 s8, s9;
	s10 =	sadd.s32 s10, s5;
	s11 =	ssub.s32 s6, s31  }
0xf: {  	s14 =	sshrl.u32 s14, $0x3;
	s15 =	sshrl.u32 s15, $0x3;
	s9 =	sshrl.u32 s9, $0x3  }
0x10: {  	s7 =	sadd.s32 s7, s5;
	s8 =	sadd.s32 $0x8F400, s10;
	s9 =	sadd.s32 s9, s5  }
0x11: {  	s5 =	sadd.s32 $0x4C00, s7;
	s6 =	sadd.s32 $0xEC00, s7;
	s7 =	sadd.s32 $0x99200, s10  }
0x12: {  	s10 =	smax.u32 s11, $0x1;
	s11 =	simm.s32 $0x3;
	s9 =	sadd.s32 $0xA3000, s9  }
.LBB2_1:
0x13: {  	[tilespmem:s4], [sflag:$0x3] =	stream.linear.gather [hbm4b:s5+s4], $0x2800, $0x38;
	[tilespmem:$0x10E00] =	vst v63  }
0x14: {  	_ =	swait.ge [sflag:s11], $0x2800  }
0x15: {  	[sflag:s11] =	ssyncset.done $0x0  }
0x16: {  	[sflag:s11] =	ssyncadd.s32 $0xFFFFD800  }
0x17: {  	[tilespmem:s12], [sflag:$0x3] =	stream.linear.gather [hbm4b:s6+s4], $0x2800, $0x38;
	[tilespmem:$0x10E00] =	vst v63  }
0x18: {  	_ =	swait.ge [sflag:s11], $0x2800  }
0x19: {  	[sflag:s11] =	ssyncset.done $0x0  }
0x1a: {  	[sflag:s11] =	ssyncadd.s32 $0xFFFFD800  }
0x1b: {  	[spmem:s14], [sflag:s13] =	dma.local [hbm:s7], $0x9E0  }
0x1c: {  	_ =	swait.ge [sflag:s11], $0x9E0  }
0x1d: {  	[sflag:s11] =	ssyncset.done $0x0  }
0x1e: {  	[sflag:s11] =	ssyncadd.s32 $0xFFFFF620  }
0x1f: {  	[spmem:s15], [sflag:s13] =	dma.local [hbm:s8], $0x9E0  }
0x20: {  	_ =	swait.ge [sflag:s11], $0x9E0  }
0x21: {  	[sflag:s11] =	ssyncset.done $0x0  }
0x22: {  	[sflag:s11] =	ssyncadd.s32 $0xFFFFF620  }
0x23: {  	[bflag:$0x0] =	sbarrier.arrive $0xFFFF  }
0x24: {  	[tilespmem:s17], [sflag:$0x1] =	stream.indirect.gather [spmem:s3], $0x20, s4, s16, $0xb8;
	[tilespmem:$0x10E00] =	vst v63  }
0x25: {  	s25 =	simm.s32 $0x80  }
0x26: {  	[tilespmem:s18], [sflag:$0x2] =	stream.indirect.gather [spmem:s3], $0x20, s25, s16, $0xb8;
	[tilespmem:$0x10E00] =	vst v63  }
0x27: {  	_ =	swait.ge [sflag:s19], $0x1000  }
0x28: {  	[sflag:s19] =	ssyncset.done $0x0  }
0x29: {  	s29 =	simm.s32 $0x2800;
	[sflag:s19] =	ssyncadd.s32 $0xFFFFF000  }
0x2a: {  	[spmem:s2] =	stream.indirect.scatter.add.f32 [tilespmem:s17], [sflag:$0x3], $0x20, s29, s16, $0xb8;
	[tilespmem:$0x10E00] =	vst v63  }
0x2b: {  	_ =	swait.ge [sflag:s11], $0x1000  }
0x2c: {  	[sflag:s11] =	ssyncset.done $0x0  }
0x2d: {  	s30 =	simm.s32 $0x100;
	[sflag:s11] =	ssyncadd.s32 $0xFFFFF000  }
0x2e: {  	[tilespmem:s17], [sflag:$0x1] =	stream.indirect.gather [spmem:s3], $0x20, s30, s16, $0xb8;
	[tilespmem:$0x10E00] =	vst v63  }
0x2f: {  	_ =	swait.ge [sflag:s20], $0x1000  }
0x30: {  	[sflag:s20] =	ssyncset.done $0x0  }
0x31: {  	s31 =	simm.s32 $0x2880;
	[sflag:s20] =	ssyncadd.s32 $0xFFFFF000  }
0x32: {  	[spmem:s2] =	stream.indirect.scatter.add.f32 [tilespmem:s18], [sflag:$0x3], $0x20, s31, s16, $0xb8;
	[tilespmem:$0x10E00] =	vst v63  }
0x33: {  	_ =	swait.ge [sflag:s11], $0x1000  }
0x34: {  	s26 =	simm.s32 $0x800;
	s25 =	simm.s32 $0x100;
	[sflag:s11] =	ssyncset.done $0x0  }
.LBB2_2:
0x35: {  	s28 =	sadd.s32 $0x80, s25  }
0x36: {  	[sflag:s11] =	ssyncadd.s32 $0xFFFFF000;
	s29 =	smov.u32 s26;
	s30 =	sadd.s32 $0x400, s26  }
0x37: {  	[tilespmem:s18], [sflag:$0x2] =	stream.indirect.gather [spmem:s3], $0x20, s28, s16, $0xb8;
	[tilespmem:$0x10E00] =	vst v63  }
0x38: {  	p0 =	sne.s32 s26, $0x9800;
	_ =	swait.ge [sflag:s19], $0x1000  }
0x39: {  	[sflag:s19] =	ssyncset.done $0x0  }
0x3a: {  	s26 =	sadd.s32 $0x2800, s25;
	[sflag:s19] =	ssyncadd.s32 $0xFFFFF000  }
0x3b: {  	[spmem:s2] =	stream.indirect.scatter.add.f32 [tilespmem:s17], [sflag:$0x3], $0x20, s26, s16, $0xb8;
	[tilespmem:$0x10E00] =	vst v63  }
0x3c: {  	_ =	swait.ge [sflag:s11], $0x1000  }
0x3d: {  	[sflag:s11] =	ssyncset.done $0x0  }
0x3e: {  	s26 =	sadd.s32 $0x100, s25;
	[sflag:s11] =	ssyncadd.s32 $0xFFFFF000  }
0x3f: {  	[tilespmem:s17], [sflag:$0x1] =	stream.indirect.gather [spmem:s3], $0x20, s26, s16, $0xb8;
	[tilespmem:$0x10E00] =	vst v63  }
0x40: {  	_ =	swait.ge [sflag:s20], $0x1000  }
.Ltmp0:
0x41: {  	[sflag:s20] =	ssyncset.done $0x0;
	(pc) =	sbr.rel @p0 .LBB2_2-.Ltmp0, $4  }
0x42: {  	s25 =	sadd.s32 $0x2880, s25;
	[sflag:s20] =	ssyncadd.s32 $0xFFFFF000  }
0x43: {  	[spmem:s2] =	stream.indirect.scatter.add.f32 [tilespmem:s18], [sflag:$0x3], $0x20, s25, s16, $0xb8;
	[tilespmem:$0x10E00] =	vst v63  }
0x44: {  	_ =	swait.ge [sflag:s11], $0x1000  }
0x45: {  	s26 =	smov.u32 s30;
	s25 =	sshra.s32 s29, $0x2;
	[sflag:s11] =	ssyncset.done $0x0  }
0x46: {  	s26 =	sadd.s32 $0x80, s25;
	[sflag:s11] =	ssyncadd.s32 $0xFFFFF000  }
0x47: {  	[tilespmem:s18], [sflag:$0x2] =	stream.indirect.gather [spmem:s3], $0x20, s26, s16, $0xb8;
	[tilespmem:$0x10E00] =	vst v63  }
0x48: {  	_ =	swait.ge [sflag:s19], $0x1000  }
0x49: {  	[sflag:s19] =	ssyncset.done $0x0  }
0x4a: {  	s29 =	sadd.s32 $0x2800, s25;
	[sflag:s19] =	ssyncadd.s32 $0xFFFFF000  }
0x4b: {  	[spmem:s2] =	stream.indirect.scatter.add.f32 [tilespmem:s17], [sflag:$0x3], $0x20, s29, s16, $0xb8;
	[tilespmem:$0x10E00] =	vst v63  }
0x4c: {  	_ =	swait.ge [sflag:s11], $0x1000  }
0x4d: {  	[sflag:s11] =	ssyncset.done $0x0  }
0x4e: {  	s30 =	sadd.s32 $0x100, s25;
	[sflag:s11] =	ssyncadd.s32 $0xFFFFF000  }
0x4f: {  	[tilespmem:s17], [sflag:$0x1] =	stream.indirect.gather [spmem:s3], $0x20, s30, s16, $0xb8;
	[tilespmem:$0x10E00] =	vst v63  }
0x50: {  	_ =	swait.ge [sflag:s20], $0x1000  }
0x51: {  	[sflag:s20] =	ssyncset.done $0x0  }
0x52: {  	s31 =	sadd.s32 $0x2880, s25;
	[sflag:s20] =	ssyncadd.s32 $0xFFFFF000  }
0x53: {  	[spmem:s2] =	stream.indirect.scatter.add.f32 [tilespmem:s18], [sflag:$0x3], $0x20, s31, s16, $0xb8;
	[tilespmem:$0x10E00] =	vst v63  }
0x54: {  	_ =	swait.ge [sflag:s11], $0x1000  }
0x55: {  	[sflag:s11] =	ssyncset.done $0x0  }
0x56: {  	[sflag:s11] =	ssyncadd.s32 $0xFFFFF000  }
0x57: {  	[tilespmem:s18], [sflag:$0x2] =	stream.indirect.gather [spmem:s3], $0x20, s21, s16, $0xb8;
	[tilespmem:$0x10E00] =	vst v63  }
0x58: {  	_ =	swait.ge [sflag:s19], $0x1000  }
0x59: {  	[sflag:s19] =	ssyncset.done $0x0  }
0x5a: {  	[sflag:s19] =	ssyncadd.s32 $0xFFFFF000  }
0x5b: {  	[spmem:s2] =	stream.indirect.scatter.add.f32 [tilespmem:s17], [sflag:$0x3], $0x20, s22, s16, $0xb8;
	[tilespmem:$0x10E00] =	vst v63  }
0x5c: {  	_ =	swait.ge [sflag:s11], $0x1000  }
0x5d: {  	[sflag:s11] =	ssyncset.done $0x0  }
0x5e: {  	[sflag:s11] =	ssyncadd.s32 $0xFFFFF000  }
0x5f: {  	_ =	swait.ge [sflag:s20], $0x1000  }
0x60: {  	[sflag:s20] =	ssyncset.done $0x0  }
0x61: {  	[sflag:s20] =	ssyncadd.s32 $0xFFFFF000  }
0x62: {  	[spmem:s2] =	stream.indirect.scatter.add.f32 [tilespmem:s18], [sflag:$0x3], $0x20, s23, s16, $0xb8;
	[tilespmem:$0x10E00] =	vst v63  }
0x63: {  	_ =	swait.ge [sflag:s11], $0x1000  }
0x64: {  	s24 =	sadd.s32 $0x1, s24;
	[sflag:s11] =	ssyncset.done $0x0  }
0x65: {  	p0 =	sne.s32 s24, s10;
	[sflag:s11] =	ssyncadd.s32 $0xFFFFF000  }
.Ltmp1:
0x66: {  	[bflag:$0x0] =	sbarrier.arrive $0xFFFF;
	(pc) =	sbr.rel @p0 .LBB2_1-.Ltmp1, $4  }
0x67: {  	[hbm:s9], [sflag:s13] =	dma.local [spmem:s14], $0x9E0  }
0x68: {  	_ =	swait.ge [sflag:s11], $0x9E0  }
0x69: {  	[sflag:s11] =	ssyncset.done $0x0  }
0x6a: {  	[sflag:s11] =	ssyncadd.s32 $0xFFFFF620  }
0x6b: {  	_ =	sfence.sel $0x180000  }
0x6c: {  	[bflag:$0x0] =	sbarrier.arrive $0xFFFF  }
0x6d: {  	p0 =	sne.s32 s1, $0x0;
	_ =	strace $0x9000004A  }
0x6e: {  	s0 =	sadd.s32 @!p0 $0x100000, s0;
	[bflag:$0x2] =	sbarrier.arrive $0xFFFF  }
0x6f: {  	[sflag:s0] =	ssyncadd.tile.s32 @!p0 $0x1;
	_ =	shalt  }
.Lfunc_end2:
_tile_overlayer_lowered:
.L_overlay_start_2:
0x70: {  	(tag) =	ssettag $0x2  }
0x71: {  	s0 =	rddreg [dreg:$0x0];
	s2 =	stileid.u32  }
0x72: {  	s1 =	rddreg [dreg:$0x1];
	p0 =	sne.s32 s2, $0x0  }
0x73: {  	s3 =	rddreg [dreg:$0x2];
	[bflag:$0x3] =	sbarrier.arrive $0xFFFF;
	s2 =	simm.s32 @!p0 $0x1C03  }
0x74: {  	[timem:s3], [sflag:s2] =	dma.local @!p0 [hbm:s0], s1  }
0x75: {  	s0 =	simm.s32 @!p0 $0x3  }
0x76: {  	_ =	swait.ge @!p0 [sflag:s0], s1  }
0x77: {  	s1 =	ssub.s32 @!p0 $0x0, s1;
	[sflag:s0] =	ssyncset.done @!p0 $0x0  }
0x78: {  	[sflag:s0] =	ssyncadd.s32 @!p0 s1  }
0x79: {  	[bflag:$0x3] =	sbarrier.arrive $0xFFFF  }
0x7a: {  	_ =	shalt  }

// kernel: kernel.18.cloned.1.call-start
scs
__scs_entry_jumppad:
0x0: {  	(pc) =	sbr.rel $0x88, $3  }
0x1: {  	(tag) =	ssettag $0x0;
	lr =	simm.s32 $0x1  }
0x2: {  	[smem:$0x3F8F] =	sst lr;
	_ =	strace $0xD0000000  }
0x3: {  	_ = 	snop  }
0x4: {  	_ = 	snop  }
0x5: {  	_ = 	snop  }
0x6: {  	_ = 	snop  }
0x7: {  	_ = 	snop  }
__scs_overlays_trampoline_lowered:
0x8: {  	[smem:$0x3F9E] =	sst s0  }
0x9: {  	[smem:$0x3F9F] =	sst s1  }
0xa: {  	[smem:$0x3FA0] =	sst s2  }
0xb: {  	[smem:$0x3FA1] =	sst s3  }
0xc: {  	[smem:$0x3FA2] =	sst s4  }
0xd: {  	[smem:$0x3FA3] =	sst s5  }
0xe: {  	[smem:$0x3FA4] =	sst s6  }
0xf: {  	[smem:$0x3FA5] =	sst s7  }
0x10: {  	[smem:$0x3FA6] =	sst s8  }
0x11: {  	[smem:$0x3FA7] =	sst s9;
	s0 =	simm.s32 @!p0 $0x0  }
0x12: {  	s1 =	sld [smem:$0x3F8D];
	s0 =	simm.s32 @p0 $0x1  }
0x13: {  	[smem:$0x3FA8] =	sst s0;
	s0 =	simm.s32 @!p1 $0x0  }
0x14: {  	s2 =	sld [smem:$0x3F8C];
	s0 =	simm.s32 @p1 $0x1  }
0x15: {  	[smem:$0x3FA9] =	sst s0;
	s0 =	simm.s32 @!p2 $0x0  }
0x16: {  	s3 =	sld [smem:$0x3FDB];
	s0 =	simm.s32 @p2 $0x1  }
0x17: {  	s4 =	simm.s32 $0x1BF5;
	[smem:$0x3FAB] =	sst s0  }
0x18: {  	s0 =	sld [smem:$0x3F8E];
	_ =	swait.ge [sflag:s4], $0x0  }
0x19: {  	s7 =	sld [smem:$0x3F8F]  }
0x1a: {  	s8 =	sadd.s32 $0xFFFFE003, lr  }
0x1b: {  	s9 =	sadd.s32 $0xFFFFFEF7, lr;
	s5 =	simm.s32 $0xFFFFFFFF;
	p2 =	slt.u32 s8, $0xFFFFF086  }
0x1c: {  	p1 =	slt.u32 s9, $0xF7A;
	s5 =	simm.s32 @!p2 $0x0  }
0x1d: {  	s5 =	simm.s32 @p1 $0x1;
	p0 =	seq.s32 s7, s2  }
0x1e: {  	s7 =	smul.u32 @!p0 $0xF7A, s2;
	p2 =	seq.s32 @!p0 s5, $0x0  }
0x1f: {  	s9 =	smul.u32 $0xF7A, s1;
	s8 =	simm.s32 @!p0 $0x1BF5;
	p2 =	por !p2, p0  }
0x20: {  	[sflag:s8] =	ssyncset.s32 @!p0 $0xFFFFF086;
	s6 =	sadd.s32 @!p0 s3, s7;
	s7 =	simm.s32 @!p0 $0x108  }
0x21: {  	s3 =	sadd.s32 s3, s9;
	s6 =	sadd.s32 @!p0 $0x88, s6;
	s7 =	simm.s32 @p2 $0x1082  }
0x22: {  	[simem:s7], [sflag:s8] =	dma.local @!p0 [hbm:s6], $0xF7A  }
0x23: {  	s9 =	sor.u32 $0xD0000000, s2;
	s6 =	simm.s32 $0x108;
	_ =	swait.ge @!p0 [sflag:s8], $0x0  }
0x24: {  	s3 =	sadd.s32 $0x88, s3;
	s6 =	simm.s32 @!p1 $0x1082;
	[sflag:s4] =	ssyncset.s32 $0xFFFFF086  }
0x25: {  	[simem:s6], [sflag:s4] =	dma.local [hbm:s3], $0xF7A  }
0x26: {  	[smem:$0x3F8F] =	sst s1;
	(tag) =	ssettag s2;
	_ =	strace s9  }
0x27: {  	s1 =	sld [smem:$0x3F9F]  }
0x28: {  	s2 =	sld [smem:$0x3FA0]  }
0x29: {  	s4 =	sld [smem:$0x3FA2]  }
0x2a: {  	p0 =	seq.s32 s5, $0x0;
	s5 =	sld [smem:$0x3FA3]  }
0x2b: {  	s6 =	sld [smem:$0x3FA4]  }
0x2c: {  	s7 =	sld [smem:$0x3FA5]  }
0x2d: {  	s3 =	simm.s32 $0x108;
	s8 =	sld [smem:$0x3FA6]  }
0x2e: {  	s3 =	simm.s32 @!p0 $0x1082;
	s9 =	sld [smem:$0x3FA7]  }
0x2f: {  	lr =	sadd.s32 s0, s3;
	s0 =	sld [smem:$0x3F9E]  }
0x30: {  	s3 =	sld [smem:$0x3FA1]  }
0x31: {  	[smem:$0x3FAA] =	sst s10  }
0x32: {  	s10 =	sld [smem:$0x3FA8];
	_ =	sdelay $0x3  }
0x33: {  	p0 =	seq.s32 s10, $0x1;
	s10 =	sld [smem:$0x3FAA];
	_ =	sdelay $0x3  }
0x34: {  	[smem:$0x3FAA] =	sst s10  }
0x35: {  	s10 =	sld [smem:$0x3FA9];
	_ =	sdelay $0x3  }
0x36: {  	p1 =	seq.s32 s10, $0x1;
	s10 =	sld [smem:$0x3FAA];
	_ =	sdelay $0x3  }
0x37: {  	[smem:$0x3FAA] =	sst s10  }
0x38: {  	s10 =	sld [smem:$0x3FAB]  }
0x39: {  	_ = 	snop;
	(pc) =	sbr.ind lr, $3  }
0x3a: {  	_ = 	snop  }
0x3b: {  	_ = 	snop  }
0x3c: {  	p2 =	seq.s32 s10, $0x1;
	s10 =	sld [smem:$0x3FAA]  }
0x3d: {  	_ =	shalt  }
0x3e: {  	_ =	shalt  }
0x3f: {  	_ =	shalt  }
0x40: {  	_ =	shalt  }
0x41: {  	_ =	shalt  }
0x42: {  	_ =	shalt  }
0x43: {  	_ =	shalt  }
0x44: {  	_ =	shalt  }
0x45: {  	_ =	shalt  }
0x46: {  	_ =	shalt  }
0x47: {  	_ =	shalt  }
0x48: {  	_ =	shalt  }
0x49: {  	_ =	shalt  }
0x4a: {  	_ =	shalt  }
0x4b: {  	_ =	shalt  }
0x4c: {  	_ =	shalt  }
0x4d: {  	_ =	shalt  }
0x4e: {  	_ =	shalt  }
0x4f: {  	_ =	shalt  }
0x50: {  	_ =	shalt  }
0x51: {  	_ =	shalt  }
0x52: {  	_ =	shalt  }
0x53: {  	_ =	shalt  }
0x54: {  	_ =	shalt  }
0x55: {  	_ =	shalt  }
0x56: {  	_ =	shalt  }
0x57: {  	_ =	shalt  }
0x58: {  	_ =	shalt  }
0x59: {  	_ =	shalt  }
0x5a: {  	_ =	shalt  }
0x5b: {  	_ =	shalt  }
0x5c: {  	_ =	shalt  }
0x5d: {  	_ =	shalt  }
0x5e: {  	_ =	shalt  }
0x5f: {  	_ =	shalt  }
0x60: {  	_ =	shalt  }
0x61: {  	_ =	shalt  }
0x62: {  	_ =	shalt  }
0x63: {  	_ =	shalt  }
0x64: {  	_ =	shalt  }
0x65: {  	_ =	shalt  }
0x66: {  	_ =	shalt  }
0x67: {  	_ =	shalt  }
0x68: {  	_ =	shalt  }
0x69: {  	_ =	shalt  }
0x6a: {  	_ =	shalt  }
0x6b: {  	_ =	shalt  }
0x6c: {  	_ =	shalt  }
0x6d: {  	_ =	shalt  }
0x6e: {  	_ =	shalt  }
0x6f: {  	_ =	shalt  }
0x70: {  	_ =	shalt  }
0x71: {  	_ =	shalt  }
0x72: {  	_ =	shalt  }
0x73: {  	_ =	shalt  }
0x74: {  	_ =	shalt  }
0x75: {  	_ =	shalt  }
0x76: {  	_ =	shalt  }
0x77: {  	_ =	shalt  }
0x78: {  	_ =	shalt  }
0x79: {  	_ =	shalt  }
0x7a: {  	_ =	shalt  }
0x7b: {  	_ =	shalt  }
0x7c: {  	_ =	shalt  }
0x7d: {  	_ =	shalt  }
0x7e: {  	_ =	shalt  }
0x7f: {  	_ =	shalt  }
0x80: {  	_ =	shalt  }
0x81: {  	_ =	shalt  }
0x82: {  	_ =	shalt  }
0x83: {  	_ =	shalt  }
0x84: {  	_ =	shalt  }
0x85: {  	_ =	shalt  }
0x86: {  	_ =	shalt  }
0x87: {  	_ =	shalt  }
.Lfunc_end0:
.L_simem_size_0:
called_computation.2_lowered:
.L_overlay_start_0:
0x88: {  	s2 =	sld [smem:$0x3FD9]  }
0x89: {  	s3 =	sld [smem:$0x3FFE];
	_ =	sdelay $0x1  }
0x8a: {  	s1 =	srdreg.scid  }
0x8b: {  	s0 =	sand.u32 $0x1, s1  }
0x8c: {  	s16 =	sshll.u32 s0, $0xA;
	s2 =	sadd.s32 s3, s2  }
0x8d: {  	s2 =	sadd.s32 s2, s16  }
0x8e: {  	[smem:$0x3FB6] =	sst s2  }
0x8f: {  	_ = 	snop  }
0x90: {  	(tm) =	ssettm $0x1  }
0x91: {  	s17 =	sld [smem:$0x3FFB];
	_ =	sdelay $0x3  }
0x92: {  	_ =	strace s17  }
0x93: {  	s2 =	sld [smem:$0x3FFC];
	_ =	sdelay $0x3  }
0x94: {  	_ =	strace s2  }
0x95: {  	s2 =	sld [smem:$0x3FFD];
	_ =	sdelay $0x3  }
0x96: {  	_ =	strace s2  }
0x97: {  	_ =	strace $0x8FFFFFFF  }
0x98: {  	s18 =	sld [smem:$0x3FDB];
	_ =	sdelay $0x1  }
0x99: {  	s19 =	simm.s32 $_scs_section_size  }
0x9a: {  	s4 =	simm.s32 $_size__tile_overlayer_lowered;
	s5 =	simm.s32 $_tile_overlayer_lowered  }
0x9b: {  	s22 =	simm.s32 $0x1BFF;
	s21 =	sshll.u32 s5, $0x1;
	s2 =	sadd.s32 s19, s18  }
0x9c: {  	s6 =	simm.s32 $0x0;
	s20 =	sshll.u32 s4, $0x1;
	s4 =	sadd.s32 s21, s2  }
0x9d: {  	[timem:s6], [sflag:s22] =	dma.local [hbm:s4], s20  }
0x9e: {  	_ =	swait.ge [sflag:s22], s20  }
0x9f: {  	s3 =	ssub.s32 $0x0, s20;
	[sflag:s22] =	ssyncset.done $0x0  }
0xa0: {  	[sflag:s22] =	ssyncadd.s32 s3;
	_ =	sdelay $0x1  }
0xa1: {  	s23 =	simm.s32 $0x1B8B  }
0xa2: {  	_ =	swait.ge [sflag:s23], $0x1  }
0xa3: {  	[sflag:s23] =	ssyncset.done $0x0  }
0xa4: {  	s25 =	simm.s32 $0x1B8E;
	s24 =	sld [smem:$0x3FFE];
	[sflag:s23] =	ssyncadd.s32 $0xFFFFFFFF  }
0xa5: {  	s26 =	simm.s32 $execute0_lowered;
	[smem:$0x3FD2] =	sst s25  }
0xa6: {  	s4 =	sshll.u32 s26, $0x1;
	_ =	strace $0x8000004C;
	[dreg:$0x1] =	wrdreg $0xFFFFFFFF  }
0xa7: {  	s28 =	simm.s32 $_size_execute0_lowered;
	s2 =	sadd.s32 s2, s4;
	[dreg:$0x0] =	wrdreg $0x0  }
0xa8: {  	s4 =	sshll.u32 s28, $0x1;
	[dreg:$0x2] =	wrdreg s2  }
0xa9: {  	[dreg:$0x3] =	wrdreg s4  }
0xaa: {  	[dreg:$0x4] =	wrdreg $0xC0  }
0xab: {  	_ =	task [dreg:s6], $0x5FFFF  }
0xac: {  	[dreg:$0x1] =	wrdreg $0xFFFFFFFF  }
0xad: {  	[dreg:$0x0] =	wrdreg $0x60  }
0xae: {  	[dreg:$0x2] =	wrdreg s24  }
0xaf: {  	[dreg:$0x3] =	wrdreg $0x70000  }
0xb0: {  	[dreg:$0x4] =	wrdreg $0xBF000  }
0xb1: {  	[dreg:$0x5] =	wrdreg $0x9  }
0xb2: {  	_ =	task.clear_ibuf [dreg:s6], $0x6FFFF;
	_ =	strace $0x9000004C  }
0xb3: {  	s29 =	simm.s32 $0x9;
	_ =	strace $0x8000004E  }
0xb4: {  	_ =	swait.ge [sflag:s29], $0x1  }
0xb5: {  	[sflag:s29] =	ssyncadd.s32 $0xFFFFFFFF  }
0xb6: {  	_ =	strace $0x9000004E  }
0xb7: {  	_ =	sfence  }
0xb8: {  	s30 =	sld [smem:$0x0];
	_ =	sdelay $0x2  }
0xb9: {  	s31 =	sshll.u32 s1, $0xD;
	s1 =	sshrl.u32 s1, $0x2  }
0xba: {  	s3 =	sand.u32 $0x4000, s31;
	s1 =	sadd.s32 s1, s30  }
0xbb: {  	s0 =	sor.u32 s3, s0;
	s1 =	sshll.u32 s1, $0x11  }
0xbc: {  	s0 =	sor.u32 s1, s0  }
0xbd: {  	s0 =	sadd.s32 $0x8F2B, s0  }
0xbe: {  	[sflag:s0] =	ssyncadd.remote.s32 $0x1  }
0xbf: {  	_ =	sfence.sel $0xFFFF  }
0xc0: {  	[dreg:$0x0] =	wrdreg $0xFFFFFFFF;
	(pc) =	sbr.abs _section_cstart, $3  }
0xc1: {  	[dreg:$0x1] =	wrdreg $0xFFFFFFFF  }
0xc2: {  	_ =	task.clear_ibuf [dreg:s6], $0x2FFFF;
	_ =	strace $0x9FFFFFFF  }
0xc3: {  	(tm) =	ssettm $0x7FFFFFFF  }
tec
execute0_lowered:
.L_overlay_start_1:
0x0: {  	(tag) =	ssettag $0x1  }
0x1: {  	s5 =	rddreg [dreg:$0x0]  }
0x2: {  	s2 =	rddreg [dreg:$0x1]  }
0x3: {  	s3 =	rddreg [dreg:$0x2]  }
0x4: {  	s0 =	rddreg [dreg:$0x3];
	s1 =	stileid.u32  }
0x5: {  	s6 =	srdreg.scid;
	s4 =	simm.s32 $0x0;
	s12 =	simm.s32 $0x2800  }
0x6: {  	s16 =	simm.s32 $0x80;
	s17 =	simm.s32 $0x5000;
	s18 =	simm.s32 $0x6000  }
0x7: {  	s19 =	simm.s32 $0x1;
	s20 =	simm.s32 $0x2;
	s21 =	simm.s32 $0x2780  }
0x8: {  	s22 =	simm.s32 $0x4F00;
	s23 =	simm.s32 $0x4F80;
	s24 =	simm.s32 $0x0  }
0x9: {  	s8 =	smul.u32 $0x4F00, s1;
	s6 =	sand.u32 $0x1, s6;
	[smem:$0x7FF] =	sst s4  }
0xa: {  	s7 =	sshll.u32 s1, $0x1;
	s13 =	sshll.u32 s1, $0x6;
	s9 =	smul.u32 $0x4F000, s6  }
0xb: {  	_ =	strace $0x8000004D;
	s7 =	sor.u32 s6, s7;
	s6 =	ssub.s32 $0x2, s6  }
0xc: {  	s13 =	sor.u32 $0x1C03, s13;
	s10 =	sshrl.u32 s8, $0x3;
	s7 =	smul.u32 $0x500, s7  }
0xd: {  	s31 =	sshrl.u32 s6, $0x1;
	s14 =	sadd.s32 s8, s2;
	s15 =	sadd.s32 s8, s3  }
0xe: {  	s9 =	sadd.s32 s8, s9;
	s10 =	sadd.s32 s10, s5;
	s11 =	ssub.s32 s6, s31  }
0xf: {  	s14 =	sshrl.u32 s14, $0x3;
	s15 =	sshrl.u32 s15, $0x3;
	s9 =	sshrl.u32 s9, $0x3  }
0x10: {  	s7 =	sadd.s32 s7, s5;
	s8 =	sadd.s32 $0x67C00, s10;
	s9 =	sadd.s32 s9, s5  }
0x11: {  	s5 =	sadd.s32 $0x4C00, s7;
	s6 =	sadd.s32 $0xEC00, s7;
	s7 =	sadd.s32 $0x99200, s10  }
0x12: {  	s10 =	smax.u32 s11, $0x1;
	s11 =	simm.s32 $0x3;
	s9 =	sadd.s32 $0x71A00, s9  }
.LBB2_1:
0x13: {  	[tilespmem:s4], [sflag:$0x3] =	stream.linear.gather [hbm4b:s5+s4], $0x2800, $0x38;
	[tilespmem:$0x10E00] =	vst v63  }
0x14: {  	_ =	swait.ge [sflag:s11], $0x2800  }
0x15: {  	[sflag:s11] =	ssyncset.done $0x0  }
0x16: {  	[sflag:s11] =	ssyncadd.s32 $0xFFFFD800  }
0x17: {  	[tilespmem:s12], [sflag:$0x3] =	stream.linear.gather [hbm4b:s6+s4], $0x2800, $0x38;
	[tilespmem:$0x10E00] =	vst v63  }
0x18: {  	_ =	swait.ge [sflag:s11], $0x2800  }
0x19: {  	[sflag:s11] =	ssyncset.done $0x0  }
0x1a: {  	[sflag:s11] =	ssyncadd.s32 $0xFFFFD800  }
0x1b: {  	[spmem:s14], [sflag:s13] =	dma.local [hbm:s7], $0x9E0  }
0x1c: {  	_ =	swait.ge [sflag:s11], $0x9E0  }
0x1d: {  	[sflag:s11] =	ssyncset.done $0x0  }
0x1e: {  	[sflag:s11] =	ssyncadd.s32 $0xFFFFF620  }
0x1f: {  	[spmem:s15], [sflag:s13] =	dma.local [hbm:s8], $0x9E0  }
0x20: {  	_ =	swait.ge [sflag:s11], $0x9E0  }
0x21: {  	[sflag:s11] =	ssyncset.done $0x0  }
0x22: {  	[sflag:s11] =	ssyncadd.s32 $0xFFFFF620  }
0x23: {  	[bflag:$0x0] =	sbarrier.arrive $0xFFFF  }
0x24: {  	[tilespmem:s17], [sflag:$0x1] =	stream.indirect.gather [spmem:s3], $0x20, s4, s16, $0xb8;
	[tilespmem:$0x10E00] =	vst v63  }
0x25: {  	s25 =	simm.s32 $0x80  }
0x26: {  	[tilespmem:s18], [sflag:$0x2] =	stream.indirect.gather [spmem:s3], $0x20, s25, s16, $0xb8;
	[tilespmem:$0x10E00] =	vst v63  }
0x27: {  	_ =	swait.ge [sflag:s19], $0x1000  }
0x28: {  	[sflag:s19] =	ssyncset.done $0x0  }
0x29: {  	s29 =	simm.s32 $0x2800;
	[sflag:s19] =	ssyncadd.s32 $0xFFFFF000  }
0x2a: {  	[spmem:s2] =	stream.indirect.scatter.add.f32 [tilespmem:s17], [sflag:$0x3], $0x20, s29, s16, $0xb8;
	[tilespmem:$0x10E00] =	vst v63  }
0x2b: {  	_ =	swait.ge [sflag:s11], $0x1000  }
0x2c: {  	[sflag:s11] =	ssyncset.done $0x0  }
0x2d: {  	s30 =	simm.s32 $0x100;
	[sflag:s11] =	ssyncadd.s32 $0xFFFFF000  }
0x2e: {  	[tilespmem:s17], [sflag:$0x1] =	stream.indirect.gather [spmem:s3], $0x20, s30, s16, $0xb8;
	[tilespmem:$0x10E00] =	vst v63  }
0x2f: {  	_ =	swait.ge [sflag:s20], $0x1000  }
0x30: {  	[sflag:s20] =	ssyncset.done $0x0  }
0x31: {  	s31 =	simm.s32 $0x2880;
	[sflag:s20] =	ssyncadd.s32 $0xFFFFF000  }
0x32: {  	[spmem:s2] =	stream.indirect.scatter.add.f32 [tilespmem:s18], [sflag:$0x3], $0x20, s31, s16, $0xb8;
	[tilespmem:$0x10E00] =	vst v63  }
0x33: {  	_ =	swait.ge [sflag:s11], $0x1000  }
0x34: {  	s26 =	simm.s32 $0x800;
	s25 =	simm.s32 $0x100;
	[sflag:s11] =	ssyncset.done $0x0  }
.LBB2_2:
0x35: {  	s28 =	sadd.s32 $0x80, s25  }
0x36: {  	[sflag:s11] =	ssyncadd.s32 $0xFFFFF000;
	s29 =	smov.u32 s26;
	s30 =	sadd.s32 $0x400, s26  }
0x37: {  	[tilespmem:s18], [sflag:$0x2] =	stream.indirect.gather [spmem:s3], $0x20, s28, s16, $0xb8;
	[tilespmem:$0x10E00] =	vst v63  }
0x38: {  	p0 =	sne.s32 s26, $0x9800;
	_ =	swait.ge [sflag:s19], $0x1000  }
0x39: {  	[sflag:s19] =	ssyncset.done $0x0  }
0x3a: {  	s26 =	sadd.s32 $0x2800, s25;
	[sflag:s19] =	ssyncadd.s32 $0xFFFFF000  }
0x3b: {  	[spmem:s2] =	stream.indirect.scatter.add.f32 [tilespmem:s17], [sflag:$0x3], $0x20, s26, s16, $0xb8;
	[tilespmem:$0x10E00] =	vst v63  }
0x3c: {  	_ =	swait.ge [sflag:s11], $0x1000  }
0x3d: {  	[sflag:s11] =	ssyncset.done $0x0  }
0x3e: {  	s26 =	sadd.s32 $0x100, s25;
	[sflag:s11] =	ssyncadd.s32 $0xFFFFF000  }
0x3f: {  	[tilespmem:s17], [sflag:$0x1] =	stream.indirect.gather [spmem:s3], $0x20, s26, s16, $0xb8;
	[tilespmem:$0x10E00] =	vst v63  }
0x40: {  	_ =	swait.ge [sflag:s20], $0x1000  }
.Ltmp0:
0x41: {  	[sflag:s20] =	ssyncset.done $0x0;
	(pc) =	sbr.rel @p0 .LBB2_2-.Ltmp0, $4  }
0x42: {  	s25 =	sadd.s32 $0x2880, s25;
	[sflag:s20] =	ssyncadd.s32 $0xFFFFF000  }
0x43: {  	[spmem:s2] =	stream.indirect.scatter.add.f32 [tilespmem:s18], [sflag:$0x3], $0x20, s25, s16, $0xb8;
	[tilespmem:$0x10E00] =	vst v63  }
0x44: {  	_ =	swait.ge [sflag:s11], $0x1000  }
0x45: {  	s26 =	smov.u32 s30;
	s25 =	sshra.s32 s29, $0x2;
	[sflag:s11] =	ssyncset.done $0x0  }
0x46: {  	s26 =	sadd.s32 $0x80, s25;
	[sflag:s11] =	ssyncadd.s32 $0xFFFFF000  }
0x47: {  	[tilespmem:s18], [sflag:$0x2] =	stream.indirect.gather [spmem:s3], $0x20, s26, s16, $0xb8;
	[tilespmem:$0x10E00] =	vst v63  }
0x48: {  	_ =	swait.ge [sflag:s19], $0x1000  }
0x49: {  	[sflag:s19] =	ssyncset.done $0x0  }
0x4a: {  	s29 =	sadd.s32 $0x2800, s25;
	[sflag:s19] =	ssyncadd.s32 $0xFFFFF000  }
0x4b: {  	[spmem:s2] =	stream.indirect.scatter.add.f32 [tilespmem:s17], [sflag:$0x3], $0x20, s29, s16, $0xb8;
	[tilespmem:$0x10E00] =	vst v63  }
0x4c: {  	_ =	swait.ge [sflag:s11], $0x1000  }
0x4d: {  	[sflag:s11] =	ssyncset.done $0x0  }
0x4e: {  	s30 =	sadd.s32 $0x100, s25;
	[sflag:s11] =	ssyncadd.s32 $0xFFFFF000  }
0x4f: {  	[tilespmem:s17], [sflag:$0x1] =	stream.indirect.gather [spmem:s3], $0x20, s30, s16, $0xb8;
	[tilespmem:$0x10E00] =	vst v63  }
0x50: {  	_ =	swait.ge [sflag:s20], $0x1000  }
0x51: {  	[sflag:s20] =	ssyncset.done $0x0  }
0x52: {  	s31 =	sadd.s32 $0x2880, s25;
	[sflag:s20] =	ssyncadd.s32 $0xFFFFF000  }
0x53: {  	[spmem:s2] =	stream.indirect.scatter.add.f32 [tilespmem:s18], [sflag:$0x3], $0x20, s31, s16, $0xb8;
	[tilespmem:$0x10E00] =	vst v63  }
0x54: {  	_ =	swait.ge [sflag:s11], $0x1000  }
0x55: {  	[sflag:s11] =	ssyncset.done $0x0  }
0x56: {  	[sflag:s11] =	ssyncadd.s32 $0xFFFFF000  }
0x57: {  	[tilespmem:s18], [sflag:$0x2] =	stream.indirect.gather [spmem:s3], $0x20, s21, s16, $0xb8;
	[tilespmem:$0x10E00] =	vst v63  }
0x58: {  	_ =	swait.ge [sflag:s19], $0x1000  }
0x59: {  	[sflag:s19] =	ssyncset.done $0x0  }
0x5a: {  	[sflag:s19] =	ssyncadd.s32 $0xFFFFF000  }
0x5b: {  	[spmem:s2] =	stream.indirect.scatter.add.f32 [tilespmem:s17], [sflag:$0x3], $0x20, s22, s16, $0xb8;
	[tilespmem:$0x10E00] =	vst v63  }
0x5c: {  	_ =	swait.ge [sflag:s11], $0x1000  }
0x5d: {  	[sflag:s11] =	ssyncset.done $0x0  }
0x5e: {  	[sflag:s11] =	ssyncadd.s32 $0xFFFFF000  }
0x5f: {  	_ =	swait.ge [sflag:s20], $0x1000  }
0x60: {  	[sflag:s20] =	ssyncset.done $0x0  }
0x61: {  	[sflag:s20] =	ssyncadd.s32 $0xFFFFF000  }
0x62: {  	[spmem:s2] =	stream.indirect.scatter.add.f32 [tilespmem:s18], [sflag:$0x3], $0x20, s23, s16, $0xb8;
	[tilespmem:$0x10E00] =	vst v63  }
0x63: {  	_ =	swait.ge [sflag:s11], $0x1000  }
0x64: {  	s24 =	sadd.s32 $0x1, s24;
	[sflag:s11] =	ssyncset.done $0x0  }
0x65: {  	p0 =	sne.s32 s24, s10;
	[sflag:s11] =	ssyncadd.s32 $0xFFFFF000  }
.Ltmp1:
0x66: {  	[bflag:$0x0] =	sbarrier.arrive $0xFFFF;
	(pc) =	sbr.rel @p0 .LBB2_1-.Ltmp1, $4  }
0x67: {  	[hbm:s9], [sflag:s13] =	dma.local [spmem:s14], $0x9E0  }
0x68: {  	_ =	swait.ge [sflag:s11], $0x9E0  }
0x69: {  	[sflag:s11] =	ssyncset.done $0x0  }
0x6a: {  	[sflag:s11] =	ssyncadd.s32 $0xFFFFF620  }
0x6b: {  	_ =	sfence.sel $0x180000  }
0x6c: {  	[bflag:$0x0] =	sbarrier.arrive $0xFFFF  }
0x6d: {  	p0 =	sne.s32 s1, $0x0;
	_ =	strace $0x9000004D  }
0x6e: {  	s0 =	sadd.s32 @!p0 $0x100000, s0;
	[bflag:$0x2] =	sbarrier.arrive $0xFFFF  }
0x6f: {  	[sflag:s0] =	ssyncadd.tile.s32 @!p0 $0x1;
	_ =	shalt  }
.Lfunc_end2:
_tile_overlayer_lowered:
.L_overlay_start_2:
0x70: {  	(tag) =	ssettag $0x2  }
0x71: {  	s0 =	rddreg [dreg:$0x0];
	s2 =	stileid.u32  }
0x72: {  	s1 =	rddreg [dreg:$0x1];
	p0 =	sne.s32 s2, $0x0  }
0x73: {  	s3 =	rddreg [dreg:$0x2];
	[bflag:$0x3] =	sbarrier.arrive $0xFFFF;
	s2 =	simm.s32 @!p0 $0x1C03  }
0x74: {  	[timem:s3], [sflag:s2] =	dma.local @!p0 [hbm:s0], s1  }
0x75: {  	s0 =	simm.s32 @!p0 $0x3  }
0x76: {  	_ =	swait.ge @!p0 [sflag:s0], s1  }
0x77: {  	s1 =	ssub.s32 @!p0 $0x0, s1;
	[sflag:s0] =	ssyncset.done @!p0 $0x0  }
0x78: {  	[sflag:s0] =	ssyncadd.s32 @!p0 s1  }
0x79: {  	[bflag:$0x3] =	sbarrier.arrive $0xFFFF  }
0x7a: {  	_ =	shalt  }

// kernel: kernel.21.cloned.1.call-start
scs
__scs_entry_jumppad:
0x0: {  	(pc) =	sbr.rel $0x88, $3  }
0x1: {  	(tag) =	ssettag $0x0;
	lr =	simm.s32 $0x1  }
0x2: {  	[smem:$0x3F8F] =	sst lr;
	_ =	strace $0xD0000000  }
0x3: {  	_ = 	snop  }
0x4: {  	_ = 	snop  }
0x5: {  	_ = 	snop  }
0x6: {  	_ = 	snop  }
0x7: {  	_ = 	snop  }
__scs_overlays_trampoline_lowered:
0x8: {  	[smem:$0x3F9E] =	sst s0  }
0x9: {  	[smem:$0x3F9F] =	sst s1  }
0xa: {  	[smem:$0x3FA0] =	sst s2  }
0xb: {  	[smem:$0x3FA1] =	sst s3  }
0xc: {  	[smem:$0x3FA2] =	sst s4  }
0xd: {  	[smem:$0x3FA3] =	sst s5  }
0xe: {  	[smem:$0x3FA4] =	sst s6  }
0xf: {  	[smem:$0x3FA5] =	sst s7  }
0x10: {  	[smem:$0x3FA6] =	sst s8  }
0x11: {  	[smem:$0x3FA7] =	sst s9;
	s0 =	simm.s32 @!p0 $0x0  }
0x12: {  	s1 =	sld [smem:$0x3F8D];
	s0 =	simm.s32 @p0 $0x1  }
0x13: {  	[smem:$0x3FA8] =	sst s0;
	s0 =	simm.s32 @!p1 $0x0  }
0x14: {  	s2 =	sld [smem:$0x3F8C];
	s0 =	simm.s32 @p1 $0x1  }
0x15: {  	[smem:$0x3FA9] =	sst s0;
	s0 =	simm.s32 @!p2 $0x0  }
0x16: {  	s3 =	sld [smem:$0x3FDB];
	s0 =	simm.s32 @p2 $0x1  }
0x17: {  	s4 =	simm.s32 $0x1BF5;
	[smem:$0x3FAB] =	sst s0  }
0x18: {  	s0 =	sld [smem:$0x3F8E];
	_ =	swait.ge [sflag:s4], $0x0  }
0x19: {  	s7 =	sld [smem:$0x3F8F]  }
0x1a: {  	s8 =	sadd.s32 $0xFFFFE003, lr  }
0x1b: {  	s9 =	sadd.s32 $0xFFFFFEF7, lr;
	s5 =	simm.s32 $0xFFFFFFFF;
	p2 =	slt.u32 s8, $0xFFFFF086  }
0x1c: {  	p1 =	slt.u32 s9, $0xF7A;
	s5 =	simm.s32 @!p2 $0x0  }
0x1d: {  	s5 =	simm.s32 @p1 $0x1;
	p0 =	seq.s32 s7, s2  }
0x1e: {  	s7 =	smul.u32 @!p0 $0xF7A, s2;
	p2 =	seq.s32 @!p0 s5, $0x0  }
0x1f: {  	s9 =	smul.u32 $0xF7A, s1;
	s8 =	simm.s32 @!p0 $0x1BF5;
	p2 =	por !p2, p0  }
0x20: {  	[sflag:s8] =	ssyncset.s32 @!p0 $0xFFFFF086;
	s6 =	sadd.s32 @!p0 s3, s7;
	s7 =	simm.s32 @!p0 $0x108  }
0x21: {  	s3 =	sadd.s32 s3, s9;
	s6 =	sadd.s32 @!p0 $0x88, s6;
	s7 =	simm.s32 @p2 $0x1082  }
0x22: {  	[simem:s7], [sflag:s8] =	dma.local @!p0 [hbm:s6], $0xF7A  }
0x23: {  	s9 =	sor.u32 $0xD0000000, s2;
	s6 =	simm.s32 $0x108;
	_ =	swait.ge @!p0 [sflag:s8], $0x0  }
0x24: {  	s3 =	sadd.s32 $0x88, s3;
	s6 =	simm.s32 @!p1 $0x1082;
	[sflag:s4] =	ssyncset.s32 $0xFFFFF086  }
0x25: {  	[simem:s6], [sflag:s4] =	dma.local [hbm:s3], $0xF7A  }
0x26: {  	[smem:$0x3F8F] =	sst s1;
	(tag) =	ssettag s2;
	_ =	strace s9  }
0x27: {  	s1 =	sld [smem:$0x3F9F]  }
0x28: {  	s2 =	sld [smem:$0x3FA0]  }
0x29: {  	s4 =	sld [smem:$0x3FA2]  }
0x2a: {  	p0 =	seq.s32 s5, $0x0;
	s5 =	sld [smem:$0x3FA3]  }
0x2b: {  	s6 =	sld [smem:$0x3FA4]  }
0x2c: {  	s7 =	sld [smem:$0x3FA5]  }
0x2d: {  	s3 =	simm.s32 $0x108;
	s8 =	sld [smem:$0x3FA6]  }
0x2e: {  	s3 =	simm.s32 @!p0 $0x1082;
	s9 =	sld [smem:$0x3FA7]  }
0x2f: {  	lr =	sadd.s32 s0, s3;
	s0 =	sld [smem:$0x3F9E]  }
0x30: {  	s3 =	sld [smem:$0x3FA1]  }
0x31: {  	[smem:$0x3FAA] =	sst s10  }
0x32: {  	s10 =	sld [smem:$0x3FA8];
	_ =	sdelay $0x3  }
0x33: {  	p0 =	seq.s32 s10, $0x1;
	s10 =	sld [smem:$0x3FAA];
	_ =	sdelay $0x3  }
0x34: {  	[smem:$0x3FAA] =	sst s10  }
0x35: {  	s10 =	sld [smem:$0x3FA9];
	_ =	sdelay $0x3  }
0x36: {  	p1 =	seq.s32 s10, $0x1;
	s10 =	sld [smem:$0x3FAA];
	_ =	sdelay $0x3  }
0x37: {  	[smem:$0x3FAA] =	sst s10  }
0x38: {  	s10 =	sld [smem:$0x3FAB]  }
0x39: {  	_ = 	snop;
	(pc) =	sbr.ind lr, $3  }
0x3a: {  	_ = 	snop  }
0x3b: {  	_ = 	snop  }
0x3c: {  	p2 =	seq.s32 s10, $0x1;
	s10 =	sld [smem:$0x3FAA]  }
0x3d: {  	_ =	shalt  }
0x3e: {  	_ =	shalt  }
0x3f: {  	_ =	shalt  }
0x40: {  	_ =	shalt  }
0x41: {  	_ =	shalt  }
0x42: {  	_ =	shalt  }
0x43: {  	_ =	shalt  }
0x44: {  	_ =	shalt  }
0x45: {  	_ =	shalt  }
0x46: {  	_ =	shalt  }
0x47: {  	_ =	shalt  }
0x48: {  	_ =	shalt  }
0x49: {  	_ =	shalt  }
0x4a: {  	_ =	shalt  }
0x4b: {  	_ =	shalt  }
0x4c: {  	_ =	shalt  }
0x4d: {  	_ =	shalt  }
0x4e: {  	_ =	shalt  }
0x4f: {  	_ =	shalt  }
0x50: {  	_ =	shalt  }
0x51: {  	_ =	shalt  }
0x52: {  	_ =	shalt  }
0x53: {  	_ =	shalt  }
0x54: {  	_ =	shalt  }
0x55: {  	_ =	shalt  }
0x56: {  	_ =	shalt  }
0x57: {  	_ =	shalt  }
0x58: {  	_ =	shalt  }
0x59: {  	_ =	shalt  }
0x5a: {  	_ =	shalt  }
0x5b: {  	_ =	shalt  }
0x5c: {  	_ =	shalt  }
0x5d: {  	_ =	shalt  }
0x5e: {  	_ =	shalt  }
0x5f: {  	_ =	shalt  }
0x60: {  	_ =	shalt  }
0x61: {  	_ =	shalt  }
0x62: {  	_ =	shalt  }
0x63: {  	_ =	shalt  }
0x64: {  	_ =	shalt  }
0x65: {  	_ =	shalt  }
0x66: {  	_ =	shalt  }
0x67: {  	_ =	shalt  }
0x68: {  	_ =	shalt  }
0x69: {  	_ =	shalt  }
0x6a: {  	_ =	shalt  }
0x6b: {  	_ =	shalt  }
0x6c: {  	_ =	shalt  }
0x6d: {  	_ =	shalt  }
0x6e: {  	_ =	shalt  }
0x6f: {  	_ =	shalt  }
0x70: {  	_ =	shalt  }
0x71: {  	_ =	shalt  }
0x72: {  	_ =	shalt  }
0x73: {  	_ =	shalt  }
0x74: {  	_ =	shalt  }
0x75: {  	_ =	shalt  }
0x76: {  	_ =	shalt  }
0x77: {  	_ =	shalt  }
0x78: {  	_ =	shalt  }
0x79: {  	_ =	shalt  }
0x7a: {  	_ =	shalt  }
0x7b: {  	_ =	shalt  }
0x7c: {  	_ =	shalt  }
0x7d: {  	_ =	shalt  }
0x7e: {  	_ =	shalt  }
0x7f: {  	_ =	shalt  }
0x80: {  	_ =	shalt  }
0x81: {  	_ =	shalt  }
0x82: {  	_ =	shalt  }
0x83: {  	_ =	shalt  }
0x84: {  	_ =	shalt  }
0x85: {  	_ =	shalt  }
0x86: {  	_ =	shalt  }
0x87: {  	_ =	shalt  }
.Lfunc_end0:
.L_simem_size_0:
called_computation.3_lowered:
.L_overlay_start_0:
0x88: {  	s2 =	sld [smem:$0x3FD9]  }
0x89: {  	s3 =	sld [smem:$0x3FFE];
	_ =	sdelay $0x1  }
0x8a: {  	s1 =	srdreg.scid  }
0x8b: {  	s0 =	sand.u32 $0x1, s1  }
0x8c: {  	s16 =	sshll.u32 s0, $0xA;
	s2 =	sadd.s32 s3, s2  }
0x8d: {  	s2 =	sadd.s32 s2, s16  }
0x8e: {  	[smem:$0x3FB6] =	sst s2  }
0x8f: {  	_ = 	snop  }
0x90: {  	(tm) =	ssettm $0x1  }
0x91: {  	s17 =	sld [smem:$0x3FFB];
	_ =	sdelay $0x3  }
0x92: {  	_ =	strace s17  }
0x93: {  	s2 =	sld [smem:$0x3FFC];
	_ =	sdelay $0x3  }
0x94: {  	_ =	strace s2  }
0x95: {  	s2 =	sld [smem:$0x3FFD];
	_ =	sdelay $0x3  }
0x96: {  	_ =	strace s2  }
0x97: {  	_ =	strace $0x8FFFFFFF  }
0x98: {  	s18 =	sld [smem:$0x3FDB];
	_ =	sdelay $0x1  }
0x99: {  	s19 =	simm.s32 $_scs_section_size  }
0x9a: {  	s4 =	simm.s32 $_size__tile_overlayer_lowered;
	s5 =	simm.s32 $_tile_overlayer_lowered  }
0x9b: {  	s22 =	simm.s32 $0x1BFF;
	s21 =	sshll.u32 s5, $0x1;
	s2 =	sadd.s32 s19, s18  }
0x9c: {  	s6 =	simm.s32 $0x0;
	s20 =	sshll.u32 s4, $0x1;
	s4 =	sadd.s32 s21, s2  }
0x9d: {  	[timem:s6], [sflag:s22] =	dma.local [hbm:s4], s20  }
0x9e: {  	_ =	swait.ge [sflag:s22], s20  }
0x9f: {  	s3 =	ssub.s32 $0x0, s20;
	[sflag:s22] =	ssyncset.done $0x0  }
0xa0: {  	[sflag:s22] =	ssyncadd.s32 s3;
	_ =	sdelay $0x1  }
0xa1: {  	s23 =	simm.s32 $0x1B8B  }
0xa2: {  	_ =	swait.ge [sflag:s23], $0x1  }
0xa3: {  	[sflag:s23] =	ssyncset.done $0x0  }
0xa4: {  	s25 =	simm.s32 $0x1B8E;
	s24 =	sld [smem:$0x3FFE];
	[sflag:s23] =	ssyncadd.s32 $0xFFFFFFFF  }
0xa5: {  	s26 =	simm.s32 $execute0_lowered;
	[smem:$0x3FD2] =	sst s25  }
0xa6: {  	s4 =	sshll.u32 s26, $0x1;
	_ =	strace $0x8000004F;
	[dreg:$0x1] =	wrdreg $0xFFFFFFFF  }
0xa7: {  	s28 =	simm.s32 $_size_execute0_lowered;
	s2 =	sadd.s32 s2, s4;
	[dreg:$0x0] =	wrdreg $0x0  }
0xa8: {  	s4 =	sshll.u32 s28, $0x1;
	[dreg:$0x2] =	wrdreg s2  }
0xa9: {  	[dreg:$0x3] =	wrdreg s4  }
0xaa: {  	[dreg:$0x4] =	wrdreg $0xC0  }
0xab: {  	_ =	task [dreg:s6], $0x5FFFF  }
0xac: {  	[dreg:$0x1] =	wrdreg $0xFFFFFFFF  }
0xad: {  	[dreg:$0x0] =	wrdreg $0x60  }
0xae: {  	[dreg:$0x2] =	wrdreg s24  }
0xaf: {  	[dreg:$0x3] =	wrdreg $0x70000  }
0xb0: {  	[dreg:$0x4] =	wrdreg $0xBF000  }
0xb1: {  	[dreg:$0x5] =	wrdreg $0x9  }
0xb2: {  	_ =	task.clear_ibuf [dreg:s6], $0x6FFFF;
	_ =	strace $0x9000004F  }
0xb3: {  	s29 =	simm.s32 $0x9;
	_ =	strace $0x80000051  }
0xb4: {  	_ =	swait.ge [sflag:s29], $0x1  }
0xb5: {  	[sflag:s29] =	ssyncadd.s32 $0xFFFFFFFF  }
0xb6: {  	_ =	strace $0x90000051  }
0xb7: {  	_ =	sfence  }
0xb8: {  	s30 =	sld [smem:$0x0];
	_ =	sdelay $0x2  }
0xb9: {  	s31 =	sshll.u32 s1, $0xD;
	s1 =	sshrl.u32 s1, $0x2  }
0xba: {  	s3 =	sand.u32 $0x4000, s31;
	s1 =	sadd.s32 s1, s30  }
0xbb: {  	s0 =	sor.u32 s3, s0;
	s1 =	sshll.u32 s1, $0x11  }
0xbc: {  	s0 =	sor.u32 s1, s0  }
0xbd: {  	s0 =	sadd.s32 $0x8F2B, s0  }
0xbe: {  	[sflag:s0] =	ssyncadd.remote.s32 $0x1  }
0xbf: {  	_ =	sfence.sel $0xFFFF  }
0xc0: {  	[dreg:$0x0] =	wrdreg $0xFFFFFFFF;
	(pc) =	sbr.abs _section_cstart, $3  }
0xc1: {  	[dreg:$0x1] =	wrdreg $0xFFFFFFFF  }
0xc2: {  	_ =	task.clear_ibuf [dreg:s6], $0x2FFFF;
	_ =	strace $0x9FFFFFFF  }
0xc3: {  	(tm) =	ssettm $0x7FFFFFFF  }
tec
execute0_lowered:
.L_overlay_start_1:
0x0: {  	(tag) =	ssettag $0x1  }
0x1: {  	s5 =	rddreg [dreg:$0x0]  }
0x2: {  	s2 =	rddreg [dreg:$0x1]  }
0x3: {  	s3 =	rddreg [dreg:$0x2]  }
0x4: {  	s0 =	rddreg [dreg:$0x3];
	s1 =	stileid.u32  }
0x5: {  	s6 =	srdreg.scid;
	s4 =	simm.s32 $0x0;
	s12 =	simm.s32 $0x2800  }
0x6: {  	s16 =	simm.s32 $0x80;
	s17 =	simm.s32 $0x5000;
	s18 =	simm.s32 $0x6000  }
0x7: {  	s19 =	simm.s32 $0x1;
	s20 =	simm.s32 $0x2;
	s21 =	simm.s32 $0x2780  }
0x8: {  	s22 =	simm.s32 $0x4F00;
	s23 =	simm.s32 $0x4F80;
	s24 =	simm.s32 $0x0  }
0x9: {  	s8 =	smul.u32 $0x4F00, s1;
	s6 =	sand.u32 $0x1, s6;
	[smem:$0x7FF] =	sst s4  }
0xa: {  	s7 =	sshll.u32 s1, $0x1;
	s13 =	sshll.u32 s1, $0x6;
	s9 =	smul.u32 $0x4F000, s6  }
0xb: {  	_ =	strace $0x80000050;
	s7 =	sor.u32 s6, s7;
	s6 =	ssub.s32 $0x2, s6  }
0xc: {  	s13 =	sor.u32 $0x1C03, s13;
	s10 =	sshrl.u32 s8, $0x3;
	s7 =	smul.u32 $0x500, s7  }
0xd: {  	s31 =	sshrl.u32 s6, $0x1;
	s14 =	sadd.s32 s8, s2;
	s15 =	sadd.s32 s8, s3  }
0xe: {  	s9 =	sadd.s32 s8, s9;
	s10 =	sadd.s32 s10, s5;
	s11 =	ssub.s32 s6, s31  }
0xf: {  	s14 =	sshrl.u32 s14, $0x3;
	s15 =	sshrl.u32 s15, $0x3;
	s9 =	sshrl.u32 s9, $0x3  }
0x10: {  	s7 =	sadd.s32 s7, s5;
	s8 =	sadd.s32 $0x67C00, s10;
	s9 =	sadd.s32 s9, s5  }
0x11: {  	s5 =	sadd.s32 $0x4C00, s7;
	s6 =	sadd.s32 $0xEC00, s7;
	s7 =	sadd.s32 $0x99200, s10  }
0x12: {  	s10 =	smax.u32 s11, $0x1;
	s11 =	simm.s32 $0x3;
	s9 =	sadd.s32 $0x71A00, s9  }
.LBB2_1:
0x13: {  	[tilespmem:s4], [sflag:$0x3] =	stream.linear.gather [hbm4b:s5+s4], $0x2800, $0x38;
	[tilespmem:$0x10E00] =	vst v63  }
0x14: {  	_ =	swait.ge [sflag:s11], $0x2800  }
0x15: {  	[sflag:s11] =	ssyncset.done $0x0  }
0x16: {  	[sflag:s11] =	ssyncadd.s32 $0xFFFFD800  }
0x17: {  	[tilespmem:s12], [sflag:$0x3] =	stream.linear.gather [hbm4b:s6+s4], $0x2800, $0x38;
	[tilespmem:$0x10E00] =	vst v63  }
0x18: {  	_ =	swait.ge [sflag:s11], $0x2800  }
0x19: {  	[sflag:s11] =	ssyncset.done $0x0  }
0x1a: {  	[sflag:s11] =	ssyncadd.s32 $0xFFFFD800  }
0x1b: {  	[spmem:s14], [sflag:s13] =	dma.local [hbm:s7], $0x9E0  }
0x1c: {  	_ =	swait.ge [sflag:s11], $0x9E0  }
0x1d: {  	[sflag:s11] =	ssyncset.done $0x0  }
0x1e: {  	[sflag:s11] =	ssyncadd.s32 $0xFFFFF620  }
0x1f: {  	[spmem:s15], [sflag:s13] =	dma.local [hbm:s8], $0x9E0  }
0x20: {  	_ =	swait.ge [sflag:s11], $0x9E0  }
0x21: {  	[sflag:s11] =	ssyncset.done $0x0  }
0x22: {  	[sflag:s11] =	ssyncadd.s32 $0xFFFFF620  }
0x23: {  	[bflag:$0x0] =	sbarrier.arrive $0xFFFF  }
0x24: {  	[tilespmem:s17], [sflag:$0x1] =	stream.indirect.gather [spmem:s3], $0x20, s4, s16, $0xb8;
	[tilespmem:$0x10E00] =	vst v63  }
0x25: {  	s25 =	simm.s32 $0x80  }
0x26: {  	[tilespmem:s18], [sflag:$0x2] =	stream.indirect.gather [spmem:s3], $0x20, s25, s16, $0xb8;
	[tilespmem:$0x10E00] =	vst v63  }
0x27: {  	_ =	swait.ge [sflag:s19], $0x1000  }
0x28: {  	[sflag:s19] =	ssyncset.done $0x0  }
0x29: {  	s29 =	simm.s32 $0x2800;
	[sflag:s19] =	ssyncadd.s32 $0xFFFFF000  }
0x2a: {  	[spmem:s2] =	stream.indirect.scatter.add.f32 [tilespmem:s17], [sflag:$0x3], $0x20, s29, s16, $0xb8;
	[tilespmem:$0x10E00] =	vst v63  }
0x2b: {  	_ =	swait.ge [sflag:s11], $0x1000  }
0x2c: {  	[sflag:s11] =	ssyncset.done $0x0  }
0x2d: {  	s30 =	simm.s32 $0x100;
	[sflag:s11] =	ssyncadd.s32 $0xFFFFF000  }
0x2e: {  	[tilespmem:s17], [sflag:$0x1] =	stream.indirect.gather [spmem:s3], $0x20, s30, s16, $0xb8;
	[tilespmem:$0x10E00] =	vst v63  }
0x2f: {  	_ =	swait.ge [sflag:s20], $0x1000  }
0x30: {  	[sflag:s20] =	ssyncset.done $0x0  }
0x31: {  	s31 =	simm.s32 $0x2880;
	[sflag:s20] =	ssyncadd.s32 $0xFFFFF000  }
0x32: {  	[spmem:s2] =	stream.indirect.scatter.add.f32 [tilespmem:s18], [sflag:$0x3], $0x20, s31, s16, $0xb8;
	[tilespmem:$0x10E00] =	vst v63  }
0x33: {  	_ =	swait.ge [sflag:s11], $0x1000  }
0x34: {  	s26 =	simm.s32 $0x800;
	s25 =	simm.s32 $0x100;
	[sflag:s11] =	ssyncset.done $0x0  }
.LBB2_2:
0x35: {  	s28 =	sadd.s32 $0x80, s25  }
0x36: {  	[sflag:s11] =	ssyncadd.s32 $0xFFFFF000;
	s29 =	smov.u32 s26;
	s30 =	sadd.s32 $0x400, s26  }
0x37: {  	[tilespmem:s18], [sflag:$0x2] =	stream.indirect.gather [spmem:s3], $0x20, s28, s16, $0xb8;
	[tilespmem:$0x10E00] =	vst v63  }
0x38: {  	p0 =	sne.s32 s26, $0x9800;
	_ =	swait.ge [sflag:s19], $0x1000  }
0x39: {  	[sflag:s19] =	ssyncset.done $0x0  }
0x3a: {  	s26 =	sadd.s32 $0x2800, s25;
	[sflag:s19] =	ssyncadd.s32 $0xFFFFF000  }
0x3b: {  	[spmem:s2] =	stream.indirect.scatter.add.f32 [tilespmem:s17], [sflag:$0x3], $0x20, s26, s16, $0xb8;
	[tilespmem:$0x10E00] =	vst v63  }
0x3c: {  	_ =	swait.ge [sflag:s11], $0x1000  }
0x3d: {  	[sflag:s11] =	ssyncset.done $0x0  }
0x3e: {  	s26 =	sadd.s32 $0x100, s25;
	[sflag:s11] =	ssyncadd.s32 $0xFFFFF000  }
0x3f: {  	[tilespmem:s17], [sflag:$0x1] =	stream.indirect.gather [spmem:s3], $0x20, s26, s16, $0xb8;
	[tilespmem:$0x10E00] =	vst v63  }
0x40: {  	_ =	swait.ge [sflag:s20], $0x1000  }
.Ltmp0:
0x41: {  	[sflag:s20] =	ssyncset.done $0x0;
	(pc) =	sbr.rel @p0 .LBB2_2-.Ltmp0, $4  }
0x42: {  	s25 =	sadd.s32 $0x2880, s25;
	[sflag:s20] =	ssyncadd.s32 $0xFFFFF000  }
0x43: {  	[spmem:s2] =	stream.indirect.scatter.add.f32 [tilespmem:s18], [sflag:$0x3], $0x20, s25, s16, $0xb8;
	[tilespmem:$0x10E00] =	vst v63  }
0x44: {  	_ =	swait.ge [sflag:s11], $0x1000  }
0x45: {  	s26 =	smov.u32 s30;
	s25 =	sshra.s32 s29, $0x2;
	[sflag:s11] =	ssyncset.done $0x0  }
0x46: {  	s26 =	sadd.s32 $0x80, s25;
	[sflag:s11] =	ssyncadd.s32 $0xFFFFF000  }
0x47: {  	[tilespmem:s18], [sflag:$0x2] =	stream.indirect.gather [spmem:s3], $0x20, s26, s16, $0xb8;
	[tilespmem:$0x10E00] =	vst v63  }
0x48: {  	_ =	swait.ge [sflag:s19], $0x1000  }
0x49: {  	[sflag:s19] =	ssyncset.done $0x0  }
0x4a: {  	s29 =	sadd.s32 $0x2800, s25;
	[sflag:s19] =	ssyncadd.s32 $0xFFFFF000  }
0x4b: {  	[spmem:s2] =	stream.indirect.scatter.add.f32 [tilespmem:s17], [sflag:$0x3], $0x20, s29, s16, $0xb8;
	[tilespmem:$0x10E00] =	vst v63  }
0x4c: {  	_ =	swait.ge [sflag:s11], $0x1000  }
0x4d: {  	[sflag:s11] =	ssyncset.done $0x0  }
0x4e: {  	s30 =	sadd.s32 $0x100, s25;
	[sflag:s11] =	ssyncadd.s32 $0xFFFFF000  }
0x4f: {  	[tilespmem:s17], [sflag:$0x1] =	stream.indirect.gather [spmem:s3], $0x20, s30, s16, $0xb8;
	[tilespmem:$0x10E00] =	vst v63  }
0x50: {  	_ =	swait.ge [sflag:s20], $0x1000  }
0x51: {  	[sflag:s20] =	ssyncset.done $0x0  }
0x52: {  	s31 =	sadd.s32 $0x2880, s25;
	[sflag:s20] =	ssyncadd.s32 $0xFFFFF000  }
0x53: {  	[spmem:s2] =	stream.indirect.scatter.add.f32 [tilespmem:s18], [sflag:$0x3], $0x20, s31, s16, $0xb8;
	[tilespmem:$0x10E00] =	vst v63  }
0x54: {  	_ =	swait.ge [sflag:s11], $0x1000  }
0x55: {  	[sflag:s11] =	ssyncset.done $0x0  }
0x56: {  	[sflag:s11] =	ssyncadd.s32 $0xFFFFF000  }
0x57: {  	[tilespmem:s18], [sflag:$0x2] =	stream.indirect.gather [spmem:s3], $0x20, s21, s16, $0xb8;
	[tilespmem:$0x10E00] =	vst v63  }
0x58: {  	_ =	swait.ge [sflag:s19], $0x1000  }
0x59: {  	[sflag:s19] =	ssyncset.done $0x0  }
0x5a: {  	[sflag:s19] =	ssyncadd.s32 $0xFFFFF000  }
0x5b: {  	[spmem:s2] =	stream.indirect.scatter.add.f32 [tilespmem:s17], [sflag:$0x3], $0x20, s22, s16, $0xb8;
	[tilespmem:$0x10E00] =	vst v63  }
0x5c: {  	_ =	swait.ge [sflag:s11], $0x1000  }
0x5d: {  	[sflag:s11] =	ssyncset.done $0x0  }
0x5e: {  	[sflag:s11] =	ssyncadd.s32 $0xFFFFF000  }
0x5f: {  	_ =	swait.ge [sflag:s20], $0x1000  }
0x60: {  	[sflag:s20] =	ssyncset.done $0x0  }
0x61: {  	[sflag:s20] =	ssyncadd.s32 $0xFFFFF000  }
0x62: {  	[spmem:s2] =	stream.indirect.scatter.add.f32 [tilespmem:s18], [sflag:$0x3], $0x20, s23, s16, $0xb8;
	[tilespmem:$0x10E00] =	vst v63  }
0x63: {  	_ =	swait.ge [sflag:s11], $0x1000  }
0x64: {  	s24 =	sadd.s32 $0x1, s24;
	[sflag:s11] =	ssyncset.done $0x0  }
0x65: {  	p0 =	sne.s32 s24, s10;
	[sflag:s11] =	ssyncadd.s32 $0xFFFFF000  }
.Ltmp1:
0x66: {  	[bflag:$0x0] =	sbarrier.arrive $0xFFFF;
	(pc) =	sbr.rel @p0 .LBB2_1-.Ltmp1, $4  }
0x67: {  	[hbm:s9], [sflag:s13] =	dma.local [spmem:s14], $0x9E0  }
0x68: {  	_ =	swait.ge [sflag:s11], $0x9E0  }
0x69: {  	[sflag:s11] =	ssyncset.done $0x0  }
0x6a: {  	[sflag:s11] =	ssyncadd.s32 $0xFFFFF620  }
0x6b: {  	_ =	sfence.sel $0x180000  }
0x6c: {  	[bflag:$0x0] =	sbarrier.arrive $0xFFFF  }
0x6d: {  	p0 =	sne.s32 s1, $0x0;
	_ =	strace $0x90000050  }
0x6e: {  	s0 =	sadd.s32 @!p0 $0x100000, s0;
	[bflag:$0x2] =	sbarrier.arrive $0xFFFF  }
0x6f: {  	[sflag:s0] =	ssyncadd.tile.s32 @!p0 $0x1;
	_ =	shalt  }
.Lfunc_end2:
_tile_overlayer_lowered:
.L_overlay_start_2:
0x70: {  	(tag) =	ssettag $0x2  }
0x71: {  	s0 =	rddreg [dreg:$0x0];
	s2 =	stileid.u32  }
0x72: {  	s1 =	rddreg [dreg:$0x1];
	p0 =	sne.s32 s2, $0x0  }
0x73: {  	s3 =	rddreg [dreg:$0x2];
	[bflag:$0x3] =	sbarrier.arrive $0xFFFF;
	s2 =	simm.s32 @!p0 $0x1C03  }
0x74: {  	[timem:s3], [sflag:s2] =	dma.local @!p0 [hbm:s0], s1  }
0x75: {  	s0 =	simm.s32 @!p0 $0x3  }
0x76: {  	_ =	swait.ge @!p0 [sflag:s0], s1  }
0x77: {  	s1 =	ssub.s32 @!p0 $0x0, s1;
	[sflag:s0] =	ssyncset.done @!p0 $0x0  }
0x78: {  	[sflag:s0] =	ssyncadd.s32 @!p0 s1  }
0x79: {  	[bflag:$0x3] =	sbarrier.arrive $0xFFFF  }
0x7a: {  	_ =	shalt  }

// kernel: kernel.24.cloned.1.call-start
scs
__scs_entry_jumppad:
0x0: {  	(pc) =	sbr.rel $0x88, $3  }
0x1: {  	(tag) =	ssettag $0x0;
	lr =	simm.s32 $0x1  }
0x2: {  	[smem:$0x3F8F] =	sst lr;
	_ =	strace $0xD0000000  }
0x3: {  	_ = 	snop  }
0x4: {  	_ = 	snop  }
0x5: {  	_ = 	snop  }
0x6: {  	_ = 	snop  }
0x7: {  	_ = 	snop  }
__scs_overlays_trampoline_lowered:
0x8: {  	[smem:$0x3F9E] =	sst s0  }
0x9: {  	[smem:$0x3F9F] =	sst s1  }
0xa: {  	[smem:$0x3FA0] =	sst s2  }
0xb: {  	[smem:$0x3FA1] =	sst s3  }
0xc: {  	[smem:$0x3FA2] =	sst s4  }
0xd: {  	[smem:$0x3FA3] =	sst s5  }
0xe: {  	[smem:$0x3FA4] =	sst s6  }
0xf: {  	[smem:$0x3FA5] =	sst s7  }
0x10: {  	[smem:$0x3FA6] =	sst s8  }
0x11: {  	[smem:$0x3FA7] =	sst s9;
	s0 =	simm.s32 @!p0 $0x0  }
0x12: {  	s1 =	sld [smem:$0x3F8D];
	s0 =	simm.s32 @p0 $0x1  }
0x13: {  	[smem:$0x3FA8] =	sst s0;
	s0 =	simm.s32 @!p1 $0x0  }
0x14: {  	s2 =	sld [smem:$0x3F8C];
	s0 =	simm.s32 @p1 $0x1  }
0x15: {  	[smem:$0x3FA9] =	sst s0;
	s0 =	simm.s32 @!p2 $0x0  }
0x16: {  	s3 =	sld [smem:$0x3FDB];
	s0 =	simm.s32 @p2 $0x1  }
0x17: {  	s4 =	simm.s32 $0x1BF5;
	[smem:$0x3FAB] =	sst s0  }
0x18: {  	s0 =	sld [smem:$0x3F8E];
	_ =	swait.ge [sflag:s4], $0x0  }
0x19: {  	s7 =	sld [smem:$0x3F8F]  }
0x1a: {  	s8 =	sadd.s32 $0xFFFFE003, lr  }
0x1b: {  	s9 =	sadd.s32 $0xFFFFFEF7, lr;
	s5 =	simm.s32 $0xFFFFFFFF;
	p2 =	slt.u32 s8, $0xFFFFF086  }
0x1c: {  	p1 =	slt.u32 s9, $0xF7A;
	s5 =	simm.s32 @!p2 $0x0  }
0x1d: {  	s5 =	simm.s32 @p1 $0x1;
	p0 =	seq.s32 s7, s2  }
0x1e: {  	s7 =	smul.u32 @!p0 $0xF7A, s2;
	p2 =	seq.s32 @!p0 s5, $0x0  }
0x1f: {  	s9 =	smul.u32 $0xF7A, s1;
	s8 =	simm.s32 @!p0 $0x1BF5;
	p2 =	por !p2, p0  }
0x20: {  	[sflag:s8] =	ssyncset.s32 @!p0 $0xFFFFF086;
	s6 =	sadd.s32 @!p0 s3, s7;
	s7 =	simm.s32 @!p0 $0x108  }
0x21: {  	s3 =	sadd.s32 s3, s9;
	s6 =	sadd.s32 @!p0 $0x88, s6;
	s7 =	simm.s32 @p2 $0x1082  }
0x22: {  	[simem:s7], [sflag:s8] =	dma.local @!p0 [hbm:s6], $0xF7A  }
0x23: {  	s9 =	sor.u32 $0xD0000000, s2;
	s6 =	simm.s32 $0x108;
	_ =	swait.ge @!p0 [sflag:s8], $0x0  }
0x24: {  	s3 =	sadd.s32 $0x88, s3;
	s6 =	simm.s32 @!p1 $0x1082;
	[sflag:s4] =	ssyncset.s32 $0xFFFFF086  }
0x25: {  	[simem:s6], [sflag:s4] =	dma.local [hbm:s3], $0xF7A  }
0x26: {  	[smem:$0x3F8F] =	sst s1;
	(tag) =	ssettag s2;
	_ =	strace s9  }
0x27: {  	s1 =	sld [smem:$0x3F9F]  }
0x28: {  	s2 =	sld [smem:$0x3FA0]  }
0x29: {  	s4 =	sld [smem:$0x3FA2]  }
0x2a: {  	p0 =	seq.s32 s5, $0x0;
	s5 =	sld [smem:$0x3FA3]  }
0x2b: {  	s6 =	sld [smem:$0x3FA4]  }
0x2c: {  	s7 =	sld [smem:$0x3FA5]  }
0x2d: {  	s3 =	simm.s32 $0x108;
	s8 =	sld [smem:$0x3FA6]  }
0x2e: {  	s3 =	simm.s32 @!p0 $0x1082;
	s9 =	sld [smem:$0x3FA7]  }
0x2f: {  	lr =	sadd.s32 s0, s3;
	s0 =	sld [smem:$0x3F9E]  }
0x30: {  	s3 =	sld [smem:$0x3FA1]  }
0x31: {  	[smem:$0x3FAA] =	sst s10  }
0x32: {  	s10 =	sld [smem:$0x3FA8];
	_ =	sdelay $0x3  }
0x33: {  	p0 =	seq.s32 s10, $0x1;
	s10 =	sld [smem:$0x3FAA];
	_ =	sdelay $0x3  }
0x34: {  	[smem:$0x3FAA] =	sst s10  }
0x35: {  	s10 =	sld [smem:$0x3FA9];
	_ =	sdelay $0x3  }
0x36: {  	p1 =	seq.s32 s10, $0x1;
	s10 =	sld [smem:$0x3FAA];
	_ =	sdelay $0x3  }
0x37: {  	[smem:$0x3FAA] =	sst s10  }
0x38: {  	s10 =	sld [smem:$0x3FAB]  }
0x39: {  	_ = 	snop;
	(pc) =	sbr.ind lr, $3  }
0x3a: {  	_ = 	snop  }
0x3b: {  	_ = 	snop  }
0x3c: {  	p2 =	seq.s32 s10, $0x1;
	s10 =	sld [smem:$0x3FAA]  }
0x3d: {  	_ =	shalt  }
0x3e: {  	_ =	shalt  }
0x3f: {  	_ =	shalt  }
0x40: {  	_ =	shalt  }
0x41: {  	_ =	shalt  }
0x42: {  	_ =	shalt  }
0x43: {  	_ =	shalt  }
0x44: {  	_ =	shalt  }
0x45: {  	_ =	shalt  }
0x46: {  	_ =	shalt  }
0x47: {  	_ =	shalt  }
0x48: {  	_ =	shalt  }
0x49: {  	_ =	shalt  }
0x4a: {  	_ =	shalt  }
0x4b: {  	_ =	shalt  }
0x4c: {  	_ =	shalt  }
0x4d: {  	_ =	shalt  }
0x4e: {  	_ =	shalt  }
0x4f: {  	_ =	shalt  }
0x50: {  	_ =	shalt  }
0x51: {  	_ =	shalt  }
0x52: {  	_ =	shalt  }
0x53: {  	_ =	shalt  }
0x54: {  	_ =	shalt  }
0x55: {  	_ =	shalt  }
0x56: {  	_ =	shalt  }
0x57: {  	_ =	shalt  }
0x58: {  	_ =	shalt  }
0x59: {  	_ =	shalt  }
0x5a: {  	_ =	shalt  }
0x5b: {  	_ =	shalt  }
0x5c: {  	_ =	shalt  }
0x5d: {  	_ =	shalt  }
0x5e: {  	_ =	shalt  }
0x5f: {  	_ =	shalt  }
0x60: {  	_ =	shalt  }
0x61: {  	_ =	shalt  }
0x62: {  	_ =	shalt  }
0x63: {  	_ =	shalt  }
0x64: {  	_ =	shalt  }
0x65: {  	_ =	shalt  }
0x66: {  	_ =	shalt  }
0x67: {  	_ =	shalt  }
0x68: {  	_ =	shalt  }
0x69: {  	_ =	shalt  }
0x6a: {  	_ =	shalt  }
0x6b: {  	_ =	shalt  }
0x6c: {  	_ =	shalt  }
0x6d: {  	_ =	shalt  }
0x6e: {  	_ =	shalt  }
0x6f: {  	_ =	shalt  }
0x70: {  	_ =	shalt  }
0x71: {  	_ =	shalt  }
0x72: {  	_ =	shalt  }
0x73: {  	_ =	shalt  }
0x74: {  	_ =	shalt  }
0x75: {  	_ =	shalt  }
0x76: {  	_ =	shalt  }
0x77: {  	_ =	shalt  }
0x78: {  	_ =	shalt  }
0x79: {  	_ =	shalt  }
0x7a: {  	_ =	shalt  }
0x7b: {  	_ =	shalt  }
0x7c: {  	_ =	shalt  }
0x7d: {  	_ =	shalt  }
0x7e: {  	_ =	shalt  }
0x7f: {  	_ =	shalt  }
0x80: {  	_ =	shalt  }
0x81: {  	_ =	shalt  }
0x82: {  	_ =	shalt  }
0x83: {  	_ =	shalt  }
0x84: {  	_ =	shalt  }
0x85: {  	_ =	shalt  }
0x86: {  	_ =	shalt  }
0x87: {  	_ =	shalt  }
.Lfunc_end0:
.L_simem_size_0:
called_computation.4_lowered:
.L_overlay_start_0:
0x88: {  	s2 =	sld [smem:$0x3FD9]  }
0x89: {  	s3 =	sld [smem:$0x3FFE];
	_ =	sdelay $0x1  }
0x8a: {  	s1 =	srdreg.scid  }
0x8b: {  	s0 =	sand.u32 $0x1, s1  }
0x8c: {  	s16 =	sshll.u32 s0, $0xA;
	s2 =	sadd.s32 s3, s2  }
0x8d: {  	s2 =	sadd.s32 s2, s16  }
0x8e: {  	[smem:$0x3FB6] =	sst s2  }
0x8f: {  	_ = 	snop  }
0x90: {  	(tm) =	ssettm $0x1  }
0x91: {  	s17 =	sld [smem:$0x3FFB];
	_ =	sdelay $0x3  }
0x92: {  	_ =	strace s17  }
0x93: {  	s2 =	sld [smem:$0x3FFC];
	_ =	sdelay $0x3  }
0x94: {  	_ =	strace s2  }
0x95: {  	s2 =	sld [smem:$0x3FFD];
	_ =	sdelay $0x3  }
0x96: {  	_ =	strace s2  }
0x97: {  	_ =	strace $0x8FFFFFFF  }
0x98: {  	s18 =	sld [smem:$0x3FDB];
	_ =	sdelay $0x1  }
0x99: {  	s19 =	simm.s32 $_scs_section_size  }
0x9a: {  	s4 =	simm.s32 $_size__tile_overlayer_lowered;
	s5 =	simm.s32 $_tile_overlayer_lowered  }
0x9b: {  	s22 =	simm.s32 $0x1BFF;
	s21 =	sshll.u32 s5, $0x1;
	s2 =	sadd.s32 s19, s18  }
0x9c: {  	s6 =	simm.s32 $0x0;
	s20 =	sshll.u32 s4, $0x1;
	s4 =	sadd.s32 s21, s2  }
0x9d: {  	[timem:s6], [sflag:s22] =	dma.local [hbm:s4], s20  }
0x9e: {  	_ =	swait.ge [sflag:s22], s20  }
0x9f: {  	s3 =	ssub.s32 $0x0, s20;
	[sflag:s22] =	ssyncset.done $0x0  }
0xa0: {  	[sflag:s22] =	ssyncadd.s32 s3;
	_ =	sdelay $0x1  }
0xa1: {  	s23 =	simm.s32 $0x1B8B  }
0xa2: {  	_ =	swait.ge [sflag:s23], $0x1  }
0xa3: {  	[sflag:s23] =	ssyncset.done $0x0  }
0xa4: {  	s25 =	simm.s32 $0x1B8E;
	s24 =	sld [smem:$0x3FFE];
	[sflag:s23] =	ssyncadd.s32 $0xFFFFFFFF  }
0xa5: {  	s26 =	simm.s32 $execute0_lowered;
	[smem:$0x3FD2] =	sst s25  }
0xa6: {  	s4 =	sshll.u32 s26, $0x1;
	_ =	strace $0x80000052;
	[dreg:$0x1] =	wrdreg $0xFFFFFFFF  }
0xa7: {  	s28 =	simm.s32 $_size_execute0_lowered;
	s2 =	sadd.s32 s2, s4;
	[dreg:$0x0] =	wrdreg $0x0  }
0xa8: {  	s4 =	sshll.u32 s28, $0x1;
	[dreg:$0x2] =	wrdreg s2  }
0xa9: {  	[dreg:$0x3] =	wrdreg s4  }
0xaa: {  	[dreg:$0x4] =	wrdreg $0xC0  }
0xab: {  	_ =	task [dreg:s6], $0x5FFFF  }
0xac: {  	[dreg:$0x1] =	wrdreg $0xFFFFFFFF  }
0xad: {  	[dreg:$0x0] =	wrdreg $0x60  }
0xae: {  	[dreg:$0x2] =	wrdreg s24  }
0xaf: {  	[dreg:$0x3] =	wrdreg $0x90000  }
0xb0: {  	[dreg:$0x4] =	wrdreg $0x9  }
0xb1: {  	_ =	task.clear_ibuf [dreg:s6], $0x5FFFF;
	_ =	strace $0x90000052  }
0xb2: {  	s29 =	simm.s32 $0x9;
	_ =	strace $0x80000054  }
0xb3: {  	_ =	swait.ge [sflag:s29], $0x1  }
0xb4: {  	[sflag:s29] =	ssyncadd.s32 $0xFFFFFFFF  }
0xb5: {  	_ =	strace $0x90000054  }
0xb6: {  	_ =	sfence  }
0xb7: {  	s30 =	sld [smem:$0x0];
	_ =	sdelay $0x2  }
0xb8: {  	s31 =	sshll.u32 s1, $0xD;
	s1 =	sshrl.u32 s1, $0x2  }
0xb9: {  	s3 =	sand.u32 $0x4000, s31;
	s1 =	sadd.s32 s1, s30  }
0xba: {  	s0 =	sor.u32 s3, s0;
	s1 =	sshll.u32 s1, $0x11  }
0xbb: {  	s0 =	sor.u32 s1, s0  }
0xbc: {  	s0 =	sadd.s32 $0x8F2B, s0  }
0xbd: {  	[sflag:s0] =	ssyncadd.remote.s32 $0x1  }
0xbe: {  	_ =	sfence.sel $0xFFFF  }
0xbf: {  	[dreg:$0x0] =	wrdreg $0xFFFFFFFF;
	(pc) =	sbr.abs _section_cstart, $3  }
0xc0: {  	[dreg:$0x1] =	wrdreg $0xFFFFFFFF  }
0xc1: {  	_ =	task.clear_ibuf [dreg:s6], $0x2FFFF;
	_ =	strace $0x9FFFFFFF  }
0xc2: {  	(tm) =	ssettm $0x7FFFFFFF  }
0xc3: {  	_ =	shalt  }
tec
execute0_lowered:
.L_overlay_start_1:
0x0: {  	(tag) =	ssettag $0x1  }
0x1: {  	s15 =	stileid.u32;
	s1 =	rddreg [dreg:$0x0]  }
0x2: {  	s0 =	srdreg.scid;
	s2 =	rddreg [dreg:$0x1]  }
0x3: {  	s18 =	simm.s32 $0x80;
	s19 =	simm.s32 $0x5000;
	s20 =	simm.s32 $0x7000  }
0x4: {  	s21 =	simm.s32 $0x6000;
	s22 =	simm.s32 $0x8000;
	s23 =	simm.s32 $0x1  }
0x5: {  	s24 =	simm.s32 $0x3;
	s30 =	simm.s32 $0x0;
	s0 =	sand.u32 $0x1, s0  }
0x6: {  	s3 =	sshll.u32 s15, $0x1;
	s6 =	smul.u32 $0x4F00, s15;
	s13 =	sadd.s32 $0x162A00, s1  }
0x7: {  	s14 =	smul.u32 $0x14000, s15;
	s31 =	sshll.u32 s15, $0x6;
	s15 =	simm.s32 $0x2800  }
0x8: {  	s5 =	sor.u32 s0, s3;
	s25 =	ssub.s32 $0x2, s0;
	s0 =	smul.u32 $0xA000, s0  }
0x9: {  	s3 =	simm.s32 $0x0;
	s16 =	sor.u32 $0x1C05, s31;
	s4 =	smul.u32 $0x2800, s5  }
0xa: {  	[smem:$0x7FF] =	sst s3;
	s7 =	sshrl.u32 s6, $0x3;
	s9 =	sshrl.u32 s25, $0x1  }
0xb: {  	s10 =	smul.u32 $0xA000, s5;
	s17 =	sadd.s32 s6, s2;
	s29 =	sadd.s32 s14, s13  }
0xc: {  	_ =	strace $0x80000053;
	s7 =	sadd.s32 s7, s1;
	s9 =	ssub.s32 s25, s9  }
0xd: {  	s17 =	sshrl.u32 s17, $0x3;
	s25 =	simm.s32 $0x2;
	s4 =	sshrl.u32 s4, $0x3  }
0xe: {  	s6 =	sadd.s32 $0x18C00, s7;
	s7 =	smax.u32 s9, $0x1;
	s28 =	sadd.s32 $0x9C00, s10  }
0xf: {  	s11 =	sadd.s32 $0x9E00, s10;
	s8 =	sadd.s32 s4, s1;
	s1 =	sadd.s32 $0x22A00, s1  }
0x10: {  	s10 =	sadd.s32 s13, s11;
	s26 =	sadd.s32 $0x4C00, s8;
	s5 =	sadd.s32 $0xEC00, s8  }
0x11: {  	s8 =	sadd.s32 s13, s28;
	s9 =	sadd.s32 s1, s28;
	s12 =	sadd.s32 s14, s1  }
0x12: {  	s11 =	sadd.s32 s1, s11;
	s13 =	sadd.s32 s0, s29;
	s14 =	simm.s32 $0x5  }
0x13: {  	[dreg:$0x3] =	wrdreg s26;
	s12 =	sadd.s32 s0, s12;
	s26 =	simm.s32 $0x4  }
.LBB2_1:
0x14: {  	s0 =	rddreg [dreg:$0x3]  }
0x15: {  	[tilespmem:s3], [sflag:$0x5] =	stream.linear.gather [hbm4b:s0+s3], $0x2800, $0x38;
	[tilespmem:$0xDF00] =	vst v63  }
0x16: {  	_ =	swait.ge [sflag:s14], $0x2800  }
0x17: {  	[sflag:s14] =	ssyncset.done $0x0  }
0x18: {  	[sflag:s14] =	ssyncadd.s32 $0xFFFFD800  }
0x19: {  	[tilespmem:s15], [sflag:$0x5] =	stream.linear.gather [hbm4b:s5+s3], $0x2800, $0x38;
	[tilespmem:$0xDF00] =	vst v63  }
0x1a: {  	_ =	swait.ge [sflag:s14], $0x2800  }
0x1b: {  	[sflag:s14] =	ssyncset.done $0x0  }
0x1c: {  	[sflag:s14] =	ssyncadd.s32 $0xFFFFD800  }
0x1d: {  	[spmem:s17], [sflag:s16] =	dma.local [hbm:s6], $0x9E0  }
0x1e: {  	_ =	swait.ge [sflag:s14], $0x9E0  }
0x1f: {  	[sflag:s14] =	ssyncset.done $0x0  }
0x20: {  	[sflag:s14] =	ssyncadd.s32 $0xFFFFF620  }
0x21: {  	[bflag:$0x0] =	sbarrier.arrive $0xFFFF  }
0x22: {  	[tilespmem:s19], [sflag:$0x1] =	stream.indirect.gather [spmem:s2], $0x20, s3, s18, $0xb8;
	[tilespmem:$0xDF00] =	vst v63  }
0x23: {  	_ = 	snop  }
0x24: {  	[tilespmem:s20], [sflag:$0x3] =	stream.indirect.gather [spmem:s2], $0x20, s15, s18, $0xb8;
	[tilespmem:$0xDF00] =	vst v63  }
0x25: {  	s4 =	simm.s32 $0x80  }
0x26: {  	[tilespmem:s21], [sflag:$0x2] =	stream.indirect.gather [spmem:s2], $0x20, s4, s18, $0xb8;
	[tilespmem:$0xDF00] =	vst v63  }
0x27: {  	s28 =	simm.s32 $0x2880  }
0x28: {  	[tilespmem:s22], [sflag:$0x4] =	stream.indirect.gather [spmem:s2], $0x20, s28, s18, $0xb8;
	[tilespmem:$0xDF00] =	vst v63  }
0x29: {  	_ =	swait.ge [sflag:s23], $0x1000  }
0x2a: {  	[sflag:s23] =	ssyncset.done $0x0  }
0x2b: {  	s29 =	sadd.s32 $0x0, s13;
	[sflag:s23] =	ssyncadd.s32 $0xFFFFF000  }
0x2c: {  	[hbm4b:s29+s3] =	stream.linear.scatter [tilespmem:s19], [sflag:$0x5], $0x1000, $0x38;
	[tilespmem:$0xDF00] =	vst v63  }
0x2d: {  	_ =	swait.ge [sflag:s14], $0x1000  }
0x2e: {  	[sflag:s14] =	ssyncset.done $0x0  }
0x2f: {  	[sflag:s14] =	ssyncadd.s32 $0xFFFFF000  }
0x30: {  	_ =	swait.ge [sflag:s24], $0x1000  }
0x31: {  	[sflag:s24] =	ssyncset.done $0x0  }
0x32: {  	s1 =	sadd.s32 $0x0, s12;
	[sflag:s24] =	ssyncadd.s32 $0xFFFFF000  }
0x33: {  	[hbm4b:s1+s3] =	stream.linear.scatter [tilespmem:s20], [sflag:$0x5], $0x1000, $0x38;
	[tilespmem:$0xDF00] =	vst v63  }
0x34: {  	_ =	swait.ge [sflag:s14], $0x1000  }
0x35: {  	[sflag:s14] =	ssyncset.done $0x0  }
0x36: {  	s28 =	simm.s32 $0x100;
	[sflag:s14] =	ssyncadd.s32 $0xFFFFF000  }
0x37: {  	[tilespmem:s19], [sflag:$0x1] =	stream.indirect.gather [spmem:s2], $0x20, s28, s18, $0xb8;
	[tilespmem:$0xDF00] =	vst v63  }
0x38: {  	s4 =	simm.s32 $0x2900  }
0x39: {  	[tilespmem:s20], [sflag:$0x3] =	stream.indirect.gather [spmem:s2], $0x20, s4, s18, $0xb8;
	[tilespmem:$0xDF00] =	vst v63  }
0x3a: {  	_ =	swait.ge [sflag:s25], $0x1000  }
0x3b: {  	[sflag:s25] =	ssyncset.done $0x0  }
0x3c: {  	s0 =	sadd.s32 $0x200, s29;
	[sflag:s25] =	ssyncadd.s32 $0xFFFFF000  }
0x3d: {  	[hbm4b:s0+s3] =	stream.linear.scatter [tilespmem:s21], [sflag:$0x5], $0x1000, $0x38;
	[tilespmem:$0xDF00] =	vst v63  }
0x3e: {  	_ =	swait.ge [sflag:s14], $0x1000  }
0x3f: {  	[sflag:s14] =	ssyncset.done $0x0  }
0x40: {  	[sflag:s14] =	ssyncadd.s32 $0xFFFFF000  }
0x41: {  	_ =	swait.ge [sflag:s26], $0x1000  }
0x42: {  	[sflag:s26] =	ssyncset.done $0x0  }
0x43: {  	s29 =	sadd.s32 $0x200, s1;
	[sflag:s26] =	ssyncadd.s32 $0xFFFFF000  }
0x44: {  	[hbm4b:s29+s3] =	stream.linear.scatter [tilespmem:s22], [sflag:$0x5], $0x1000, $0x38;
	[tilespmem:$0xDF00] =	vst v63  }
0x45: {  	s31 =	simm.s32 $0x400;
	_ =	swait.ge [sflag:s14], $0x1000  }
0x46: {  	s1 =	simm.s32 $0x100;
	s0 =	simm.s32 $0x800;
	[sflag:s14] =	ssyncset.done $0x0  }
.LBB2_2:
0x47: {  	s29 =	sadd.s32 $0x80, s1  }
0x48: {  	[sflag:s14] =	ssyncadd.s32 $0xFFFFF000;
	s4 =	smov.u32 s0;
	s28 =	sadd.s32 $0x400, s0  }
0x49: {  	[tilespmem:s21], [sflag:$0x2] =	stream.indirect.gather [spmem:s2], $0x20, s29, s18, $0xb8;
	[tilespmem:$0xDF00] =	vst v63  }
0x4a: {  	p0 =	sne.s32 s0, $0x9800;
	s0 =	sadd.s32 $0x2880, s1  }
0x4b: {  	[tilespmem:s22], [sflag:$0x4] =	stream.indirect.gather [spmem:s2], $0x20, s0, s18, $0xb8;
	[tilespmem:$0xDF00] =	vst v63  }
0x4c: {  	_ =	swait.ge [sflag:s23], $0x1000  }
0x4d: {  	[sflag:s23] =	ssyncset.done $0x0  }
0x4e: {  	s0 =	sadd.s32 s31, s13;
	[sflag:s23] =	ssyncadd.s32 $0xFFFFF000  }
0x4f: {  	[hbm4b:s0+s3] =	stream.linear.scatter [tilespmem:s19], [sflag:$0x5], $0x1000, $0x38;
	[tilespmem:$0xDF00] =	vst v63  }
0x50: {  	_ =	swait.ge [sflag:s14], $0x1000  }
0x51: {  	[sflag:s14] =	ssyncset.done $0x0  }
0x52: {  	[sflag:s14] =	ssyncadd.s32 $0xFFFFF000  }
0x53: {  	_ =	swait.ge [sflag:s24], $0x1000  }
0x54: {  	[sflag:s24] =	ssyncset.done $0x0  }
0x55: {  	s29 =	sadd.s32 s31, s12;
	s31 =	smov.u32 s4;
	[sflag:s24] =	ssyncadd.s32 $0xFFFFF000  }
0x56: {  	[hbm4b:s29+s3] =	stream.linear.scatter [tilespmem:s20], [sflag:$0x5], $0x1000, $0x38;
	[tilespmem:$0xDF00] =	vst v63  }
0x57: {  	_ =	swait.ge [sflag:s14], $0x1000  }
0x58: {  	[sflag:s14] =	ssyncset.done $0x0  }
0x59: {  	s4 =	sadd.s32 $0x100, s1;
	[sflag:s14] =	ssyncadd.s32 $0xFFFFF000  }
0x5a: {  	[tilespmem:s19], [sflag:$0x1] =	stream.indirect.gather [spmem:s2], $0x20, s4, s18, $0xb8;
	[tilespmem:$0xDF00] =	vst v63  }
0x5b: {  	s1 =	sadd.s32 $0x2900, s1  }
0x5c: {  	[tilespmem:s20], [sflag:$0x3] =	stream.indirect.gather [spmem:s2], $0x20, s1, s18, $0xb8;
	[tilespmem:$0xDF00] =	vst v63  }
0x5d: {  	_ =	swait.ge [sflag:s25], $0x1000  }
0x5e: {  	[sflag:s25] =	ssyncset.done $0x0  }
0x5f: {  	s0 =	sadd.s32 $0x200, s0;
	[sflag:s25] =	ssyncadd.s32 $0xFFFFF000  }
0x60: {  	[hbm4b:s0+s3] =	stream.linear.scatter [tilespmem:s21], [sflag:$0x5], $0x1000, $0x38;
	[tilespmem:$0xDF00] =	vst v63  }
0x61: {  	_ =	swait.ge [sflag:s14], $0x1000  }
0x62: {  	[sflag:s14] =	ssyncset.done $0x0  }
0x63: {  	[sflag:s14] =	ssyncadd.s32 $0xFFFFF000  }
0x64: {  	_ =	swait.ge [sflag:s26], $0x1000  }
.Ltmp0:
0x65: {  	[sflag:s26] =	ssyncset.done $0x0;
	(pc) =	sbr.rel @p0 .LBB2_2-.Ltmp0, $4  }
0x66: {  	s0 =	sadd.s32 $0x200, s29;
	[sflag:s26] =	ssyncadd.s32 $0xFFFFF000  }
0x67: {  	[hbm4b:s0+s3] =	stream.linear.scatter [tilespmem:s22], [sflag:$0x5], $0x1000, $0x38;
	[tilespmem:$0xDF00] =	vst v63  }
0x68: {  	_ =	swait.ge [sflag:s14], $0x1000  }
0x69: {  	s1 =	sshra.s32 s31, $0x2;
	s0 =	smov.u32 s28;
	[sflag:s14] =	ssyncset.done $0x0  }
0x6a: {  	s0 =	sadd.s32 $0x80, s1;
	[sflag:s14] =	ssyncadd.s32 $0xFFFFF000  }
0x6b: {  	[tilespmem:s21], [sflag:$0x2] =	stream.indirect.gather [spmem:s2], $0x20, s0, s18, $0xb8;
	[tilespmem:$0xDF00] =	vst v63  }
0x6c: {  	s28 =	sadd.s32 $0x2880, s1  }
0x6d: {  	[tilespmem:s22], [sflag:$0x4] =	stream.indirect.gather [spmem:s2], $0x20, s28, s18, $0xb8;
	[tilespmem:$0xDF00] =	vst v63  }
0x6e: {  	_ =	swait.ge [sflag:s23], $0x1000  }
0x6f: {  	[sflag:s23] =	ssyncset.done $0x0  }
0x70: {  	s29 =	sadd.s32 s31, s13;
	[sflag:s23] =	ssyncadd.s32 $0xFFFFF000  }
0x71: {  	[hbm4b:s29+s3] =	stream.linear.scatter [tilespmem:s19], [sflag:$0x5], $0x1000, $0x38;
	[tilespmem:$0xDF00] =	vst v63  }
0x72: {  	_ =	swait.ge [sflag:s14], $0x1000  }
0x73: {  	[sflag:s14] =	ssyncset.done $0x0  }
0x74: {  	[sflag:s14] =	ssyncadd.s32 $0xFFFFF000  }
0x75: {  	_ =	swait.ge [sflag:s24], $0x1000  }
0x76: {  	[sflag:s24] =	ssyncset.done $0x0  }
0x77: {  	s4 =	sadd.s32 s31, s12;
	[sflag:s24] =	ssyncadd.s32 $0xFFFFF000  }
0x78: {  	[hbm4b:s4+s3] =	stream.linear.scatter [tilespmem:s20], [sflag:$0x5], $0x1000, $0x38;
	[tilespmem:$0xDF00] =	vst v63  }
0x79: {  	_ =	swait.ge [sflag:s14], $0x1000  }
0x7a: {  	[sflag:s14] =	ssyncset.done $0x0  }
0x7b: {  	s28 =	sadd.s32 $0x100, s1;
	[sflag:s14] =	ssyncadd.s32 $0xFFFFF000  }
0x7c: {  	[tilespmem:s19], [sflag:$0x1] =	stream.indirect.gather [spmem:s2], $0x20, s28, s18, $0xb8;
	[tilespmem:$0xDF00] =	vst v63  }
0x7d: {  	s31 =	sadd.s32 $0x2900, s1  }
0x7e: {  	[tilespmem:s20], [sflag:$0x3] =	stream.indirect.gather [spmem:s2], $0x20, s31, s18, $0xb8;
	[tilespmem:$0xDF00] =	vst v63  }
0x7f: {  	_ =	swait.ge [sflag:s25], $0x1000  }
0x80: {  	[sflag:s25] =	ssyncset.done $0x0  }
0x81: {  	s0 =	sadd.s32 $0x200, s29;
	[sflag:s25] =	ssyncadd.s32 $0xFFFFF000  }
0x82: {  	[hbm4b:s0+s3] =	stream.linear.scatter [tilespmem:s21], [sflag:$0x5], $0x1000, $0x38;
	[tilespmem:$0xDF00] =	vst v63  }
0x83: {  	_ =	swait.ge [sflag:s14], $0x1000  }
0x84: {  	[sflag:s14] =	ssyncset.done $0x0  }
0x85: {  	[sflag:s14] =	ssyncadd.s32 $0xFFFFF000  }
0x86: {  	_ =	swait.ge [sflag:s26], $0x1000  }
0x87: {  	[sflag:s26] =	ssyncset.done $0x0  }
0x88: {  	s28 =	sadd.s32 $0x200, s4;
	[sflag:s26] =	ssyncadd.s32 $0xFFFFF000  }
0x89: {  	[hbm4b:s28+s3] =	stream.linear.scatter [tilespmem:s22], [sflag:$0x5], $0x1000, $0x38;
	[tilespmem:$0xDF00] =	vst v63  }
0x8a: {  	_ =	swait.ge [sflag:s14], $0x1000  }
0x8b: {  	[sflag:s14] =	ssyncset.done $0x0  }
0x8c: {  	s29 =	simm.s32 $0x2780;
	[sflag:s14] =	ssyncadd.s32 $0xFFFFF000  }
0x8d: {  	[tilespmem:s21], [sflag:$0x2] =	stream.indirect.gather [spmem:s2], $0x20, s29, s18, $0xb8;
	[tilespmem:$0xDF00] =	vst v63  }
0x8e: {  	s31 =	simm.s32 $0x4F80  }
0x8f: {  	[tilespmem:s22], [sflag:$0x4] =	stream.indirect.gather [spmem:s2], $0x20, s31, s18, $0xb8;
	[tilespmem:$0xDF00] =	vst v63  }
0x90: {  	_ =	swait.ge [sflag:s23], $0x1000  }
0x91: {  	[sflag:s23] =	ssyncset.done $0x0  }
0x92: {  	[sflag:s23] =	ssyncadd.s32 $0xFFFFF000  }
0x93: {  	[hbm4b:s8+s3] =	stream.linear.scatter [tilespmem:s19], [sflag:$0x5], $0x1000, $0x38;
	[tilespmem:$0xDF00] =	vst v63  }
0x94: {  	_ =	swait.ge [sflag:s14], $0x1000  }
0x95: {  	[sflag:s14] =	ssyncset.done $0x0  }
0x96: {  	[sflag:s14] =	ssyncadd.s32 $0xFFFFF000  }
0x97: {  	_ =	swait.ge [sflag:s24], $0x1000  }
0x98: {  	[sflag:s24] =	ssyncset.done $0x0  }
0x99: {  	[sflag:s24] =	ssyncadd.s32 $0xFFFFF000  }
0x9a: {  	[hbm4b:s9+s3] =	stream.linear.scatter [tilespmem:s20], [sflag:$0x5], $0x1000, $0x38;
	[tilespmem:$0xDF00] =	vst v63  }
0x9b: {  	_ =	swait.ge [sflag:s14], $0x1000  }
0x9c: {  	[sflag:s14] =	ssyncset.done $0x0  }
0x9d: {  	[sflag:s14] =	ssyncadd.s32 $0xFFFFF000  }
0x9e: {  	_ =	swait.ge [sflag:s25], $0x1000  }
0x9f: {  	[sflag:s25] =	ssyncset.done $0x0  }
0xa0: {  	[sflag:s25] =	ssyncadd.s32 $0xFFFFF000  }
0xa1: {  	[hbm4b:s10+s3] =	stream.linear.scatter [tilespmem:s21], [sflag:$0x5], $0x1000, $0x38;
	[tilespmem:$0xDF00] =	vst v63  }
0xa2: {  	_ =	swait.ge [sflag:s14], $0x1000  }
0xa3: {  	[sflag:s14] =	ssyncset.done $0x0  }
0xa4: {  	[sflag:s14] =	ssyncadd.s32 $0xFFFFF000  }
0xa5: {  	s30 =	sadd.s32 $0x1, s30;
	_ =	swait.ge [sflag:s26], $0x1000  }
0xa6: {  	p0 =	sne.s32 s30, s7;
	[sflag:s26] =	ssyncset.done $0x0  }
.Ltmp1:
0xa7: {  	[sflag:s26] =	ssyncadd.s32 $0xFFFFF000;
	(pc) =	sbr.rel @p0 .LBB2_1-.Ltmp1, $4  }
0xa8: {  	[hbm4b:s11+s3] =	stream.linear.scatter [tilespmem:s22], [sflag:$0x5], $0x1000, $0x38;
	[tilespmem:$0xDF00] =	vst v63  }
0xa9: {  	_ =	swait.ge [sflag:s14], $0x1000  }
0xaa: {  	[sflag:s14] =	ssyncset.done $0x0  }
0xab: {  	[sflag:s14] =	ssyncadd.s32 $0xFFFFF000  }
0xac: {  	_ =	sfence.sel $0x180000  }
0xad: {  	[bflag:$0x0] =	sbarrier.arrive $0xFFFF  }
0xae: {  	_ =	strace $0x90000053  }
0xaf: {  	s0 =	stileid.u32;
	[bflag:$0x2] =	sbarrier.arrive $0xFFFF  }
0xb0: {  	p0 =	sne.s32 s0, $0x0;
	s0 =	rddreg [dreg:$0x2]  }
0xb1: {  	s0 =	sadd.s32 @!p0 $0x100000, s0  }
0xb2: {  	[sflag:s0] =	ssyncadd.tile.s32 @!p0 $0x1;
	_ =	shalt  }
.Lfunc_end2:
_tile_overlayer_lowered:
.L_overlay_start_2:
0xb3: {  	(tag) =	ssettag $0x2  }
0xb4: {  	s0 =	rddreg [dreg:$0x0];
	s2 =	stileid.u32  }
0xb5: {  	s1 =	rddreg [dreg:$0x1];
	p0 =	sne.s32 s2, $0x0  }
0xb6: {  	s3 =	rddreg [dreg:$0x2];
	[bflag:$0x3] =	sbarrier.arrive $0xFFFF;
	s2 =	simm.s32 @!p0 $0x1C05  }
0xb7: {  	[timem:s3], [sflag:s2] =	dma.local @!p0 [hbm:s0], s1  }
0xb8: {  	s0 =	simm.s32 @!p0 $0x5  }
0xb9: {  	_ =	swait.ge @!p0 [sflag:s0], s1  }
0xba: {  	s1 =	ssub.s32 @!p0 $0x0, s1;
	[sflag:s0] =	ssyncset.done @!p0 $0x0  }
0xbb: {  	[sflag:s0] =	ssyncadd.s32 @!p0 s1  }
0xbc: {  	[bflag:$0x3] =	sbarrier.arrive $0xFFFF  }
0xbd: {  	_ =	shalt  }

</sc_bundles>
